<compile_context>
chip_gen: v7x
topology: tpu7x:2x2x1
jax: 0.10.2.dev20260603
libtpu: 0.0.44.dev20260713+nightly
codegen_flags: <defaults>
</compile_context>

<pallas_src>
import jax
import jax.numpy as jnp
from jax import lax
from jax.experimental import pallas as pl
from jax.experimental.pallas import tpu as pltpu
from jax.experimental.pallas import tpu_sc as plsc

N_NODES = 10000
N_EDGES = 160000
D_IN = 256
D_HID = 512

NC = 2
NT = 16
CHUNK = 64
E_PAD = 163840
N_CROWS = E_PAD // CHUNK
CHUNKS_PER_TILE = N_CROWS // NT
CNT_CHUNKS_PER_TILE = N_CROWS // (NC * NT)
N_ACC = 10112
ROWS_PER_TILE = N_ACC // NT

_mesh = plsc.VectorSubcoreMesh(core_axis_name="c", subcore_axis_name="s")


def _sc_aggregate_body(n_chunks_feat, xr_hbm, src_hbm, dst_hbm, zrow_hbm,
                       out_hbm, cnt_hbm, src0, src1, dst0, dst1, idx0, idx1,
                       rows0, rows1, acc, sg0, sg1, si0, si1):
    c = lax.axis_index("c")
    s = lax.axis_index("s")
    base = s * ROWS_PER_TILE
    nfc = NC * n_chunks_feat
    n = CHUNKS_PER_TILE
    tb = s * n
    srcb, dstb, idxb = (src0, src1), (dst0, dst1), (idx0, idx1)
    rowsb, sib, sgb = (rows0, rows1), (si0, si1), (sg0, sg1)

    def issue_loads(row, par):
        pltpu.async_copy(src_hbm.at[row], srcb[par], sib[par])
        pltpu.async_copy(dst_hbm.at[row], dstb[par], sib[par])

    def wait_loads(par):
        pltpu.make_async_copy(src_hbm.at[0], srcb[par], sib[par]).wait()
        pltpu.make_async_copy(dst_hbm.at[0], dstb[par], sib[par]).wait()

    def compute_idx(par, q):
        for k in range(CHUNK // 16):
            sl = pl.ds(k * 16, 16)
            idxb[par][sl] = srcb[par][sl] * nfc + q

    def wait_gather(par):
        pltpu.make_async_copy(xr_hbm.at[pl.ds(0, CHUNK)], rowsb[par],
                              sgb[par]).wait()

    for p in range(n_chunks_feat):
        q = c * n_chunks_feat + p

        @pl.when(s == 0)
        def _():
            pltpu.sync_copy(zrow_hbm, acc)

        issue_loads(tb, 0)
        issue_loads(tb + 1, 1)
        wait_loads(0)
        compute_idx(0, q)
        pltpu.async_copy(xr_hbm.at[idx0], rows0, sg0)
        plsc.subcore_barrier()

        def pair_body(g, carry):
            j0 = 2 * g
            for t in range(2):
                j = j0 + t
                x, y = t, 1 - t
                wait_loads(y)
                compute_idx(y, q)
                wait_gather(x)
                pltpu.async_copy(xr_hbm.at[idxb[y]], rowsb[y], sgb[y])
                pltpu.sync_copy(rowsb[x], acc.at[dstb[x]], add=True)
                issue_loads(tb + lax.rem(j + 2, n), x)
            return carry

        lax.fori_loop(0, n // 2, pair_body, 0)
        wait_gather(0)
        wait_loads(1)
        plsc.subcore_barrier()
        pltpu.sync_copy(acc.at[pl.ds(base, ROWS_PER_TILE)],
                        out_hbm.at[q, pl.ds(base, ROWS_PER_TILE)])
        plsc.subcore_barrier()

    if cnt_hbm is None:
        return

    @pl.when(s == 0)
    def _():
        pltpu.sync_copy(zrow_hbm, acc)

    def fill_body(i, carry):
        one16 = jnp.full((16,), 1.0, jnp.float32)
        for k in range(128 // 16):
            rows0[i, pl.ds(k * 16, 16)] = one16
        return carry

    lax.fori_loop(0, CHUNK, fill_body, 0)
    n2 = CNT_CHUNKS_PER_TILE
    cb = tb + c * n2

    def cissue(jw, par):
        pltpu.async_copy(dst_hbm.at[cb + jw], dstb[par], sib[par])

    cissue(0, 0)
    cissue(1, 1)
    plsc.subcore_barrier()

    def cnt_pair(g, carry):
        for t in range(2):
            j = 2 * g + t
            pltpu.make_async_copy(dst_hbm.at[cb], dstb[t], sib[t]).wait()
            pltpu.sync_copy(rows0, acc.at[dstb[t]], add=True)
            cissue(lax.rem(j + 2, n2), t)
        return carry

    lax.fori_loop(0, n2 // 2, cnt_pair, 0)
    pltpu.make_async_copy(dst_hbm.at[cb], dst0, si0).wait()
    pltpu.make_async_copy(dst_hbm.at[cb], dst1, si1).wait()
    plsc.subcore_barrier()
    pltpu.sync_copy(acc.at[pl.ds(base, ROWS_PER_TILE)],
                    cnt_hbm.at[c, pl.ds(base, ROWS_PER_TILE)])
    plsc.subcore_barrier()


def _make_sc_aggregate(n_feat_chunks, with_cnt):
    per_core = n_feat_chunks // NC
    out_types = [jax.ShapeDtypeStruct((n_feat_chunks, N_ACC, 128), jnp.float32)]
    if with_cnt:
        out_types.append(jax.ShapeDtypeStruct((NC, N_ACC, 128), jnp.float32))

    scratch = [
        pltpu.VMEM((CHUNK,), jnp.int32),
        pltpu.VMEM((CHUNK,), jnp.int32),
        pltpu.VMEM((CHUNK,), jnp.int32),
        pltpu.VMEM((CHUNK,), jnp.int32),
        pltpu.VMEM((CHUNK,), jnp.int32),
        pltpu.VMEM((CHUNK,), jnp.int32),
        pltpu.VMEM((CHUNK, 128), jnp.float32),
        pltpu.VMEM((CHUNK, 128), jnp.float32),
        pltpu.VMEM_SHARED((N_ACC, 128), jnp.float32),
        pltpu.SemaphoreType.DMA,
        pltpu.SemaphoreType.DMA,
        pltpu.SemaphoreType.DMA,
        pltpu.SemaphoreType.DMA,
    ]

    if with_cnt:
        def body(xr, src, dst, zrow, out, cnt, *scr):
            _sc_aggregate_body(per_core, xr, src, dst, zrow, out, cnt, *scr)
    else:
        def body(xr, src, dst, zrow, out, *scr):
            _sc_aggregate_body(per_core, xr, src, dst, zrow, out, None, *scr)

    return pl.kernel(body, out_type=tuple(out_types), mesh=_mesh,
                     scratch_types=scratch)


def _make_tc_dense(n_feat_chunks, d_in, relu):
    blk = 1000
    grid = (N_NODES // blk,)

    def s3_spec(q):
        return pl.BlockSpec((1, blk, 128), lambda i, q=q: (q, i, 0))

    in_specs = (
        [s3_spec(q) for q in range(n_feat_chunks)]
        + [s3_spec(0), s3_spec(1)]
        + [pl.BlockSpec((blk, d_in), lambda i: (i, 0)),
           pl.BlockSpec((D_HID, d_in), lambda i: (0, 0)),
           pl.BlockSpec((1, D_HID), lambda i: (0, 0)),
           pl.BlockSpec((D_HID, d_in), lambda i: (0, 0))]
    )

    def body(*refs):
        s_refs = refs[:n_feat_chunks]
        c0_ref, c1_ref, x_ref, wl_ref, bl_ref, wr_ref, o_ref = \
            refs[n_feat_chunks:]
        cnt = jnp.maximum(c0_ref[0, :, 0:1] + c1_ref[0, :, 0:1], 1.0)
        recip = 1.0 / cnt
        m = jnp.concatenate([r[0] for r in s_refs], axis=1) * recip
        dn = (((1,), (1,)), ((), ()))
        acc = lax.dot_general(m, wl_ref[...], dn,
                              preferred_element_type=jnp.float32)
        acc = acc + lax.dot_general(x_ref[...], wr_ref[...], dn,
                                    preferred_element_type=jnp.float32)
        acc = acc + bl_ref[...]
        if relu:
            acc = jnp.maximum(acc, 0.0)
        o_ref[...] = acc

    return pl.pallas_call(
        body,
        grid=grid,
        in_specs=in_specs,
        out_specs=pl.BlockSpec((blk, D_HID), lambda i: (i, 0)),
        out_shape=jax.ShapeDtypeStruct((N_NODES, D_HID), jnp.float32),
    )


_sc_agg1 = _make_sc_aggregate(2, with_cnt=True)
_sc_agg2 = _make_sc_aggregate(4, with_cnt=False)
_tc_dense1 = _make_tc_dense(2, D_IN, relu=True)
_tc_dense2 = _make_tc_dense(4, D_HID, relu=False)


def kernel(x, edge_index, Wl1, bl1, Wr1, Wl2, bl2, Wr2):
    src = edge_index[0].astype(jnp.int32)
    dst = edge_index[1].astype(jnp.int32)
    pad = E_PAD - N_EDGES
    src_p = jnp.concatenate([src, jnp.zeros((pad,), jnp.int32)])
    dst_p = jnp.concatenate([dst, jnp.full((pad,), N_NODES, jnp.int32)])
    src2d = src_p.reshape(N_CROWS, CHUNK)
    dst2d = dst_p.reshape(N_CROWS, CHUNK)

    zrow = jnp.zeros((N_ACC, 128), jnp.float32)

    x2 = x.reshape(N_NODES * 2, 128)
    summed1, cnt = _sc_agg1(x2, src2d, dst2d, zrow)
    h = _tc_dense1(summed1, summed1, cnt, cnt, x, Wl1,
                   bl1.reshape(1, D_HID), Wr1)

    h4 = h.reshape(N_NODES * 4, 128)
    (summed2,) = _sc_agg2(h4, src2d, dst2d, zrow)
    out = _tc_dense2(summed2, summed2, summed2, summed2, cnt, cnt, h, Wl2,
                     bl2.reshape(1, D_HID), Wr2)
    return out

# --- scband reference (transcript-rebuilt; emitter-appended) ---
"""Pipeline reference for scband-gnn-25786983645528 (READ-ONLY COPY).

The authoritative reference and input builder live on the scoring server;
editing this copy changes nothing except your own understanding.
"""

import jax, jax.numpy as jnp
import numpy as np

N_NODES = 10000
N_EDGES = 160000
D_IN = 256
D_HID = 512

def setup_inputs(seed: int = 0) -> dict:
    key = jax.random.key(seed)
    ks = jax.random.split(key, 8)
    x = jax.random.normal(ks[0], (N_NODES, D_IN), dtype=jnp.float32)
    edge_index = jax.random.randint(ks[1], (2, N_EDGES), 0, N_NODES, dtype=jnp.int64)
    # SAGEConv layer 1: lin_l (neighbor aggr, with bias), lin_r (root, no bias)
    Wl1 = jax.random.normal(ks[2], (D_HID, D_IN), dtype=jnp.float32) * (1.0 / np.sqrt(D_IN))
    bl1 = jnp.zeros((D_HID,), dtype=jnp.float32)
    Wr1 = jax.random.normal(ks[3], (D_HID, D_IN), dtype=jnp.float32) * (1.0 / np.sqrt(D_IN))
    # SAGEConv layer 2
    Wl2 = jax.random.normal(ks[4], (D_HID, D_HID), dtype=jnp.float32) * (1.0 / np.sqrt(D_HID))
    bl2 = jnp.zeros((D_HID,), dtype=jnp.float32)
    Wr2 = jax.random.normal(ks[5], (D_HID, D_HID), dtype=jnp.float32) * (1.0 / np.sqrt(D_HID))
    return {"x": x, "edge_index": edge_index, "Wl1": Wl1, "bl1": bl1, "Wr1": Wr1, "Wl2": Wl2, "bl2": bl2, "Wr2": Wr2}

def _sage_conv(x, edge_index, Wl, bl, Wr):
    # PyG SAGEConv (aggr='mean', root_weight=True):
    # out = lin_l(mean_{j in N(i)} x_j) + lin_r(x_i)
    src = edge_index[0]
    dst = edge_index[1]
    msgs = jnp.take(x, src, axis=0)
    summed = jax.ops.segment_sum(msgs, dst, num_segments=N_NODES)
    cnt = jax.ops.segment_sum(jnp.ones((msgs.shape[0],), dtype=x.dtype), dst, num_segments=N_NODES)
    mean = summed / jnp.clip(cnt, 1.0)[:, None]
    return mean @ Wl.T + bl + x @ Wr.T

def reference(x, edge_index, Wl1, bl1, Wr1, Wl2, bl2, Wr2):
    h = _sage_conv(x, edge_index, Wl1, bl1, Wr1)
    h = jax.nn.relu(h)
    h = _sage_conv(h, edge_index, Wl2, bl2, Wr2)
    return h

if __name__ == "__main__":
    import jax
    _d = setup_inputs()
    print(jax.jit(kernel)(*tuple(_d.values())))

</pallas_src>

<mosaic_0001>
#map = affine_map<(d0, d1) -> (0, 0)>
#map1 = affine_map<(d0, d1) -> (0, 0, 0)>
module attributes {stable_mosaic.version = 14 : i64} {
  func.func @body(%arg0: i32, %arg1: i32, %arg2: memref<40000x128xf32, #tpu.memory_space<hbm>>, %arg3: memref<2560x64xi32, #tpu.memory_space<hbm>>, %arg4: memref<2560x64xi32, #tpu.memory_space<hbm>>, %arg5: memref<10112x128xf32, #tpu.memory_space<hbm>>, %arg6: memref<4x10112x128xf32, #tpu.memory_space<hbm>>, %arg7: memref<64xi32, #tpu.memory_space<vmem>>, %arg8: memref<64xi32, #tpu.memory_space<vmem>>, %arg9: memref<64xi32, #tpu.memory_space<vmem>>, %arg10: memref<64xi32, #tpu.memory_space<vmem>>, %arg11: memref<64xi32, #tpu.memory_space<vmem>>, %arg12: memref<64xi32, #tpu.memory_space<vmem>>, %arg13: memref<64x128xf32, #tpu.memory_space<vmem>>, %arg14: memref<64x128xf32, #tpu.memory_space<vmem>>, %arg15: memref<10112x128xf32, #tpu.memory_space<vmem_shared>>, %arg16: memref<!tpu.dma_semaphore, #tpu.memory_space<semaphore_mem>>, %arg17: memref<!tpu.dma_semaphore, #tpu.memory_space<semaphore_mem>>, %arg18: memref<!tpu.dma_semaphore, #tpu.memory_space<semaphore_mem>>, %arg19: memref<!tpu.dma_semaphore, #tpu.memory_space<semaphore_mem>>) attributes {dimension_semantics = [#tpu.dimension_semantics<core_parallel>, #tpu.dimension_semantics<subcore_parallel>], iteration_bounds = array<i64: 2, 16>, scalar_prefetch = 0 : i64, scratch_operands = 13 : i64, tpu.core_type = #tpu.core_type<sc_vector_subcore>, window_params = [{transform_indices = #map}, {transform_indices = #map}, {transform_indices = #map}, {transform_indices = #map}, {transform_indices = #map1}]} {
    %mul3A = arith.constant 632 : i32
    %mul3A_0 = arith.muli %arg1, %mul3A : i32
    %mul3A_1 = arith.constant 160 : i32
    %mul3A_2 = arith.muli %arg1, %mul3A_1 : i32
    %mul3A_3 = arith.constant 2 : i32
    %mul3A_4 = arith.muli %arg0, %mul3A_3 : i32
    %add3A = arith.constant 0 : i32
    %add3A_5 = arith.addi %mul3A_4, %add3A : i32
    %eq3A = arith.constant 0 : i32
    %eq3A_6 = arith.cmpi eq, %arg1, %eq3A : i32
    %convert_element_type3A = arith.extui %eq3A_6 : i1 to i32
    %cond3A = arith.constant 0 : i32
    %cond3A_7 = arith.cmpi ne, %convert_element_type3A, %cond3A : i32
    scf.if %cond3A_7 {
      "tpu.region"() ({
        %run_scoped3A = tpu.sem_alloc : memref<!tpu.dma_semaphore, #tpu.memory_space<semaphore_mem>>
        tpu.enqueue_dma source(%arg5 : memref<10112x128xf32, #tpu.memory_space<hbm>>) target(%arg15 : memref<10112x128xf32, #tpu.memory_space<vmem_shared>>) target_semaphore(%run_scoped3A : memref<!tpu.dma_semaphore, #tpu.memory_space<semaphore_mem>>)
        tpu.wait_dma2 semaphore(%run_scoped3A : memref<!tpu.dma_semaphore, #tpu.memory_space<semaphore_mem>>) src(%arg5 : memref<10112x128xf32, #tpu.memory_space<hbm>>) dst(%arg15 : memref<10112x128xf32, #tpu.memory_space<vmem_shared>>)
        tpu.yield
      }) : () -> ()
    } else {
    }
    %dma_start3A = arith.constant 0 : i32
    %dma_start3A_8 = tpu.memref_slice %arg3[%mul3A_2, %dma_start3A] : memref<2560x64xi32, #tpu.memory_space<hbm>> -> memref<1x64xi32, #tpu.memory_space<hbm>>
    %dma_start3A_9 = tpu.memref_squeeze %dma_start3A_8 : memref<1x64xi32, #tpu.memory_space<hbm>> -> memref<64xi32, #tpu.memory_space<hbm>>
    %dma_start3A_10 = arith.constant 0 : i32
    %dma_start3A_11 = tpu.memref_slice %arg3[%mul3A_2, %dma_start3A_10] : memref<2560x64xi32, #tpu.memory_space<hbm>> -> memref<1x64xi32, #tpu.memory_space<hbm>>
    %dma_start3A_12 = tpu.memref_squeeze %dma_start3A_11 : memref<1x64xi32, #tpu.memory_space<hbm>> -> memref<64xi32, #tpu.memory_space<hbm>>
    tpu.enqueue_dma source(%dma_start3A_12 : memref<64xi32, #tpu.memory_space<hbm>>) target(%arg7 : memref<64xi32, #tpu.memory_space<vmem>>) target_semaphore(%arg18 : memref<!tpu.dma_semaphore, #tpu.memory_space<semaphore_mem>>)
    %dma_start3A_13 = arith.constant 0 : i32
    %dma_start3A_14 = tpu.memref_slice %arg4[%mul3A_2, %dma_start3A_13] : memref<2560x64xi32, #tpu.memory_space<hbm>> -> memref<1x64xi32, #tpu.memory_space<hbm>>
    %dma_start3A_15 = tpu.memref_squeeze %dma_start3A_14 : memref<1x64xi32, #tpu.memory_space<hbm>> -> memref<64xi32, #tpu.memory_space<hbm>>
    %dma_start3A_16 = arith.constant 0 : i32
    %dma_start3A_17 = tpu.memref_slice %arg4[%mul3A_2, %dma_start3A_16] : memref<2560x64xi32, #tpu.memory_space<hbm>> -> memref<1x64xi32, #tpu.memory_space<hbm>>
    %dma_start3A_18 = tpu.memref_squeeze %dma_start3A_17 : memref<1x64xi32, #tpu.memory_space<hbm>> -> memref<64xi32, #tpu.memory_space<hbm>>
    tpu.enqueue_dma source(%dma_start3A_18 : memref<64xi32, #tpu.memory_space<hbm>>) target(%arg9 : memref<64xi32, #tpu.memory_space<vmem>>) target_semaphore(%arg18 : memref<!tpu.dma_semaphore, #tpu.memory_space<semaphore_mem>>)
    %add3A_19 = arith.constant 1 : i32
    %add3A_20 = arith.addi %mul3A_2, %add3A_19 : i32
    %dma_start3A_21 = arith.constant 0 : i32
    %dma_start3A_22 = tpu.memref_slice %arg3[%add3A_20, %dma_start3A_21] : memref<2560x64xi32, #tpu.memory_space<hbm>> -> memref<1x64xi32, #tpu.memory_space<hbm>>
    %dma_start3A_23 = tpu.memref_squeeze %dma_start3A_22 : memref<1x64xi32, #tpu.memory_space<hbm>> -> memref<64xi32, #tpu.memory_space<hbm>>
    %dma_start3A_24 = arith.constant 0 : i32
    %dma_start3A_25 = tpu.memref_slice %arg3[%add3A_20, %dma_start3A_24] : memref<2560x64xi32, #tpu.memory_space<hbm>> -> memref<1x64xi32, #tpu.memory_space<hbm>>
    %dma_start3A_26 = tpu.memref_squeeze %dma_start3A_25 : memref<1x64xi32, #tpu.memory_space<hbm>> -> memref<64xi32, #tpu.memory_space<hbm>>
    tpu.enqueue_dma source(%dma_start3A_26 : memref<64xi32, #tpu.memory_space<hbm>>) target(%arg8 : memref<64xi32, #tpu.memory_space<vmem>>) target_semaphore(%arg19 : memref<!tpu.dma_semaphore, #tpu.memory_space<semaphore_mem>>)
    %dma_start3A_27 = arith.constant 0 : i32
    %dma_start3A_28 = tpu.memref_slice %arg4[%add3A_20, %dma_start3A_27] : memref<2560x64xi32, #tpu.memory_space<hbm>> -> memref<1x64xi32, #tpu.memory_space<hbm>>
    %dma_start3A_29 = tpu.memref_squeeze %dma_start3A_28 : memref<1x64xi32, #tpu.memory_space<hbm>> -> memref<64xi32, #tpu.memory_space<hbm>>
    %dma_start3A_30 = arith.constant 0 : i32
    %dma_start3A_31 = tpu.memref_slice %arg4[%add3A_20, %dma_start3A_30] : memref<2560x64xi32, #tpu.memory_space<hbm>> -> memref<1x64xi32, #tpu.memory_space<hbm>>
    %dma_start3A_32 = tpu.memref_squeeze %dma_start3A_31 : memref<1x64xi32, #tpu.memory_space<hbm>> -> memref<64xi32, #tpu.memory_space<hbm>>
    tpu.enqueue_dma source(%dma_start3A_32 : memref<64xi32, #tpu.memory_space<hbm>>) target(%arg10 : memref<64xi32, #tpu.memory_space<vmem>>) target_semaphore(%arg19 : memref<!tpu.dma_semaphore, #tpu.memory_space<semaphore_mem>>)
    %dma_wait3A = arith.constant 0 : i32
    %dma_wait3A_33 = arith.constant 0 : i32
    %dma_wait3A_34 = tpu.memref_slice %arg3[%dma_wait3A, %dma_wait3A_33] : memref<2560x64xi32, #tpu.memory_space<hbm>> -> memref<1x64xi32, #tpu.memory_space<hbm>>
    %dma_wait3A_35 = tpu.memref_squeeze %dma_wait3A_34 : memref<1x64xi32, #tpu.memory_space<hbm>> -> memref<64xi32, #tpu.memory_space<hbm>>
    %dma_wait3A_36 = arith.constant 0 : i32
    %dma_wait3A_37 = tpu.memref_slice %arg3[%dma_wait3A, %dma_wait3A_36] : memref<2560x64xi32, #tpu.memory_space<hbm>> -> memref<1x64xi32, #tpu.memory_space<hbm>>
    %dma_wait3A_38 = tpu.memref_squeeze %dma_wait3A_37 : memref<1x64xi32, #tpu.memory_space<hbm>> -> memref<64xi32, #tpu.memory_space<hbm>>
    tpu.wait_dma2 semaphore(%arg18 : memref<!tpu.dma_semaphore, #tpu.memory_space<semaphore_mem>>) src(%dma_wait3A_38 : memref<64xi32, #tpu.memory_space<hbm>>) dst(%arg7 : memref<64xi32, #tpu.memory_space<vmem>>)
    %dma_wait3A_39 = arith.constant 0 : i32
    %dma_wait3A_40 = arith.constant 0 : i32
    %dma_wait3A_41 = tpu.memref_slice %arg4[%dma_wait3A_39, %dma_wait3A_40] : memref<2560x64xi32, #tpu.memory_space<hbm>> -> memref<1x64xi32, #tpu.memory_space<hbm>>
    %dma_wait3A_42 = tpu.memref_squeeze %dma_wait3A_41 : memref<1x64xi32, #tpu.memory_space<hbm>> -> memref<64xi32, #tpu.memory_space<hbm>>
    %dma_wait3A_43 = arith.constant 0 : i32
    %dma_wait3A_44 = tpu.memref_slice %arg4[%dma_wait3A_39, %dma_wait3A_43] : memref<2560x64xi32, #tpu.memory_space<hbm>> -> memref<1x64xi32, #tpu.memory_space<hbm>>
    %dma_wait3A_45 = tpu.memref_squeeze %dma_wait3A_44 : memref<1x64xi32, #tpu.memory_space<hbm>> -> memref<64xi32, #tpu.memory_space<hbm>>
    tpu.wait_dma2 semaphore(%arg18 : memref<!tpu.dma_semaphore, #tpu.memory_space<semaphore_mem>>) src(%dma_wait3A_45 : memref<64xi32, #tpu.memory_space<hbm>>) dst(%arg9 : memref<64xi32, #tpu.memory_space<vmem>>)
    %get3A = arith.constant 0 : index
    %get3A_46 = tpu.vector_load %arg7[%get3A] {strides = array<i32>} : memref<64xi32, #tpu.memory_space<vmem>>, vector<16xi32>,
    %get3A_47 = vector.shape_cast %get3A_46 : vector<16xi32> to vector<16xi32>
    %mul3A_48 = arith.constant 4 : i32
    %mul3A_49 = vector.broadcast %mul3A_48 : i32 to vector<16xi32>
    %mul3A_50 = arith.muli %get3A_47, %mul3A_49 : vector<16xi32>
    %add3A_51 = vector.broadcast %add3A_5 : i32 to vector<16xi32>
    %add3A_52 = arith.addi %mul3A_50, %add3A_51 : vector<16xi32>
    %swap3A = arith.constant 0 : index
    %swap3A_53 = tpu.vector_load %arg11[%swap3A] {strides = array<i32>} : memref<64xi32, #tpu.memory_space<vmem>>, vector<16xi32>,
    %swap3A_54 = vector.shape_cast %swap3A_53 : vector<16xi32> to vector<16xi32>
    %swap3A_55 = vector.shape_cast %add3A_52 : vector<16xi32> to vector<16xi32>
    tpu.vector_store %arg11[%swap3A], %swap3A_55 {strides = array<i32>} : memref<64xi32, #tpu.memory_space<vmem>>, vector<16xi32>,
    %get3A_56 = arith.constant 16 : index
    %get3A_57 = tpu.vector_load %arg7[%get3A_56] {strides = array<i32>} : memref<64xi32, #tpu.memory_space<vmem>>, vector<16xi32>,
    %get3A_58 = vector.shape_cast %get3A_57 : vector<16xi32> to vector<16xi32>
    %mul3A_59 = arith.constant 4 : i32
    %mul3A_60 = vector.broadcast %mul3A_59 : i32 to vector<16xi32>
    %mul3A_61 = arith.muli %get3A_58, %mul3A_60 : vector<16xi32>
    %add3A_62 = vector.broadcast %add3A_5 : i32 to vector<16xi32>
    %add3A_63 = arith.addi %mul3A_61, %add3A_62 : vector<16xi32>
    %swap3A_64 = arith.constant 16 : index
    %swap3A_65 = tpu.vector_load %arg11[%swap3A_64] {strides = array<i32>} : memref<64xi32, #tpu.memory_space<vmem>>, vector<16xi32>,
    %swap3A_66 = vector.shape_cast %swap3A_65 : vector<16xi32> to vector<16xi32>
    %swap3A_67 = vector.shape_cast %add3A_63 : vector<16xi32> to vector<16xi32>
    tpu.vector_store %arg11[%swap3A_64], %swap3A_67 {strides = array<i32>} : memref<64xi32, #tpu.memory_space<vmem>>, vector<16xi32>,
    %get3A_68 = arith.constant 32 : index
    %get3A_69 = tpu.vector_load %arg7[%get3A_68] {strides = array<i32>} : memref<64xi32, #tpu.memory_space<vmem>>, vector<16xi32>,
    %get3A_70 = vector.shape_cast %get3A_69 : vector<16xi32> to vector<16xi32>
    %mul3A_71 = arith.constant 4 : i32
    %mul3A_72 = vector.broadcast %mul3A_71 : i32 to vector<16xi32>
    %mul3A_73 = arith.muli %get3A_70, %mul3A_72 : vector<16xi32>
    %add3A_74 = vector.broadcast %add3A_5 : i32 to vector<16xi32>
    %add3A_75 = arith.addi %mul3A_73, %add3A_74 : vector<16xi32>
    %swap3A_76 = arith.constant 32 : index
    %swap3A_77 = tpu.vector_load %arg11[%swap3A_76] {strides = array<i32>} : memref<64xi32, #tpu.memory_space<vmem>>, vector<16xi32>,
    %swap3A_78 = vector.shape_cast %swap3A_77 : vector<16xi32> to vector<16xi32>
    %swap3A_79 = vector.shape_cast %add3A_75 : vector<16xi32> to vector<16xi32>
    tpu.vector_store %arg11[%swap3A_76], %swap3A_79 {strides = array<i32>} : memref<64xi32, #tpu.memory_space<vmem>>, vector<16xi32>,
    %get3A_80 = arith.constant 48 : index
    %get3A_81 = tpu.vector_load %arg7[%get3A_80] {strides = array<i32>} : memref<64xi32, #tpu.memory_space<vmem>>, vector<16xi32>,
    %get3A_82 = vector.shape_cast %get3A_81 : vector<16xi32> to vector<16xi32>
    %mul3A_83 = arith.constant 4 : i32
    %mul3A_84 = vector.broadcast %mul3A_83 : i32 to vector<16xi32>
    %mul3A_85 = arith.muli %get3A_82, %mul3A_84 : vector<16xi32>
    %add3A_86 = vector.broadcast %add3A_5 : i32 to vector<16xi32>
    %add3A_87 = arith.addi %mul3A_85, %add3A_86 : vector<16xi32>
    %swap3A_88 = arith.constant 48 : index
    %swap3A_89 = tpu.vector_load %arg11[%swap3A_88] {strides = array<i32>} : memref<64xi32, #tpu.memory_space<vmem>>, vector<16xi32>,
    %swap3A_90 = vector.shape_cast %swap3A_89 : vector<16xi32> to vector<16xi32>
    %swap3A_91 = vector.shape_cast %add3A_87 : vector<16xi32> to vector<16xi32>
    tpu.vector_store %arg11[%swap3A_88], %swap3A_91 {strides = array<i32>} : memref<64xi32, #tpu.memory_space<vmem>>, vector<16xi32>,
    %dma_start3A_92 = arith.constant 0 : i32
    %dma_start3A_93 = arith.constant 0 : i32
    %dma_start3A_94 = tpu.memref_slice %arg2[%dma_start3A_92, %dma_start3A_93] : memref<40000x128xf32, #tpu.memory_space<hbm>> -> memref<40000x128xf32, #tpu.memory_space<hbm>>
    tpu.enqueue_indirect_dma source(%dma_start3A_94 : memref<40000x128xf32, #tpu.memory_space<hbm>>) target(%arg13 : memref<64x128xf32, #tpu.memory_space<vmem>>) offsets(%arg11 : memref<64xi32, #tpu.memory_space<vmem>>) semaphore(%arg16 : memref<!tpu.dma_semaphore, #tpu.memory_space<semaphore_mem>>)
    %barrier3A = arith.constant 0 : index
    tpu.barrier barrier_id(%barrier3A)
    %scan3A = arith.constant 0 : i32
    %scan3A_95 = arith.constant 0 : i32
    %scan3A_96 = arith.constant 80 : i32
    %scan3A_97 = arith.addi %scan3A_95, %scan3A_96 : i32
    %scan3A_98 = arith.constant 1 : i32
    scf.for %scan3A_251 = %scan3A_95 to %scan3A_97 step %scan3A_98  : i32 {
      %mul3A_252 = arith.constant 2 : i32
      %mul3A_253 = arith.muli %mul3A_252, %scan3A_251 : i32
      %add3A_254 = arith.constant 0 : i32
      %add3A_255 = arith.addi %mul3A_253, %add3A_254 : i32
      %dma_wait3A_256 = arith.constant 0 : i32
      %dma_wait3A_257 = arith.constant 0 : i32
      %dma_wait3A_258 = tpu.memref_slice %arg3[%dma_wait3A_256, %dma_wait3A_257] : memref<2560x64xi32, #tpu.memory_space<hbm>> -> memref<1x64xi32, #tpu.memory_space<hbm>>
      %dma_wait3A_259 = tpu.memref_squeeze %dma_wait3A_258 : memref<1x64xi32, #tpu.memory_space<hbm>> -> memref<64xi32, #tpu.memory_space<hbm>>
      %dma_wait3A_260 = arith.constant 0 : i32
      %dma_wait3A_261 = tpu.memref_slice %arg3[%dma_wait3A_256, %dma_wait3A_260] : memref<2560x64xi32, #tpu.memory_space<hbm>> -> memref<1x64xi32, #tpu.memory_space<hbm>>
      %dma_wait3A_262 = tpu.memref_squeeze %dma_wait3A_261 : memref<1x64xi32, #tpu.memory_space<hbm>> -> memref<64xi32, #tpu.memory_space<hbm>>
      tpu.wait_dma2 semaphore(%arg19 : memref<!tpu.dma_semaphore, #tpu.memory_space<semaphore_mem>>) src(%dma_wait3A_262 : memref<64xi32, #tpu.memory_space<hbm>>) dst(%arg8 : memref<64xi32, #tpu.memory_space<vmem>>)
      %dma_wait3A_263 = arith.constant 0 : i32
      %dma_wait3A_264 = arith.constant 0 : i32
      %dma_wait3A_265 = tpu.memref_slice %arg4[%dma_wait3A_263, %dma_wait3A_264] : memref<2560x64xi32, #tpu.memory_space<hbm>> -> memref<1x64xi32, #tpu.memory_space<hbm>>
      %dma_wait3A_266 = tpu.memref_squeeze %dma_wait3A_265 : memref<1x64xi32, #tpu.memory_space<hbm>> -> memref<64xi32, #tpu.memory_space<hbm>>
      %dma_wait3A_267 = arith.constant 0 : i32
      %dma_wait3A_268 = tpu.memref_slice %arg4[%dma_wait3A_263, %dma_wait3A_267] : memref<2560x64xi32, #tpu.memory_space<hbm>> -> memref<1x64xi32, #tpu.memory_space<hbm>>
      %dma_wait3A_269 = tpu.memref_squeeze %dma_wait3A_268 : memref<1x64xi32, #tpu.memory_space<hbm>> -> memref<64xi32, #tpu.memory_space<hbm>>
      tpu.wait_dma2 semaphore(%arg19 : memref<!tpu.dma_semaphore, #tpu.memory_space<semaphore_mem>>) src(%dma_wait3A_269 : memref<64xi32, #tpu.memory_space<hbm>>) dst(%arg10 : memref<64xi32, #tpu.memory_space<vmem>>)
      %get3A_270 = arith.constant 0 : index
      %get3A_271 = tpu.vector_load %arg8[%get3A_270] {strides = array<i32>} : memref<64xi32, #tpu.memory_space<vmem>>, vector<16xi32>,
      %get3A_272 = vector.shape_cast %get3A_271 : vector<16xi32> to vector<16xi32>
      %mul3A_273 = arith.constant 4 : i32
      %mul3A_274 = vector.broadcast %mul3A_273 : i32 to vector<16xi32>
      %mul3A_275 = arith.muli %get3A_272, %mul3A_274 : vector<16xi32>
      %add3A_276 = vector.broadcast %add3A_5 : i32 to vector<16xi32>
      %add3A_277 = arith.addi %mul3A_275, %add3A_276 : vector<16xi32>
      %swap3A_278 = arith.constant 0 : index
      %swap3A_279 = tpu.vector_load %arg12[%swap3A_278] {strides = array<i32>} : memref<64xi32, #tpu.memory_space<vmem>>, vector<16xi32>,
      %swap3A_280 = vector.shape_cast %swap3A_279 : vector<16xi32> to vector<16xi32>
      %swap3A_281 = vector.shape_cast %add3A_277 : vector<16xi32> to vector<16xi32>
      tpu.vector_store %arg12[%swap3A_278], %swap3A_281 {strides = array<i32>} : memref<64xi32, #tpu.memory_space<vmem>>, vector<16xi32>,
      %get3A_282 = arith.constant 16 : index
      %get3A_283 = tpu.vector_load %arg8[%get3A_282] {strides = array<i32>} : memref<64xi32, #tpu.memory_space<vmem>>, vector<16xi32>,
      %get3A_284 = vector.shape_cast %get3A_283 : vector<16xi32> to vector<16xi32>
      %mul3A_285 = arith.constant 4 : i32
      %mul3A_286 = vector.broadcast %mul3A_285 : i32 to vector<16xi32>
      %mul3A_287 = arith.muli %get3A_284, %mul3A_286 : vector<16xi32>
      %add3A_288 = vector.broadcast %add3A_5 : i32 to vector<16xi32>
      %add3A_289 = arith.addi %mul3A_287, %add3A_288 : vector<16xi32>
      %swap3A_290 = arith.constant 16 : index
      %swap3A_291 = tpu.vector_load %arg12[%swap3A_290] {strides = array<i32>} : memref<64xi32, #tpu.memory_space<vmem>>, vector<16xi32>,
      %swap3A_292 = vector.shape_cast %swap3A_291 : vector<16xi32> to vector<16xi32>
      %swap3A_293 = vector.shape_cast %add3A_289 : vector<16xi32> to vector<16xi32>
      tpu.vector_store %arg12[%swap3A_290], %swap3A_293 {strides = array<i32>} : memref<64xi32, #tpu.memory_space<vmem>>, vector<16xi32>,
      %get3A_294 = arith.constant 32 : index
      %get3A_295 = tpu.vector_load %arg8[%get3A_294] {strides = array<i32>} : memref<64xi32, #tpu.memory_space<vmem>>, vector<16xi32>,
      %get3A_296 = vector.shape_cast %get3A_295 : vector<16xi32> to vector<16xi32>
      %mul3A_297 = arith.constant 4 : i32
      %mul3A_298 = vector.broadcast %mul3A_297 : i32 to vector<16xi32>
      %mul3A_299 = arith.muli %get3A_296, %mul3A_298 : vector<16xi32>
      %add3A_300 = vector.broadcast %add3A_5 : i32 to vector<16xi32>
      %add3A_301 = arith.addi %mul3A_299, %add3A_300 : vector<16xi32>
      %swap3A_302 = arith.constant 32 : index
      %swap3A_303 = tpu.vector_load %arg12[%swap3A_302] {strides = array<i32>} : memref<64xi32, #tpu.memory_space<vmem>>, vector<16xi32>,
      %swap3A_304 = vector.shape_cast %swap3A_303 : vector<16xi32> to vector<16xi32>
      %swap3A_305 = vector.shape_cast %add3A_301 : vector<16xi32> to vector<16xi32>
      tpu.vector_store %arg12[%swap3A_302], %swap3A_305 {strides = array<i32>} : memref<64xi32, #tpu.memory_space<vmem>>, vector<16xi32>,
      %get3A_306 = arith.constant 48 : index
      %get3A_307 = tpu.vector_load %arg8[%get3A_306] {strides = array<i32>} : memref<64xi32, #tpu.memory_space<vmem>>, vector<16xi32>,
      %get3A_308 = vector.shape_cast %get3A_307 : vector<16xi32> to vector<16xi32>
      %mul3A_309 = arith.constant 4 : i32
      %mul3A_310 = vector.broadcast %mul3A_309 : i32 to vector<16xi32>
      %mul3A_311 = arith.muli %get3A_308, %mul3A_310 : vector<16xi32>
      %add3A_312 = vector.broadcast %add3A_5 : i32 to vector<16xi32>
      %add3A_313 = arith.addi %mul3A_311, %add3A_312 : vector<16xi32>
      %swap3A_314 = arith.constant 48 : index
      %swap3A_315 = tpu.vector_load %arg12[%swap3A_314] {strides = array<i32>} : memref<64xi32, #tpu.memory_space<vmem>>, vector<16xi32>,
      %swap3A_316 = vector.shape_cast %swap3A_315 : vector<16xi32> to vector<16xi32>
      %swap3A_317 = vector.shape_cast %add3A_313 : vector<16xi32> to vector<16xi32>
      tpu.vector_store %arg12[%swap3A_314], %swap3A_317 {strides = array<i32>} : memref<64xi32, #tpu.memory_space<vmem>>, vector<16xi32>,
      %dma_wait3A_318 = arith.constant 0 : i32
      %dma_wait3A_319 = arith.constant 0 : i32
      %dma_wait3A_320 = tpu.memref_slice %arg2[%dma_wait3A_318, %dma_wait3A_319] : memref<40000x128xf32, #tpu.memory_space<hbm>> -> memref<64x128xf32, #tpu.memory_space<hbm>>
      %dma_wait3A_321 = arith.constant 0 : i32
      %dma_wait3A_322 = arith.constant 0 : i32
      %dma_wait3A_323 = tpu.memref_slice %arg2[%dma_wait3A_321, %dma_wait3A_322] : memref<40000x128xf32, #tpu.memory_space<hbm>> -> memref<64x128xf32, #tpu.memory_space<hbm>>
      tpu.wait_dma2 semaphore(%arg16 : memref<!tpu.dma_semaphore, #tpu.memory_space<semaphore_mem>>) src(%dma_wait3A_323 : memref<64x128xf32, #tpu.memory_space<hbm>>) dst(%arg13 : memref<64x128xf32, #tpu.memory_space<vmem>>)
      %dma_start3A_324 = arith.constant 0 : i32
      %dma_start3A_325 = arith.constant 0 : i32
      %dma_start3A_326 = tpu.memref_slice %arg2[%dma_start3A_324, %dma_start3A_325] : memref<40000x128xf32, #tpu.memory_space<hbm>> -> memref<40000x128xf32, #tpu.memory_space<hbm>>
      tpu.enqueue_indirect_dma source(%dma_start3A_326 : memref<40000x128xf32, #tpu.memory_space<hbm>>) target(%arg14 : memref<64x128xf32, #tpu.memory_space<vmem>>) offsets(%arg12 : memref<64xi32, #tpu.memory_space<vmem>>) semaphore(%arg17 : memref<!tpu.dma_semaphore, #tpu.memory_space<semaphore_mem>>)
      "tpu.region"() ({
        %run_scoped3A = tpu.sem_alloc : memref<!tpu.dma_semaphore, #tpu.memory_space<semaphore_mem>>
        %dma_start3A_433 = arith.constant 0 : i32
        %dma_start3A_434 = arith.constant 0 : i32
        %dma_start3A_435 = tpu.memref_slice %arg15[%dma_start3A_433, %dma_start3A_434] : memref<10112x128xf32, #tpu.memory_space<vmem_shared>> -> memref<10112x128xf32, #tpu.memory_space<vmem_shared>>
        tpu.enqueue_indirect_dma source(%arg13 : memref<64x128xf32, #tpu.memory_space<vmem>>) target(%dma_start3A_435 : memref<10112x128xf32, #tpu.memory_space<vmem_shared>>) offsets(%arg9 : memref<64xi32, #tpu.memory_space<vmem>>) semaphore(%run_scoped3A : memref<!tpu.dma_semaphore, #tpu.memory_space<semaphore_mem>>) {add = true}
        %dma_wait3A_436 = arith.constant 0 : i32
        %dma_wait3A_437 = arith.constant 0 : i32
        %dma_wait3A_438 = tpu.memref_slice %arg15[%dma_wait3A_436, %dma_wait3A_437] : memref<10112x128xf32, #tpu.memory_space<vmem_shared>> -> memref<10112x128xf32, #tpu.memory_space<vmem_shared>>
        tpu.wait_indirect_dma semaphore(%run_scoped3A : memref<!tpu.dma_semaphore, #tpu.memory_space<semaphore_mem>>) src(%arg13 : memref<64x128xf32, #tpu.memory_space<vmem>>) dst(%dma_wait3A_438 : memref<10112x128xf32, #tpu.memory_space<vmem_shared>>)
        tpu.yield
      }) : () -> ()
      %add3A_327 = arith.constant 2 : i32
      %add3A_328 = arith.addi %add3A_255, %add3A_327 : i32
      %rem3A = arith.constant 160 : i32
      %rem3A_329 = arith.remsi %add3A_328, %rem3A : i32
      %add3A_330 = arith.addi %mul3A_2, %rem3A_329 : i32
      %dma_start3A_331 = arith.constant 0 : i32
      %dma_start3A_332 = tpu.memref_slice %arg3[%add3A_330, %dma_start3A_331] : memref<2560x64xi32, #tpu.memory_space<hbm>> -> memref<1x64xi32, #tpu.memory_space<hbm>>
      %dma_start3A_333 = tpu.memref_squeeze %dma_start3A_332 : memref<1x64xi32, #tpu.memory_space<hbm>> -> memref<64xi32, #tpu.memory_space<hbm>>
      %dma_start3A_334 = arith.constant 0 : i32
      %dma_start3A_335 = tpu.memref_slice %arg3[%add3A_330, %dma_start3A_334] : memref<2560x64xi32, #tpu.memory_space<hbm>> -> memref<1x64xi32, #tpu.memory_space<hbm>>
      %dma_start3A_336 = tpu.memref_squeeze %dma_start3A_335 : memref<1x64xi32, #tpu.memory_space<hbm>> -> memref<64xi32, #tpu.memory_space<hbm>>
      tpu.enqueue_dma source(%dma_start3A_336 : memref<64xi32, #tpu.memory_space<hbm>>) target(%arg7 : memref<64xi32, #tpu.memory_space<vmem>>) target_semaphore(%arg18 : memref<!tpu.dma_semaphore, #tpu.memory_space<semaphore_mem>>)
      %dma_start3A_337 = arith.constant 0 : i32
      %dma_start3A_338 = tpu.memref_slice %arg4[%add3A_330, %dma_start3A_337] : memref<2560x64xi32, #tpu.memory_space<hbm>> -> memref<1x64xi32, #tpu.memory_space<hbm>>
      %dma_start3A_339 = tpu.memref_squeeze %dma_start3A_338 : memref<1x64xi32, #tpu.memory_space<hbm>> -> memref<64xi32, #tpu.memory_space<hbm>>
      %dma_start3A_340 = arith.constant 0 : i32
      %dma_start3A_341 = tpu.memref_slice %arg4[%add3A_330, %dma_start3A_340] : memref<2560x64xi32, #tpu.memory_space<hbm>> -> memref<1x64xi32, #tpu.memory_space<hbm>>
      %dma_start3A_342 = tpu.memref_squeeze %dma_start3A_341 : memref<1x64xi32, #tpu.memory_space<hbm>> -> memref<64xi32, #tpu.memory_space<hbm>>
      tpu.enqueue_dma source(%dma_start3A_342 : memref<64xi32, #tpu.memory_space<hbm>>) target(%arg9 : memref<64xi32, #tpu.memory_space<vmem>>) target_semaphore(%arg18 : memref<!tpu.dma_semaphore, #tpu.memory_space<semaphore_mem>>)
      %add3A_343 = arith.constant 1 : i32
      %add3A_344 = arith.addi %mul3A_253, %add3A_343 : i32
      %dma_wait3A_345 = arith.constant 0 : i32
      %dma_wait3A_346 = arith.constant 0 : i32
      %dma_wait3A_347 = tpu.memref_slice %arg3[%dma_wait3A_345, %dma_wait3A_346] : memref<2560x64xi32, #tpu.memory_space<hbm>> -> memref<1x64xi32, #tpu.memory_space<hbm>>
      %dma_wait3A_348 = tpu.memref_squeeze %dma_wait3A_347 : memref<1x64xi32, #tpu.memory_space<hbm>> -> memref<64xi32, #tpu.memory_space<hbm>>
      %dma_wait3A_349 = arith.constant 0 : i32
      %dma_wait3A_350 = tpu.memref_slice %arg3[%dma_wait3A_345, %dma_wait3A_349] : memref<2560x64xi32, #tpu.memory_space<hbm>> -> memref<1x64xi32, #tpu.memory_space<hbm>>
      %dma_wait3A_351 = tpu.memref_squeeze %dma_wait3A_350 : memref<1x64xi32, #tpu.memory_space<hbm>> -> memref<64xi32, #tpu.memory_space<hbm>>
      tpu.wait_dma2 semaphore(%arg18 : memref<!tpu.dma_semaphore, #tpu.memory_space<semaphore_mem>>) src(%dma_wait3A_351 : memref<64xi32, #tpu.memory_space<hbm>>) dst(%arg7 : memref<64xi32, #tpu.memory_space<vmem>>)
      %dma_wait3A_352 = arith.constant 0 : i32
      %dma_wait3A_353 = arith.constant 0 : i32
      %dma_wait3A_354 = tpu.memref_slice %arg4[%dma_wait3A_352, %dma_wait3A_353] : memref<2560x64xi32, #tpu.memory_space<hbm>> -> memref<1x64xi32, #tpu.memory_space<hbm>>
      %dma_wait3A_355 = tpu.memref_squeeze %dma_wait3A_354 : memref<1x64xi32, #tpu.memory_space<hbm>> -> memref<64xi32, #tpu.memory_space<hbm>>
      %dma_wait3A_356 = arith.constant 0 : i32
      %dma_wait3A_357 = tpu.memref_slice %arg4[%dma_wait3A_352, %dma_wait3A_356] : memref<2560x64xi32, #tpu.memory_space<hbm>> -> memref<1x64xi32, #tpu.memory_space<hbm>>
      %dma_wait3A_358 = tpu.memref_squeeze %dma_wait3A_357 : memref<1x64xi32, #tpu.memory_space<hbm>> -> memref<64xi32, #tpu.memory_space<hbm>>
      tpu.wait_dma2 semaphore(%arg18 : memref<!tpu.dma_semaphore, #tpu.memory_space<semaphore_mem>>) src(%dma_wait3A_358 : memref<64xi32, #tpu.memory_space<hbm>>) dst(%arg9 : memref<64xi32, #tpu.memory_space<vmem>>)
      %get3A_359 = arith.constant 0 : index
      %get3A_360 = tpu.vector_load %arg7[%get3A_359] {strides = array<i32>} : memref<64xi32, #tpu.memory_space<vmem>>, vector<16xi32>,
      %get3A_361 = vector.shape_cast %get3A_360 : vector<16xi32> to vector<16xi32>
      %mul3A_362 = arith.constant 4 : i32
      %mul3A_363 = vector.broadcast %mul3A_362 : i32 to vector<16xi32>
      %mul3A_364 = arith.muli %get3A_361, %mul3A_363 : vector<16xi32>
      %add3A_365 = vector.broadcast %add3A_5 : i32 to vector<16xi32>
      %add3A_366 = arith.addi %mul3A_364, %add3A_365 : vector<16xi32>
      %swap3A_367 = arith.constant 0 : index
      %swap3A_368 = tpu.vector_load %arg11[%swap3A_367] {strides = array<i32>} : memref<64xi32, #tpu.memory_space<vmem>>, vector<16xi32>,
      %swap3A_369 = vector.shape_cast %swap3A_368 : vector<16xi32> to vector<16xi32>
      %swap3A_370 = vector.shape_cast %add3A_366 : vector<16xi32> to vector<16xi32>
      tpu.vector_store %arg11[%swap3A_367], %swap3A_370 {strides = array<i32>} : memref<64xi32, #tpu.memory_space<vmem>>, vector<16xi32>,
      %get3A_371 = arith.constant 16 : index
      %get3A_372 = tpu.vector_load %arg7[%get3A_371] {strides = array<i32>} : memref<64xi32, #tpu.memory_space<vmem>>, vector<16xi32>,
      %get3A_373 = vector.shape_cast %get3A_372 : vector<16xi32> to vector<16xi32>
      %mul3A_374 = arith.constant 4 : i32
      %mul3A_375 = vector.broadcast %mul3A_374 : i32 to vector<16xi32>
      %mul3A_376 = arith.muli %get3A_373, %mul3A_375 : vector<16xi32>
      %add3A_377 = vector.broadcast %add3A_5 : i32 to vector<16xi32>
      %add3A_378 = arith.addi %mul3A_376, %add3A_377 : vector<16xi32>
      %swap3A_379 = arith.constant 16 : index
      %swap3A_380 = tpu.vector_load %arg11[%swap3A_379] {strides = array<i32>} : memref<64xi32, #tpu.memory_space<vmem>>, vector<16xi32>,
      %swap3A_381 = vector.shape_cast %swap3A_380 : vector<16xi32> to vector<16xi32>
      %swap3A_382 = vector.shape_cast %add3A_378 : vector<16xi32> to vector<16xi32>
      tpu.vector_store %arg11[%swap3A_379], %swap3A_382 {strides = array<i32>} : memref<64xi32, #tpu.memory_space<vmem>>, vector<16xi32>,
      %get3A_383 = arith.constant 32 : index
      %get3A_384 = tpu.vector_load %arg7[%get3A_383] {strides = array<i32>} : memref<64xi32, #tpu.memory_space<vmem>>, vector<16xi32>,
      %get3A_385 = vector.shape_cast %get3A_384 : vector<16xi32> to vector<16xi32>
      %mul3A_386 = arith.constant 4 : i32
      %mul3A_387 = vector.broadcast %mul3A_386 : i32 to vector<16xi32>
      %mul3A_388 = arith.muli %get3A_385, %mul3A_387 : vector<16xi32>
      %add3A_389 = vector.broadcast %add3A_5 : i32 to vector<16xi32>
      %add3A_390 = arith.addi %mul3A_388, %add3A_389 : vector<16xi32>
      %swap3A_391 = arith.constant 32 : index
      %swap3A_392 = tpu.vector_load %arg11[%swap3A_391] {strides = array<i32>} : memref<64xi32, #tpu.memory_space<vmem>>, vector<16xi32>,
      %swap3A_393 = vector.shape_cast %swap3A_392 : vector<16xi32> to vector<16xi32>
      %swap3A_394 = vector.shape_cast %add3A_390 : vector<16xi32> to vector<16xi32>
      tpu.vector_store %arg11[%swap3A_391], %swap3A_394 {strides = array<i32>} : memref<64xi32, #tpu.memory_space<vmem>>, vector<16xi32>,
      %get3A_395 = arith.constant 48 : index
      %get3A_396 = tpu.vector_load %arg7[%get3A_395] {strides = array<i32>} : memref<64xi32, #tpu.memory_space<vmem>>, vector<16xi32>,
      %get3A_397 = vector.shape_cast %get3A_396 : vector<16xi32> to vector<16xi32>
      %mul3A_398 = arith.constant 4 : i32
      %mul3A_399 = vector.broadcast %mul3A_398 : i32 to vector<16xi32>
      %mul3A_400 = arith.muli %get3A_397, %mul3A_399 : vector<16xi32>
      %add3A_401 = vector.broadcast %add3A_5 : i32 to vector<16xi32>
      %add3A_402 = arith.addi %mul3A_400, %add3A_401 : vector<16xi32>
      %swap3A_403 = arith.constant 48 : index
      %swap3A_404 = tpu.vector_load %arg11[%swap3A_403] {strides = array<i32>} : memref<64xi32, #tpu.memory_space<vmem>>, vector<16xi32>,
      %swap3A_405 = vector.shape_cast %swap3A_404 : vector<16xi32> to vector<16xi32>
      %swap3A_406 = vector.shape_cast %add3A_402 : vector<16xi32> to vector<16xi32>
      tpu.vector_store %arg11[%swap3A_403], %swap3A_406 {strides = array<i32>} : memref<64xi32, #tpu.memory_space<vmem>>, vector<16xi32>,
      %dma_wait3A_407 = arith.constant 0 : i32
      %dma_wait3A_408 = arith.constant 0 : i32
      %dma_wait3A_409 = tpu.memref_slice %arg2[%dma_wait3A_407, %dma_wait3A_408] : memref<40000x128xf32, #tpu.memory_space<hbm>> -> memref<64x128xf32, #tpu.memory_space<hbm>>
      %dma_wait3A_410 = arith.constant 0 : i32
      %dma_wait3A_411 = arith.constant 0 : i32
      %dma_wait3A_412 = tpu.memref_slice %arg2[%dma_wait3A_410, %dma_wait3A_411] : memref<40000x128xf32, #tpu.memory_space<hbm>> -> memref<64x128xf32, #tpu.memory_space<hbm>>
      tpu.wait_dma2 semaphore(%arg17 : memref<!tpu.dma_semaphore, #tpu.memory_space<semaphore_mem>>) src(%dma_wait3A_412 : memref<64x128xf32, #tpu.memory_space<hbm>>) dst(%arg14 : memref<64x128xf32, #tpu.memory_space<vmem>>)
      %dma_start3A_413 = arith.constant 0 : i32
      %dma_start3A_414 = arith.constant 0 : i32
      %dma_start3A_415 = tpu.memref_slice %arg2[%dma_start3A_413, %dma_start3A_414] : memref<40000x128xf32, #tpu.memory_space<hbm>> -> memref<40000x128xf32, #tpu.memory_space<hbm>>
      tpu.enqueue_indirect_dma source(%dma_start3A_415 : memref<40000x128xf32, #tpu.memory_space<hbm>>) target(%arg13 : memref<64x128xf32, #tpu.memory_space<vmem>>) offsets(%arg11 : memref<64xi32, #tpu.memory_space<vmem>>) semaphore(%arg16 : memref<!tpu.dma_semaphore, #tpu.memory_space<semaphore_mem>>)
      "tpu.region"() ({
        %run_scoped3A = tpu.sem_alloc : memref<!tpu.dma_semaphore, #tpu.memory_space<semaphore_mem>>
        %dma_start3A_433 = arith.constant 0 : i32
        %dma_start3A_434 = arith.constant 0 : i32
        %dma_start3A_435 = tpu.memref_slice %arg15[%dma_start3A_433, %dma_start3A_434] : memref<10112x128xf32, #tpu.memory_space<vmem_shared>> -> memref<10112x128xf32, #tpu.memory_space<vmem_shared>>
        tpu.enqueue_indirect_dma source(%arg14 : memref<64x128xf32, #tpu.memory_space<vmem>>) target(%dma_start3A_435 : memref<10112x128xf32, #tpu.memory_space<vmem_shared>>) offsets(%arg10 : memref<64xi32, #tpu.memory_space<vmem>>) semaphore(%run_scoped3A : memref<!tpu.dma_semaphore, #tpu.memory_space<semaphore_mem>>) {add = true}
        %dma_wait3A_436 = arith.constant 0 : i32
        %dma_wait3A_437 = arith.constant 0 : i32
        %dma_wait3A_438 = tpu.memref_slice %arg15[%dma_wait3A_436, %dma_wait3A_437] : memref<10112x128xf32, #tpu.memory_space<vmem_shared>> -> memref<10112x128xf32, #tpu.memory_space<vmem_shared>>
        tpu.wait_indirect_dma semaphore(%run_scoped3A : memref<!tpu.dma_semaphore, #tpu.memory_space<semaphore_mem>>) src(%arg14 : memref<64x128xf32, #tpu.memory_space<vmem>>) dst(%dma_wait3A_438 : memref<10112x128xf32, #tpu.memory_space<vmem_shared>>)
        tpu.yield
      }) : () -> ()
      %add3A_416 = arith.constant 2 : i32
      %add3A_417 = arith.addi %add3A_344, %add3A_416 : i32
      %rem3A_418 = arith.constant 160 : i32
      %rem3A_419 = arith.remsi %add3A_417, %rem3A_418 : i32
      %add3A_420 = arith.addi %mul3A_2, %rem3A_419 : i32
      %dma_start3A_421 = arith.constant 0 : i32
      %dma_start3A_422 = tpu.memref_slice %arg3[%add3A_420, %dma_start3A_421] : memref<2560x64xi32, #tpu.memory_space<hbm>> -> memref<1x64xi32, #tpu.memory_space<hbm>>
      %dma_start3A_423 = tpu.memref_squeeze %dma_start3A_422 : memref<1x64xi32, #tpu.memory_space<hbm>> -> memref<64xi32, #tpu.memory_space<hbm>>
      %dma_start3A_424 = arith.constant 0 : i32
      %dma_start3A_425 = tpu.memref_slice %arg3[%add3A_420, %dma_start3A_424] : memref<2560x64xi32, #tpu.memory_space<hbm>> -> memref<1x64xi32, #tpu.memory_space<hbm>>
      %dma_start3A_426 = tpu.memref_squeeze %dma_start3A_425 : memref<1x64xi32, #tpu.memory_space<hbm>> -> memref<64xi32, #tpu.memory_space<hbm>>
      tpu.enqueue_dma source(%dma_start3A_426 : memref<64xi32, #tpu.memory_space<hbm>>) target(%arg8 : memref<64xi32, #tpu.memory_space<vmem>>) target_semaphore(%arg19 : memref<!tpu.dma_semaphore, #tpu.memory_space<semaphore_mem>>)
      %dma_start3A_427 = arith.constant 0 : i32
      %dma_start3A_428 = tpu.memref_slice %arg4[%add3A_420, %dma_start3A_427] : memref<2560x64xi32, #tpu.memory_space<hbm>> -> memref<1x64xi32, #tpu.memory_space<hbm>>
      %dma_start3A_429 = tpu.memref_squeeze %dma_start3A_428 : memref<1x64xi32, #tpu.memory_space<hbm>> -> memref<64xi32, #tpu.memory_space<hbm>>
      %dma_start3A_430 = arith.constant 0 : i32
      %dma_start3A_431 = tpu.memref_slice %arg4[%add3A_420, %dma_start3A_430] : memref<2560x64xi32, #tpu.memory_space<hbm>> -> memref<1x64xi32, #tpu.memory_space<hbm>>
      %dma_start3A_432 = tpu.memref_squeeze %dma_start3A_431 : memref<1x64xi32, #tpu.memory_space<hbm>> -> memref<64xi32, #tpu.memory_space<hbm>>
      tpu.enqueue_dma source(%dma_start3A_432 : memref<64xi32, #tpu.memory_space<hbm>>) target(%arg10 : memref<64xi32, #tpu.memory_space<vmem>>) target_semaphore(%arg19 : memref<!tpu.dma_semaphore, #tpu.memory_space<semaphore_mem>>)
    }
    %scan3A_99 = arith.constant 80 : i32
    %dma_wait3A_100 = arith.constant 0 : i32
    %dma_wait3A_101 = arith.constant 0 : i32
    %dma_wait3A_102 = tpu.memref_slice %arg2[%dma_wait3A_100, %dma_wait3A_101] : memref<40000x128xf32, #tpu.memory_space<hbm>> -> memref<64x128xf32, #tpu.memory_space<hbm>>
    %dma_wait3A_103 = arith.constant 0 : i32
    %dma_wait3A_104 = arith.constant 0 : i32
    %dma_wait3A_105 = tpu.memref_slice %arg2[%dma_wait3A_103, %dma_wait3A_104] : memref<40000x128xf32, #tpu.memory_space<hbm>> -> memref<64x128xf32, #tpu.memory_space<hbm>>
    tpu.wait_dma2 semaphore(%arg16 : memref<!tpu.dma_semaphore, #tpu.memory_space<semaphore_mem>>) src(%dma_wait3A_105 : memref<64x128xf32, #tpu.memory_space<hbm>>) dst(%arg13 : memref<64x128xf32, #tpu.memory_space<vmem>>)
    %dma_wait3A_106 = arith.constant 0 : i32
    %dma_wait3A_107 = arith.constant 0 : i32
    %dma_wait3A_108 = tpu.memref_slice %arg3[%dma_wait3A_106, %dma_wait3A_107] : memref<2560x64xi32, #tpu.memory_space<hbm>> -> memref<1x64xi32, #tpu.memory_space<hbm>>
    %dma_wait3A_109 = tpu.memref_squeeze %dma_wait3A_108 : memref<1x64xi32, #tpu.memory_space<hbm>> -> memref<64xi32, #tpu.memory_space<hbm>>
    %dma_wait3A_110 = arith.constant 0 : i32
    %dma_wait3A_111 = tpu.memref_slice %arg3[%dma_wait3A_106, %dma_wait3A_110] : memref<2560x64xi32, #tpu.memory_space<hbm>> -> memref<1x64xi32, #tpu.memory_space<hbm>>
    %dma_wait3A_112 = tpu.memref_squeeze %dma_wait3A_111 : memref<1x64xi32, #tpu.memory_space<hbm>> -> memref<64xi32, #tpu.memory_space<hbm>>
    tpu.wait_dma2 semaphore(%arg19 : memref<!tpu.dma_semaphore, #tpu.memory_space<semaphore_mem>>) src(%dma_wait3A_112 : memref<64xi32, #tpu.memory_space<hbm>>) dst(%arg8 : memref<64xi32, #tpu.memory_space<vmem>>)
    %dma_wait3A_113 = arith.constant 0 : i32
    %dma_wait3A_114 = arith.constant 0 : i32
    %dma_wait3A_115 = tpu.memref_slice %arg4[%dma_wait3A_113, %dma_wait3A_114] : memref<2560x64xi32, #tpu.memory_space<hbm>> -> memref<1x64xi32, #tpu.memory_space<hbm>>
    %dma_wait3A_116 = tpu.memref_squeeze %dma_wait3A_115 : memref<1x64xi32, #tpu.memory_space<hbm>> -> memref<64xi32, #tpu.memory_space<hbm>>
    %dma_wait3A_117 = arith.constant 0 : i32
    %dma_wait3A_118 = tpu.memref_slice %arg4[%dma_wait3A_113, %dma_wait3A_117] : memref<2560x64xi32, #tpu.memory_space<hbm>> -> memref<1x64xi32, #tpu.memory_space<hbm>>
    %dma_wait3A_119 = tpu.memref_squeeze %dma_wait3A_118 : memref<1x64xi32, #tpu.memory_space<hbm>> -> memref<64xi32, #tpu.memory_space<hbm>>
    tpu.wait_dma2 semaphore(%arg19 : memref<!tpu.dma_semaphore, #tpu.memory_space<semaphore_mem>>) src(%dma_wait3A_119 : memref<64xi32, #tpu.memory_space<hbm>>) dst(%arg10 : memref<64xi32, #tpu.memory_space<vmem>>)
    %barrier3A_120 = arith.constant 0 : index
    tpu.barrier barrier_id(%barrier3A_120)
    "tpu.region"() ({
      %run_scoped3A = tpu.sem_alloc : memref<!tpu.dma_semaphore, #tpu.memory_space<semaphore_mem>>
      %dma_start3A_251 = arith.constant 0 : i32
      %dma_start3A_252 = tpu.memref_slice %arg6[%add3A_5, %mul3A_0, %dma_start3A_251] : memref<4x10112x128xf32, #tpu.memory_space<hbm>> -> memref<1x632x128xf32, #tpu.memory_space<hbm>>
      %dma_start3A_253 = tpu.memref_squeeze %dma_start3A_252 : memref<1x632x128xf32, #tpu.memory_space<hbm>> -> memref<632x128xf32, #tpu.memory_space<hbm>>
      %dma_start3A_254 = arith.constant 0 : i32
      %dma_start3A_255 = tpu.memref_slice %arg15[%mul3A_0, %dma_start3A_254] : memref<10112x128xf32, #tpu.memory_space<vmem_shared>> -> memref<632x128xf32, #tpu.memory_space<vmem_shared>>
      tpu.enqueue_dma source(%dma_start3A_255 : memref<632x128xf32, #tpu.memory_space<vmem_shared>>) target(%dma_start3A_253 : memref<632x128xf32, #tpu.memory_space<hbm>>) target_semaphore(%run_scoped3A : memref<!tpu.dma_semaphore, #tpu.memory_space<semaphore_mem>>)
      %dma_wait3A_256 = arith.constant 0 : i32
      %dma_wait3A_257 = tpu.memref_slice %arg6[%add3A_5, %mul3A_0, %dma_wait3A_256] : memref<4x10112x128xf32, #tpu.memory_space<hbm>> -> memref<1x632x128xf32, #tpu.memory_space<hbm>>
      %dma_wait3A_258 = tpu.memref_squeeze %dma_wait3A_257 : memref<1x632x128xf32, #tpu.memory_space<hbm>> -> memref<632x128xf32, #tpu.memory_space<hbm>>
      %dma_wait3A_259 = arith.constant 0 : i32
      %dma_wait3A_260 = tpu.memref_slice %arg15[%mul3A_0, %dma_wait3A_259] : memref<10112x128xf32, #tpu.memory_space<vmem_shared>> -> memref<632x128xf32, #tpu.memory_space<vmem_shared>>
      tpu.wait_dma2 semaphore(%run_scoped3A : memref<!tpu.dma_semaphore, #tpu.memory_space<semaphore_mem>>) src(%dma_wait3A_260 : memref<632x128xf32, #tpu.memory_space<vmem_shared>>) dst(%dma_wait3A_258 : memref<632x128xf32, #tpu.memory_space<hbm>>)
      tpu.yield
    }) : () -> ()
    %barrier3A_121 = arith.constant 0 : index
    tpu.barrier barrier_id(%barrier3A_121)
    %mul3A_122 = arith.constant 2 : i32
    %mul3A_123 = arith.muli %arg0, %mul3A_122 : i32
    %add3A_124 = arith.constant 1 : i32
    %add3A_125 = arith.addi %mul3A_123, %add3A_124 : i32
    %eq3A_126 = arith.constant 0 : i32
    %eq3A_127 = arith.cmpi eq, %arg1, %eq3A_126 : i32
    %convert_element_type3A_128 = arith.extui %eq3A_127 : i1 to i32
    %cond3A_129 = arith.constant 0 : i32
    %cond3A_130 = arith.cmpi ne, %convert_element_type3A_128, %cond3A_129 : i32
    scf.if %cond3A_130 {
      "tpu.region"() ({
        %run_scoped3A = tpu.sem_alloc : memref<!tpu.dma_semaphore, #tpu.memory_space<semaphore_mem>>
        tpu.enqueue_dma source(%arg5 : memref<10112x128xf32, #tpu.memory_space<hbm>>) target(%arg15 : memref<10112x128xf32, #tpu.memory_space<vmem_shared>>) target_semaphore(%run_scoped3A : memref<!tpu.dma_semaphore, #tpu.memory_space<semaphore_mem>>)
        tpu.wait_dma2 semaphore(%run_scoped3A : memref<!tpu.dma_semaphore, #tpu.memory_space<semaphore_mem>>) src(%arg5 : memref<10112x128xf32, #tpu.memory_space<hbm>>) dst(%arg15 : memref<10112x128xf32, #tpu.memory_space<vmem_shared>>)
        tpu.yield
      }) : () -> ()
    } else {
    }
    %dma_start3A_131 = arith.constant 0 : i32
    %dma_start3A_132 = tpu.memref_slice %arg3[%mul3A_2, %dma_start3A_131] : memref<2560x64xi32, #tpu.memory_space<hbm>> -> memref<1x64xi32, #tpu.memory_space<hbm>>
    %dma_start3A_133 = tpu.memref_squeeze %dma_start3A_132 : memref<1x64xi32, #tpu.memory_space<hbm>> -> memref<64xi32, #tpu.memory_space<hbm>>
    %dma_start3A_134 = arith.constant 0 : i32
    %dma_start3A_135 = tpu.memref_slice %arg3[%mul3A_2, %dma_start3A_134] : memref<2560x64xi32, #tpu.memory_space<hbm>> -> memref<1x64xi32, #tpu.memory_space<hbm>>
    %dma_start3A_136 = tpu.memref_squeeze %dma_start3A_135 : memref<1x64xi32, #tpu.memory_space<hbm>> -> memref<64xi32, #tpu.memory_space<hbm>>
    tpu.enqueue_dma source(%dma_start3A_136 : memref<64xi32, #tpu.memory_space<hbm>>) target(%arg7 : memref<64xi32, #tpu.memory_space<vmem>>) target_semaphore(%arg18 : memref<!tpu.dma_semaphore, #tpu.memory_space<semaphore_mem>>)
    %dma_start3A_137 = arith.constant 0 : i32
    %dma_start3A_138 = tpu.memref_slice %arg4[%mul3A_2, %dma_start3A_137] : memref<2560x64xi32, #tpu.memory_space<hbm>> -> memref<1x64xi32, #tpu.memory_space<hbm>>
    %dma_start3A_139 = tpu.memref_squeeze %dma_start3A_138 : memref<1x64xi32, #tpu.memory_space<hbm>> -> memref<64xi32, #tpu.memory_space<hbm>>
    %dma_start3A_140 = arith.constant 0 : i32
    %dma_start3A_141 = tpu.memref_slice %arg4[%mul3A_2, %dma_start3A_140] : memref<2560x64xi32, #tpu.memory_space<hbm>> -> memref<1x64xi32, #tpu.memory_space<hbm>>
    %dma_start3A_142 = tpu.memref_squeeze %dma_start3A_141 : memref<1x64xi32, #tpu.memory_space<hbm>> -> memref<64xi32, #tpu.memory_space<hbm>>
    tpu.enqueue_dma source(%dma_start3A_142 : memref<64xi32, #tpu.memory_space<hbm>>) target(%arg9 : memref<64xi32, #tpu.memory_space<vmem>>) target_semaphore(%arg18 : memref<!tpu.dma_semaphore, #tpu.memory_space<semaphore_mem>>)
    %add3A_143 = arith.constant 1 : i32
    %add3A_144 = arith.addi %mul3A_2, %add3A_143 : i32
    %dma_start3A_145 = arith.constant 0 : i32
    %dma_start3A_146 = tpu.memref_slice %arg3[%add3A_144, %dma_start3A_145] : memref<2560x64xi32, #tpu.memory_space<hbm>> -> memref<1x64xi32, #tpu.memory_space<hbm>>
    %dma_start3A_147 = tpu.memref_squeeze %dma_start3A_146 : memref<1x64xi32, #tpu.memory_space<hbm>> -> memref<64xi32, #tpu.memory_space<hbm>>
    %dma_start3A_148 = arith.constant 0 : i32
    %dma_start3A_149 = tpu.memref_slice %arg3[%add3A_144, %dma_start3A_148] : memref<2560x64xi32, #tpu.memory_space<hbm>> -> memref<1x64xi32, #tpu.memory_space<hbm>>
    %dma_start3A_150 = tpu.memref_squeeze %dma_start3A_149 : memref<1x64xi32, #tpu.memory_space<hbm>> -> memref<64xi32, #tpu.memory_space<hbm>>
    tpu.enqueue_dma source(%dma_start3A_150 : memref<64xi32, #tpu.memory_space<hbm>>) target(%arg8 : memref<64xi32, #tpu.memory_space<vmem>>) target_semaphore(%arg19 : memref<!tpu.dma_semaphore, #tpu.memory_space<semaphore_mem>>)
    %dma_start3A_151 = arith.constant 0 : i32
    %dma_start3A_152 = tpu.memref_slice %arg4[%add3A_144, %dma_start3A_151] : memref<2560x64xi32, #tpu.memory_space<hbm>> -> memref<1x64xi32, #tpu.memory_space<hbm>>
    %dma_start3A_153 = tpu.memref_squeeze %dma_start3A_152 : memref<1x64xi32, #tpu.memory_space<hbm>> -> memref<64xi32, #tpu.memory_space<hbm>>
    %dma_start3A_154 = arith.constant 0 : i32
    %dma_start3A_155 = tpu.memref_slice %arg4[%add3A_144, %dma_start3A_154] : memref<2560x64xi32, #tpu.memory_space<hbm>> -> memref<1x64xi32, #tpu.memory_space<hbm>>
    %dma_start3A_156 = tpu.memref_squeeze %dma_start3A_155 : memref<1x64xi32, #tpu.memory_space<hbm>> -> memref<64xi32, #tpu.memory_space<hbm>>
    tpu.enqueue_dma source(%dma_start3A_156 : memref<64xi32, #tpu.memory_space<hbm>>) target(%arg10 : memref<64xi32, #tpu.memory_space<vmem>>) target_semaphore(%arg19 : memref<!tpu.dma_semaphore, #tpu.memory_space<semaphore_mem>>)
    %dma_wait3A_157 = arith.constant 0 : i32
    %dma_wait3A_158 = arith.constant 0 : i32
    %dma_wait3A_159 = tpu.memref_slice %arg3[%dma_wait3A_157, %dma_wait3A_158] : memref<2560x64xi32, #tpu.memory_space<hbm>> -> memref<1x64xi32, #tpu.memory_space<hbm>>
    %dma_wait3A_160 = tpu.memref_squeeze %dma_wait3A_159 : memref<1x64xi32, #tpu.memory_space<hbm>> -> memref<64xi32, #tpu.memory_space<hbm>>
    %dma_wait3A_161 = arith.constant 0 : i32
    %dma_wait3A_162 = tpu.memref_slice %arg3[%dma_wait3A_157, %dma_wait3A_161] : memref<2560x64xi32, #tpu.memory_space<hbm>> -> memref<1x64xi32, #tpu.memory_space<hbm>>
    %dma_wait3A_163 = tpu.memref_squeeze %dma_wait3A_162 : memref<1x64xi32, #tpu.memory_space<hbm>> -> memref<64xi32, #tpu.memory_space<hbm>>
    tpu.wait_dma2 semaphore(%arg18 : memref<!tpu.dma_semaphore, #tpu.memory_space<semaphore_mem>>) src(%dma_wait3A_163 : memref<64xi32, #tpu.memory_space<hbm>>) dst(%arg7 : memref<64xi32, #tpu.memory_space<vmem>>)
    %dma_wait3A_164 = arith.constant 0 : i32
    %dma_wait3A_165 = arith.constant 0 : i32
    %dma_wait3A_166 = tpu.memref_slice %arg4[%dma_wait3A_164, %dma_wait3A_165] : memref<2560x64xi32, #tpu.memory_space<hbm>> -> memref<1x64xi32, #tpu.memory_space<hbm>>
    %dma_wait3A_167 = tpu.memref_squeeze %dma_wait3A_166 : memref<1x64xi32, #tpu.memory_space<hbm>> -> memref<64xi32, #tpu.memory_space<hbm>>
    %dma_wait3A_168 = arith.constant 0 : i32
    %dma_wait3A_169 = tpu.memref_slice %arg4[%dma_wait3A_164, %dma_wait3A_168] : memref<2560x64xi32, #tpu.memory_space<hbm>> -> memref<1x64xi32, #tpu.memory_space<hbm>>
    %dma_wait3A_170 = tpu.memref_squeeze %dma_wait3A_169 : memref<1x64xi32, #tpu.memory_space<hbm>> -> memref<64xi32, #tpu.memory_space<hbm>>
    tpu.wait_dma2 semaphore(%arg18 : memref<!tpu.dma_semaphore, #tpu.memory_space<semaphore_mem>>) src(%dma_wait3A_170 : memref<64xi32, #tpu.memory_space<hbm>>) dst(%arg9 : memref<64xi32, #tpu.memory_space<vmem>>)
    %get3A_171 = arith.constant 0 : index
    %get3A_172 = tpu.vector_load %arg7[%get3A_171] {strides = array<i32>} : memref<64xi32, #tpu.memory_space<vmem>>, vector<16xi32>,
    %get3A_173 = vector.shape_cast %get3A_172 : vector<16xi32> to vector<16xi32>
    %mul3A_174 = arith.constant 4 : i32
    %mul3A_175 = vector.broadcast %mul3A_174 : i32 to vector<16xi32>
    %mul3A_176 = arith.muli %get3A_173, %mul3A_175 : vector<16xi32>
    %add3A_177 = vector.broadcast %add3A_125 : i32 to vector<16xi32>
    %add3A_178 = arith.addi %mul3A_176, %add3A_177 : vector<16xi32>
    %swap3A_179 = arith.constant 0 : index
    %swap3A_180 = tpu.vector_load %arg11[%swap3A_179] {strides = array<i32>} : memref<64xi32, #tpu.memory_space<vmem>>, vector<16xi32>,
    %swap3A_181 = vector.shape_cast %swap3A_180 : vector<16xi32> to vector<16xi32>
    %swap3A_182 = vector.shape_cast %add3A_178 : vector<16xi32> to vector<16xi32>
    tpu.vector_store %arg11[%swap3A_179], %swap3A_182 {strides = array<i32>} : memref<64xi32, #tpu.memory_space<vmem>>, vector<16xi32>,
    %get3A_183 = arith.constant 16 : index
    %get3A_184 = tpu.vector_load %arg7[%get3A_183] {strides = array<i32>} : memref<64xi32, #tpu.memory_space<vmem>>, vector<16xi32>,
    %get3A_185 = vector.shape_cast %get3A_184 : vector<16xi32> to vector<16xi32>
    %mul3A_186 = arith.constant 4 : i32
    %mul3A_187 = vector.broadcast %mul3A_186 : i32 to vector<16xi32>
    %mul3A_188 = arith.muli %get3A_185, %mul3A_187 : vector<16xi32>
    %add3A_189 = vector.broadcast %add3A_125 : i32 to vector<16xi32>
    %add3A_190 = arith.addi %mul3A_188, %add3A_189 : vector<16xi32>
    %swap3A_191 = arith.constant 16 : index
    %swap3A_192 = tpu.vector_load %arg11[%swap3A_191] {strides = array<i32>} : memref<64xi32, #tpu.memory_space<vmem>>, vector<16xi32>,
    %swap3A_193 = vector.shape_cast %swap3A_192 : vector<16xi32> to vector<16xi32>
    %swap3A_194 = vector.shape_cast %add3A_190 : vector<16xi32> to vector<16xi32>
    tpu.vector_store %arg11[%swap3A_191], %swap3A_194 {strides = array<i32>} : memref<64xi32, #tpu.memory_space<vmem>>, vector<16xi32>,
    %get3A_195 = arith.constant 32 : index
    %get3A_196 = tpu.vector_load %arg7[%get3A_195] {strides = array<i32>} : memref<64xi32, #tpu.memory_space<vmem>>, vector<16xi32>,
    %get3A_197 = vector.shape_cast %get3A_196 : vector<16xi32> to vector<16xi32>
    %mul3A_198 = arith.constant 4 : i32
    %mul3A_199 = vector.broadcast %mul3A_198 : i32 to vector<16xi32>
    %mul3A_200 = arith.muli %get3A_197, %mul3A_199 : vector<16xi32>
    %add3A_201 = vector.broadcast %add3A_125 : i32 to vector<16xi32>
    %add3A_202 = arith.addi %mul3A_200, %add3A_201 : vector<16xi32>
    %swap3A_203 = arith.constant 32 : index
    %swap3A_204 = tpu.vector_load %arg11[%swap3A_203] {strides = array<i32>} : memref<64xi32, #tpu.memory_space<vmem>>, vector<16xi32>,
    %swap3A_205 = vector.shape_cast %swap3A_204 : vector<16xi32> to vector<16xi32>
    %swap3A_206 = vector.shape_cast %add3A_202 : vector<16xi32> to vector<16xi32>
    tpu.vector_store %arg11[%swap3A_203], %swap3A_206 {strides = array<i32>} : memref<64xi32, #tpu.memory_space<vmem>>, vector<16xi32>,
    %get3A_207 = arith.constant 48 : index
    %get3A_208 = tpu.vector_load %arg7[%get3A_207] {strides = array<i32>} : memref<64xi32, #tpu.memory_space<vmem>>, vector<16xi32>,
    %get3A_209 = vector.shape_cast %get3A_208 : vector<16xi32> to vector<16xi32>
    %mul3A_210 = arith.constant 4 : i32
    %mul3A_211 = vector.broadcast %mul3A_210 : i32 to vector<16xi32>
    %mul3A_212 = arith.muli %get3A_209, %mul3A_211 : vector<16xi32>
    %add3A_213 = vector.broadcast %add3A_125 : i32 to vector<16xi32>
    %add3A_214 = arith.addi %mul3A_212, %add3A_213 : vector<16xi32>
    %swap3A_215 = arith.constant 48 : index
    %swap3A_216 = tpu.vector_load %arg11[%swap3A_215] {strides = array<i32>} : memref<64xi32, #tpu.memory_space<vmem>>, vector<16xi32>,
    %swap3A_217 = vector.shape_cast %swap3A_216 : vector<16xi32> to vector<16xi32>
    %swap3A_218 = vector.shape_cast %add3A_214 : vector<16xi32> to vector<16xi32>
    tpu.vector_store %arg11[%swap3A_215], %swap3A_218 {strides = array<i32>} : memref<64xi32, #tpu.memory_space<vmem>>, vector<16xi32>,
    %dma_start3A_219 = arith.constant 0 : i32
    %dma_start3A_220 = arith.constant 0 : i32
    %dma_start3A_221 = tpu.memref_slice %arg2[%dma_start3A_219, %dma_start3A_220] : memref<40000x128xf32, #tpu.memory_space<hbm>> -> memref<40000x128xf32, #tpu.memory_space<hbm>>
    tpu.enqueue_indirect_dma source(%dma_start3A_221 : memref<40000x128xf32, #tpu.memory_space<hbm>>) target(%arg13 : memref<64x128xf32, #tpu.memory_space<vmem>>) offsets(%arg11 : memref<64xi32, #tpu.memory_space<vmem>>) semaphore(%arg16 : memref<!tpu.dma_semaphore, #tpu.memory_space<semaphore_mem>>)
    %barrier3A_222 = arith.constant 0 : index
    tpu.barrier barrier_id(%barrier3A_222)
    %scan3A_223 = arith.constant 0 : i32
    %scan3A_224 = arith.constant 0 : i32
    %scan3A_225 = arith.constant 80 : i32
    %scan3A_226 = arith.addi %scan3A_224, %scan3A_225 : i32
    %scan3A_227 = arith.constant 1 : i32
    scf.for %scan3A_251 = %scan3A_224 to %scan3A_226 step %scan3A_227  : i32 {
      %mul3A_252 = arith.constant 2 : i32
      %mul3A_253 = arith.muli %mul3A_252, %scan3A_251 : i32
      %add3A_254 = arith.constant 0 : i32
      %add3A_255 = arith.addi %mul3A_253, %add3A_254 : i32
      %dma_wait3A_256 = arith.constant 0 : i32
      %dma_wait3A_257 = arith.constant 0 : i32
      %dma_wait3A_258 = tpu.memref_slice %arg3[%dma_wait3A_256, %dma_wait3A_257] : memref<2560x64xi32, #tpu.memory_space<hbm>> -> memref<1x64xi32, #tpu.memory_space<hbm>>
      %dma_wait3A_259 = tpu.memref_squeeze %dma_wait3A_258 : memref<1x64xi32, #tpu.memory_space<hbm>> -> memref<64xi32, #tpu.memory_space<hbm>>
      %dma_wait3A_260 = arith.constant 0 : i32
      %dma_wait3A_261 = tpu.memref_slice %arg3[%dma_wait3A_256, %dma_wait3A_260] : memref<2560x64xi32, #tpu.memory_space<hbm>> -> memref<1x64xi32, #tpu.memory_space<hbm>>
      %dma_wait3A_262 = tpu.memref_squeeze %dma_wait3A_261 : memref<1x64xi32, #tpu.memory_space<hbm>> -> memref<64xi32, #tpu.memory_space<hbm>>
      tpu.wait_dma2 semaphore(%arg19 : memref<!tpu.dma_semaphore, #tpu.memory_space<semaphore_mem>>) src(%dma_wait3A_262 : memref<64xi32, #tpu.memory_space<hbm>>) dst(%arg8 : memref<64xi32, #tpu.memory_space<vmem>>)
      %dma_wait3A_263 = arith.constant 0 : i32
      %dma_wait3A_264 = arith.constant 0 : i32
      %dma_wait3A_265 = tpu.memref_slice %arg4[%dma_wait3A_263, %dma_wait3A_264] : memref<2560x64xi32, #tpu.memory_space<hbm>> -> memref<1x64xi32, #tpu.memory_space<hbm>>
      %dma_wait3A_266 = tpu.memref_squeeze %dma_wait3A_265 : memref<1x64xi32, #tpu.memory_space<hbm>> -> memref<64xi32, #tpu.memory_space<hbm>>
      %dma_wait3A_267 = arith.constant 0 : i32
      %dma_wait3A_268 = tpu.memref_slice %arg4[%dma_wait3A_263, %dma_wait3A_267] : memref<2560x64xi32, #tpu.memory_space<hbm>> -> memref<1x64xi32, #tpu.memory_space<hbm>>
      %dma_wait3A_269 = tpu.memref_squeeze %dma_wait3A_268 : memref<1x64xi32, #tpu.memory_space<hbm>> -> memref<64xi32, #tpu.memory_space<hbm>>
      tpu.wait_dma2 semaphore(%arg19 : memref<!tpu.dma_semaphore, #tpu.memory_space<semaphore_mem>>) src(%dma_wait3A_269 : memref<64xi32, #tpu.memory_space<hbm>>) dst(%arg10 : memref<64xi32, #tpu.memory_space<vmem>>)
      %get3A_270 = arith.constant 0 : index
      %get3A_271 = tpu.vector_load %arg8[%get3A_270] {strides = array<i32>} : memref<64xi32, #tpu.memory_space<vmem>>, vector<16xi32>,
      %get3A_272 = vector.shape_cast %get3A_271 : vector<16xi32> to vector<16xi32>
      %mul3A_273 = arith.constant 4 : i32
      %mul3A_274 = vector.broadcast %mul3A_273 : i32 to vector<16xi32>
      %mul3A_275 = arith.muli %get3A_272, %mul3A_274 : vector<16xi32>
      %add3A_276 = vector.broadcast %add3A_125 : i32 to vector<16xi32>
      %add3A_277 = arith.addi %mul3A_275, %add3A_276 : vector<16xi32>
      %swap3A_278 = arith.constant 0 : index
      %swap3A_279 = tpu.vector_load %arg12[%swap3A_278] {strides = array<i32>} : memref<64xi32, #tpu.memory_space<vmem>>, vector<16xi32>,
      %swap3A_280 = vector.shape_cast %swap3A_279 : vector<16xi32> to vector<16xi32>
      %swap3A_281 = vector.shape_cast %add3A_277 : vector<16xi32> to vector<16xi32>
      tpu.vector_store %arg12[%swap3A_278], %swap3A_281 {strides = array<i32>} : memref<64xi32, #tpu.memory_space<vmem>>, vector<16xi32>,
      %get3A_282 = arith.constant 16 : index
      %get3A_283 = tpu.vector_load %arg8[%get3A_282] {strides = array<i32>} : memref<64xi32, #tpu.memory_space<vmem>>, vector<16xi32>,
      %get3A_284 = vector.shape_cast %get3A_283 : vector<16xi32> to vector<16xi32>
      %mul3A_285 = arith.constant 4 : i32
      %mul3A_286 = vector.broadcast %mul3A_285 : i32 to vector<16xi32>
      %mul3A_287 = arith.muli %get3A_284, %mul3A_286 : vector<16xi32>
      %add3A_288 = vector.broadcast %add3A_125 : i32 to vector<16xi32>
      %add3A_289 = arith.addi %mul3A_287, %add3A_288 : vector<16xi32>
      %swap3A_290 = arith.constant 16 : index
      %swap3A_291 = tpu.vector_load %arg12[%swap3A_290] {strides = array<i32>} : memref<64xi32, #tpu.memory_space<vmem>>, vector<16xi32>,
      %swap3A_292 = vector.shape_cast %swap3A_291 : vector<16xi32> to vector<16xi32>
      %swap3A_293 = vector.shape_cast %add3A_289 : vector<16xi32> to vector<16xi32>
      tpu.vector_store %arg12[%swap3A_290], %swap3A_293 {strides = array<i32>} : memref<64xi32, #tpu.memory_space<vmem>>, vector<16xi32>,
      %get3A_294 = arith.constant 32 : index
      %get3A_295 = tpu.vector_load %arg8[%get3A_294] {strides = array<i32>} : memref<64xi32, #tpu.memory_space<vmem>>, vector<16xi32>,
      %get3A_296 = vector.shape_cast %get3A_295 : vector<16xi32> to vector<16xi32>
      %mul3A_297 = arith.constant 4 : i32
      %mul3A_298 = vector.broadcast %mul3A_297 : i32 to vector<16xi32>
      %mul3A_299 = arith.muli %get3A_296, %mul3A_298 : vector<16xi32>
      %add3A_300 = vector.broadcast %add3A_125 : i32 to vector<16xi32>
      %add3A_301 = arith.addi %mul3A_299, %add3A_300 : vector<16xi32>
      %swap3A_302 = arith.constant 32 : index
      %swap3A_303 = tpu.vector_load %arg12[%swap3A_302] {strides = array<i32>} : memref<64xi32, #tpu.memory_space<vmem>>, vector<16xi32>,
      %swap3A_304 = vector.shape_cast %swap3A_303 : vector<16xi32> to vector<16xi32>
      %swap3A_305 = vector.shape_cast %add3A_301 : vector<16xi32> to vector<16xi32>
      tpu.vector_store %arg12[%swap3A_302], %swap3A_305 {strides = array<i32>} : memref<64xi32, #tpu.memory_space<vmem>>, vector<16xi32>,
      %get3A_306 = arith.constant 48 : index
      %get3A_307 = tpu.vector_load %arg8[%get3A_306] {strides = array<i32>} : memref<64xi32, #tpu.memory_space<vmem>>, vector<16xi32>,
      %get3A_308 = vector.shape_cast %get3A_307 : vector<16xi32> to vector<16xi32>
      %mul3A_309 = arith.constant 4 : i32
      %mul3A_310 = vector.broadcast %mul3A_309 : i32 to vector<16xi32>
      %mul3A_311 = arith.muli %get3A_308, %mul3A_310 : vector<16xi32>
      %add3A_312 = vector.broadcast %add3A_125 : i32 to vector<16xi32>
      %add3A_313 = arith.addi %mul3A_311, %add3A_312 : vector<16xi32>
      %swap3A_314 = arith.constant 48 : index
      %swap3A_315 = tpu.vector_load %arg12[%swap3A_314] {strides = array<i32>} : memref<64xi32, #tpu.memory_space<vmem>>, vector<16xi32>,
      %swap3A_316 = vector.shape_cast %swap3A_315 : vector<16xi32> to vector<16xi32>
      %swap3A_317 = vector.shape_cast %add3A_313 : vector<16xi32> to vector<16xi32>
      tpu.vector_store %arg12[%swap3A_314], %swap3A_317 {strides = array<i32>} : memref<64xi32, #tpu.memory_space<vmem>>, vector<16xi32>,
      %dma_wait3A_318 = arith.constant 0 : i32
      %dma_wait3A_319 = arith.constant 0 : i32
      %dma_wait3A_320 = tpu.memref_slice %arg2[%dma_wait3A_318, %dma_wait3A_319] : memref<40000x128xf32, #tpu.memory_space<hbm>> -> memref<64x128xf32, #tpu.memory_space<hbm>>
      %dma_wait3A_321 = arith.constant 0 : i32
      %dma_wait3A_322 = arith.constant 0 : i32
      %dma_wait3A_323 = tpu.memref_slice %arg2[%dma_wait3A_321, %dma_wait3A_322] : memref<40000x128xf32, #tpu.memory_space<hbm>> -> memref<64x128xf32, #tpu.memory_space<hbm>>
      tpu.wait_dma2 semaphore(%arg16 : memref<!tpu.dma_semaphore, #tpu.memory_space<semaphore_mem>>) src(%dma_wait3A_323 : memref<64x128xf32, #tpu.memory_space<hbm>>) dst(%arg13 : memref<64x128xf32, #tpu.memory_space<vmem>>)
      %dma_start3A_324 = arith.constant 0 : i32
      %dma_start3A_325 = arith.constant 0 : i32
      %dma_start3A_326 = tpu.memref_slice %arg2[%dma_start3A_324, %dma_start3A_325] : memref<40000x128xf32, #tpu.memory_space<hbm>> -> memref<40000x128xf32, #tpu.memory_space<hbm>>
      tpu.enqueue_indirect_dma source(%dma_start3A_326 : memref<40000x128xf32, #tpu.memory_space<hbm>>) target(%arg14 : memref<64x128xf32, #tpu.memory_space<vmem>>) offsets(%arg12 : memref<64xi32, #tpu.memory_space<vmem>>) semaphore(%arg17 : memref<!tpu.dma_semaphore, #tpu.memory_space<semaphore_mem>>)
      "tpu.region"() ({
        %run_scoped3A = tpu.sem_alloc : memref<!tpu.dma_semaphore, #tpu.memory_space<semaphore_mem>>
        %dma_start3A_433 = arith.constant 0 : i32
        %dma_start3A_434 = arith.constant 0 : i32
        %dma_start3A_435 = tpu.memref_slice %arg15[%dma_start3A_433, %dma_start3A_434] : memref<10112x128xf32, #tpu.memory_space<vmem_shared>> -> memref<10112x128xf32, #tpu.memory_space<vmem_shared>>
        tpu.enqueue_indirect_dma source(%arg13 : memref<64x128xf32, #tpu.memory_space<vmem>>) target(%dma_start3A_435 : memref<10112x128xf32, #tpu.memory_space<vmem_shared>>) offsets(%arg9 : memref<64xi32, #tpu.memory_space<vmem>>) semaphore(%run_scoped3A : memref<!tpu.dma_semaphore, #tpu.memory_space<semaphore_mem>>) {add = true}
        %dma_wait3A_436 = arith.constant 0 : i32
        %dma_wait3A_437 = arith.constant 0 : i32
        %dma_wait3A_438 = tpu.memref_slice %arg15[%dma_wait3A_436, %dma_wait3A_437] : memref<10112x128xf32, #tpu.memory_space<vmem_shared>> -> memref<10112x128xf32, #tpu.memory_space<vmem_shared>>
        tpu.wait_indirect_dma semaphore(%run_scoped3A : memref<!tpu.dma_semaphore, #tpu.memory_space<semaphore_mem>>) src(%arg13 : memref<64x128xf32, #tpu.memory_space<vmem>>) dst(%dma_wait3A_438 : memref<10112x128xf32, #tpu.memory_space<vmem_shared>>)
        tpu.yield
      }) : () -> ()
      %add3A_327 = arith.constant 2 : i32
      %add3A_328 = arith.addi %add3A_255, %add3A_327 : i32
      %rem3A = arith.constant 160 : i32
      %rem3A_329 = arith.remsi %add3A_328, %rem3A : i32
      %add3A_330 = arith.addi %mul3A_2, %rem3A_329 : i32
      %dma_start3A_331 = arith.constant 0 : i32
      %dma_start3A_332 = tpu.memref_slice %arg3[%add3A_330, %dma_start3A_331] : memref<2560x64xi32, #tpu.memory_space<hbm>> -> memref<1x64xi32, #tpu.memory_space<hbm>>
      %dma_start3A_333 = tpu.memref_squeeze %dma_start3A_332 : memref<1x64xi32, #tpu.memory_space<hbm>> -> memref<64xi32, #tpu.memory_space<hbm>>
      %dma_start3A_334 = arith.constant 0 : i32
      %dma_start3A_335 = tpu.memref_slice %arg3[%add3A_330, %dma_start3A_334] : memref<2560x64xi32, #tpu.memory_space<hbm>> -> memref<1x64xi32, #tpu.memory_space<hbm>>
      %dma_start3A_336 = tpu.memref_squeeze %dma_start3A_335 : memref<1x64xi32, #tpu.memory_space<hbm>> -> memref<64xi32, #tpu.memory_space<hbm>>
      tpu.enqueue_dma source(%dma_start3A_336 : memref<64xi32, #tpu.memory_space<hbm>>) target(%arg7 : memref<64xi32, #tpu.memory_space<vmem>>) target_semaphore(%arg18 : memref<!tpu.dma_semaphore, #tpu.memory_space<semaphore_mem>>)
      %dma_start3A_337 = arith.constant 0 : i32
      %dma_start3A_338 = tpu.memref_slice %arg4[%add3A_330, %dma_start3A_337] : memref<2560x64xi32, #tpu.memory_space<hbm>> -> memref<1x64xi32, #tpu.memory_space<hbm>>
      %dma_start3A_339 = tpu.memref_squeeze %dma_start3A_338 : memref<1x64xi32, #tpu.memory_space<hbm>> -> memref<64xi32, #tpu.memory_space<hbm>>
      %dma_start3A_340 = arith.constant 0 : i32
      %dma_start3A_341 = tpu.memref_slice %arg4[%add3A_330, %dma_start3A_340] : memref<2560x64xi32, #tpu.memory_space<hbm>> -> memref<1x64xi32, #tpu.memory_space<hbm>>
      %dma_start3A_342 = tpu.memref_squeeze %dma_start3A_341 : memref<1x64xi32, #tpu.memory_space<hbm>> -> memref<64xi32, #tpu.memory_space<hbm>>
      tpu.enqueue_dma source(%dma_start3A_342 : memref<64xi32, #tpu.memory_space<hbm>>) target(%arg9 : memref<64xi32, #tpu.memory_space<vmem>>) target_semaphore(%arg18 : memref<!tpu.dma_semaphore, #tpu.memory_space<semaphore_mem>>)
      %add3A_343 = arith.constant 1 : i32
      %add3A_344 = arith.addi %mul3A_253, %add3A_343 : i32
      %dma_wait3A_345 = arith.constant 0 : i32
      %dma_wait3A_346 = arith.constant 0 : i32
      %dma_wait3A_347 = tpu.memref_slice %arg3[%dma_wait3A_345, %dma_wait3A_346] : memref<2560x64xi32, #tpu.memory_space<hbm>> -> memref<1x64xi32, #tpu.memory_space<hbm>>
      %dma_wait3A_348 = tpu.memref_squeeze %dma_wait3A_347 : memref<1x64xi32, #tpu.memory_space<hbm>> -> memref<64xi32, #tpu.memory_space<hbm>>
      %dma_wait3A_349 = arith.constant 0 : i32
      %dma_wait3A_350 = tpu.memref_slice %arg3[%dma_wait3A_345, %dma_wait3A_349] : memref<2560x64xi32, #tpu.memory_space<hbm>> -> memref<1x64xi32, #tpu.memory_space<hbm>>
      %dma_wait3A_351 = tpu.memref_squeeze %dma_wait3A_350 : memref<1x64xi32, #tpu.memory_space<hbm>> -> memref<64xi32, #tpu.memory_space<hbm>>
      tpu.wait_dma2 semaphore(%arg18 : memref<!tpu.dma_semaphore, #tpu.memory_space<semaphore_mem>>) src(%dma_wait3A_351 : memref<64xi32, #tpu.memory_space<hbm>>) dst(%arg7 : memref<64xi32, #tpu.memory_space<vmem>>)
      %dma_wait3A_352 = arith.constant 0 : i32
      %dma_wait3A_353 = arith.constant 0 : i32
      %dma_wait3A_354 = tpu.memref_slice %arg4[%dma_wait3A_352, %dma_wait3A_353] : memref<2560x64xi32, #tpu.memory_space<hbm>> -> memref<1x64xi32, #tpu.memory_space<hbm>>
      %dma_wait3A_355 = tpu.memref_squeeze %dma_wait3A_354 : memref<1x64xi32, #tpu.memory_space<hbm>> -> memref<64xi32, #tpu.memory_space<hbm>>
      %dma_wait3A_356 = arith.constant 0 : i32
      %dma_wait3A_357 = tpu.memref_slice %arg4[%dma_wait3A_352, %dma_wait3A_356] : memref<2560x64xi32, #tpu.memory_space<hbm>> -> memref<1x64xi32, #tpu.memory_space<hbm>>
      %dma_wait3A_358 = tpu.memref_squeeze %dma_wait3A_357 : memref<1x64xi32, #tpu.memory_space<hbm>> -> memref<64xi32, #tpu.memory_space<hbm>>
      tpu.wait_dma2 semaphore(%arg18 : memref<!tpu.dma_semaphore, #tpu.memory_space<semaphore_mem>>) src(%dma_wait3A_358 : memref<64xi32, #tpu.memory_space<hbm>>) dst(%arg9 : memref<64xi32, #tpu.memory_space<vmem>>)
      %get3A_359 = arith.constant 0 : index
      %get3A_360 = tpu.vector_load %arg7[%get3A_359] {strides = array<i32>} : memref<64xi32, #tpu.memory_space<vmem>>, vector<16xi32>,
      %get3A_361 = vector.shape_cast %get3A_360 : vector<16xi32> to vector<16xi32>
      %mul3A_362 = arith.constant 4 : i32
      %mul3A_363 = vector.broadcast %mul3A_362 : i32 to vector<16xi32>
      %mul3A_364 = arith.muli %get3A_361, %mul3A_363 : vector<16xi32>
      %add3A_365 = vector.broadcast %add3A_125 : i32 to vector<16xi32>
      %add3A_366 = arith.addi %mul3A_364, %add3A_365 : vector<16xi32>
      %swap3A_367 = arith.constant 0 : index
      %swap3A_368 = tpu.vector_load %arg11[%swap3A_367] {strides = array<i32>} : memref<64xi32, #tpu.memory_space<vmem>>, vector<16xi32>,
      %swap3A_369 = vector.shape_cast %swap3A_368 : vector<16xi32> to vector<16xi32>
      %swap3A_370 = vector.shape_cast %add3A_366 : vector<16xi32> to vector<16xi32>
      tpu.vector_store %arg11[%swap3A_367], %swap3A_370 {strides = array<i32>} : memref<64xi32, #tpu.memory_space<vmem>>, vector<16xi32>,
      %get3A_371 = arith.constant 16 : index
      %get3A_372 = tpu.vector_load %arg7[%get3A_371] {strides = array<i32>} : memref<64xi32, #tpu.memory_space<vmem>>, vector<16xi32>,
      %get3A_373 = vector.shape_cast %get3A_372 : vector<16xi32> to vector<16xi32>
      %mul3A_374 = arith.constant 4 : i32
      %mul3A_375 = vector.broadcast %mul3A_374 : i32 to vector<16xi32>
      %mul3A_376 = arith.muli %get3A_373, %mul3A_375 : vector<16xi32>
      %add3A_377 = vector.broadcast %add3A_125 : i32 to vector<16xi32>
      %add3A_378 = arith.addi %mul3A_376, %add3A_377 : vector<16xi32>
      %swap3A_379 = arith.constant 16 : index
      %swap3A_380 = tpu.vector_load %arg11[%swap3A_379] {strides = array<i32>} : memref<64xi32, #tpu.memory_space<vmem>>, vector<16xi32>,
      %swap3A_381 = vector.shape_cast %swap3A_380 : vector<16xi32> to vector<16xi32>
      %swap3A_382 = vector.shape_cast %add3A_378 : vector<16xi32> to vector<16xi32>
      tpu.vector_store %arg11[%swap3A_379], %swap3A_382 {strides = array<i32>} : memref<64xi32, #tpu.memory_space<vmem>>, vector<16xi32>,
      %get3A_383 = arith.constant 32 : index
      %get3A_384 = tpu.vector_load %arg7[%get3A_383] {strides = array<i32>} : memref<64xi32, #tpu.memory_space<vmem>>, vector<16xi32>,
      %get3A_385 = vector.shape_cast %get3A_384 : vector<16xi32> to vector<16xi32>
      %mul3A_386 = arith.constant 4 : i32
      %mul3A_387 = vector.broadcast %mul3A_386 : i32 to vector<16xi32>
      %mul3A_388 = arith.muli %get3A_385, %mul3A_387 : vector<16xi32>
      %add3A_389 = vector.broadcast %add3A_125 : i32 to vector<16xi32>
      %add3A_390 = arith.addi %mul3A_388, %add3A_389 : vector<16xi32>
      %swap3A_391 = arith.constant 32 : index
      %swap3A_392 = tpu.vector_load %arg11[%swap3A_391] {strides = array<i32>} : memref<64xi32, #tpu.memory_space<vmem>>, vector<16xi32>,
      %swap3A_393 = vector.shape_cast %swap3A_392 : vector<16xi32> to vector<16xi32>
      %swap3A_394 = vector.shape_cast %add3A_390 : vector<16xi32> to vector<16xi32>
      tpu.vector_store %arg11[%swap3A_391], %swap3A_394 {strides = array<i32>} : memref<64xi32, #tpu.memory_space<vmem>>, vector<16xi32>,
      %get3A_395 = arith.constant 48 : index
      %get3A_396 = tpu.vector_load %arg7[%get3A_395] {strides = array<i32>} : memref<64xi32, #tpu.memory_space<vmem>>, vector<16xi32>,
      %get3A_397 = vector.shape_cast %get3A_396 : vector<16xi32> to vector<16xi32>
      %mul3A_398 = arith.constant 4 : i32
      %mul3A_399 = vector.broadcast %mul3A_398 : i32 to vector<16xi32>
      %mul3A_400 = arith.muli %get3A_397, %mul3A_399 : vector<16xi32>
      %add3A_401 = vector.broadcast %add3A_125 : i32 to vector<16xi32>
      %add3A_402 = arith.addi %mul3A_400, %add3A_401 : vector<16xi32>
      %swap3A_403 = arith.constant 48 : index
      %swap3A_404 = tpu.vector_load %arg11[%swap3A_403] {strides = array<i32>} : memref<64xi32, #tpu.memory_space<vmem>>, vector<16xi32>,
      %swap3A_405 = vector.shape_cast %swap3A_404 : vector<16xi32> to vector<16xi32>
      %swap3A_406 = vector.shape_cast %add3A_402 : vector<16xi32> to vector<16xi32>
      tpu.vector_store %arg11[%swap3A_403], %swap3A_406 {strides = array<i32>} : memref<64xi32, #tpu.memory_space<vmem>>, vector<16xi32>,
      %dma_wait3A_407 = arith.constant 0 : i32
      %dma_wait3A_408 = arith.constant 0 : i32
      %dma_wait3A_409 = tpu.memref_slice %arg2[%dma_wait3A_407, %dma_wait3A_408] : memref<40000x128xf32, #tpu.memory_space<hbm>> -> memref<64x128xf32, #tpu.memory_space<hbm>>
      %dma_wait3A_410 = arith.constant 0 : i32
      %dma_wait3A_411 = arith.constant 0 : i32
      %dma_wait3A_412 = tpu.memref_slice %arg2[%dma_wait3A_410, %dma_wait3A_411] : memref<40000x128xf32, #tpu.memory_space<hbm>> -> memref<64x128xf32, #tpu.memory_space<hbm>>
      tpu.wait_dma2 semaphore(%arg17 : memref<!tpu.dma_semaphore, #tpu.memory_space<semaphore_mem>>) src(%dma_wait3A_412 : memref<64x128xf32, #tpu.memory_space<hbm>>) dst(%arg14 : memref<64x128xf32, #tpu.memory_space<vmem>>)
      %dma_start3A_413 = arith.constant 0 : i32
      %dma_start3A_414 = arith.constant 0 : i32
      %dma_start3A_415 = tpu.memref_slice %arg2[%dma_start3A_413, %dma_start3A_414] : memref<40000x128xf32, #tpu.memory_space<hbm>> -> memref<40000x128xf32, #tpu.memory_space<hbm>>
      tpu.enqueue_indirect_dma source(%dma_start3A_415 : memref<40000x128xf32, #tpu.memory_space<hbm>>) target(%arg13 : memref<64x128xf32, #tpu.memory_space<vmem>>) offsets(%arg11 : memref<64xi32, #tpu.memory_space<vmem>>) semaphore(%arg16 : memref<!tpu.dma_semaphore, #tpu.memory_space<semaphore_mem>>)
      "tpu.region"() ({
        %run_scoped3A = tpu.sem_alloc : memref<!tpu.dma_semaphore, #tpu.memory_space<semaphore_mem>>
        %dma_start3A_433 = arith.constant 0 : i32
        %dma_start3A_434 = arith.constant 0 : i32
        %dma_start3A_435 = tpu.memref_slice %arg15[%dma_start3A_433, %dma_start3A_434] : memref<10112x128xf32, #tpu.memory_space<vmem_shared>> -> memref<10112x128xf32, #tpu.memory_space<vmem_shared>>
        tpu.enqueue_indirect_dma source(%arg14 : memref<64x128xf32, #tpu.memory_space<vmem>>) target(%dma_start3A_435 : memref<10112x128xf32, #tpu.memory_space<vmem_shared>>) offsets(%arg10 : memref<64xi32, #tpu.memory_space<vmem>>) semaphore(%run_scoped3A : memref<!tpu.dma_semaphore, #tpu.memory_space<semaphore_mem>>) {add = true}
        %dma_wait3A_436 = arith.constant 0 : i32
        %dma_wait3A_437 = arith.constant 0 : i32
        %dma_wait3A_438 = tpu.memref_slice %arg15[%dma_wait3A_436, %dma_wait3A_437] : memref<10112x128xf32, #tpu.memory_space<vmem_shared>> -> memref<10112x128xf32, #tpu.memory_space<vmem_shared>>
        tpu.wait_indirect_dma semaphore(%run_scoped3A : memref<!tpu.dma_semaphore, #tpu.memory_space<semaphore_mem>>) src(%arg14 : memref<64x128xf32, #tpu.memory_space<vmem>>) dst(%dma_wait3A_438 : memref<10112x128xf32, #tpu.memory_space<vmem_shared>>)
        tpu.yield
      }) : () -> ()
      %add3A_416 = arith.constant 2 : i32
      %add3A_417 = arith.addi %add3A_344, %add3A_416 : i32
      %rem3A_418 = arith.constant 160 : i32
      %rem3A_419 = arith.remsi %add3A_417, %rem3A_418 : i32
      %add3A_420 = arith.addi %mul3A_2, %rem3A_419 : i32
      %dma_start3A_421 = arith.constant 0 : i32
      %dma_start3A_422 = tpu.memref_slice %arg3[%add3A_420, %dma_start3A_421] : memref<2560x64xi32, #tpu.memory_space<hbm>> -> memref<1x64xi32, #tpu.memory_space<hbm>>
      %dma_start3A_423 = tpu.memref_squeeze %dma_start3A_422 : memref<1x64xi32, #tpu.memory_space<hbm>> -> memref<64xi32, #tpu.memory_space<hbm>>
      %dma_start3A_424 = arith.constant 0 : i32
      %dma_start3A_425 = tpu.memref_slice %arg3[%add3A_420, %dma_start3A_424] : memref<2560x64xi32, #tpu.memory_space<hbm>> -> memref<1x64xi32, #tpu.memory_space<hbm>>
      %dma_start3A_426 = tpu.memref_squeeze %dma_start3A_425 : memref<1x64xi32, #tpu.memory_space<hbm>> -> memref<64xi32, #tpu.memory_space<hbm>>
      tpu.enqueue_dma source(%dma_start3A_426 : memref<64xi32, #tpu.memory_space<hbm>>) target(%arg8 : memref<64xi32, #tpu.memory_space<vmem>>) target_semaphore(%arg19 : memref<!tpu.dma_semaphore, #tpu.memory_space<semaphore_mem>>)
      %dma_start3A_427 = arith.constant 0 : i32
      %dma_start3A_428 = tpu.memref_slice %arg4[%add3A_420, %dma_start3A_427] : memref<2560x64xi32, #tpu.memory_space<hbm>> -> memref<1x64xi32, #tpu.memory_space<hbm>>
      %dma_start3A_429 = tpu.memref_squeeze %dma_start3A_428 : memref<1x64xi32, #tpu.memory_space<hbm>> -> memref<64xi32, #tpu.memory_space<hbm>>
      %dma_start3A_430 = arith.constant 0 : i32
      %dma_start3A_431 = tpu.memref_slice %arg4[%add3A_420, %dma_start3A_430] : memref<2560x64xi32, #tpu.memory_space<hbm>> -> memref<1x64xi32, #tpu.memory_space<hbm>>
      %dma_start3A_432 = tpu.memref_squeeze %dma_start3A_431 : memref<1x64xi32, #tpu.memory_space<hbm>> -> memref<64xi32, #tpu.memory_space<hbm>>
      tpu.enqueue_dma source(%dma_start3A_432 : memref<64xi32, #tpu.memory_space<hbm>>) target(%arg10 : memref<64xi32, #tpu.memory_space<vmem>>) target_semaphore(%arg19 : memref<!tpu.dma_semaphore, #tpu.memory_space<semaphore_mem>>)
    }
    %scan3A_228 = arith.constant 80 : i32
    %dma_wait3A_229 = arith.constant 0 : i32
    %dma_wait3A_230 = arith.constant 0 : i32
    %dma_wait3A_231 = tpu.memref_slice %arg2[%dma_wait3A_229, %dma_wait3A_230] : memref<40000x128xf32, #tpu.memory_space<hbm>> -> memref<64x128xf32, #tpu.memory_space<hbm>>
    %dma_wait3A_232 = arith.constant 0 : i32
    %dma_wait3A_233 = arith.constant 0 : i32
    %dma_wait3A_234 = tpu.memref_slice %arg2[%dma_wait3A_232, %dma_wait3A_233] : memref<40000x128xf32, #tpu.memory_space<hbm>> -> memref<64x128xf32, #tpu.memory_space<hbm>>
    tpu.wait_dma2 semaphore(%arg16 : memref<!tpu.dma_semaphore, #tpu.memory_space<semaphore_mem>>) src(%dma_wait3A_234 : memref<64x128xf32, #tpu.memory_space<hbm>>) dst(%arg13 : memref<64x128xf32, #tpu.memory_space<vmem>>)
    %dma_wait3A_235 = arith.constant 0 : i32
    %dma_wait3A_236 = arith.constant 0 : i32
    %dma_wait3A_237 = tpu.memref_slice %arg3[%dma_wait3A_235, %dma_wait3A_236] : memref<2560x64xi32, #tpu.memory_space<hbm>> -> memref<1x64xi32, #tpu.memory_space<hbm>>
    %dma_wait3A_238 = tpu.memref_squeeze %dma_wait3A_237 : memref<1x64xi32, #tpu.memory_space<hbm>> -> memref<64xi32, #tpu.memory_space<hbm>>
    %dma_wait3A_239 = arith.constant 0 : i32
    %dma_wait3A_240 = tpu.memref_slice %arg3[%dma_wait3A_235, %dma_wait3A_239] : memref<2560x64xi32, #tpu.memory_space<hbm>> -> memref<1x64xi32, #tpu.memory_space<hbm>>
    %dma_wait3A_241 = tpu.memref_squeeze %dma_wait3A_240 : memref<1x64xi32, #tpu.memory_space<hbm>> -> memref<64xi32, #tpu.memory_space<hbm>>
    tpu.wait_dma2 semaphore(%arg19 : memref<!tpu.dma_semaphore, #tpu.memory_space<semaphore_mem>>) src(%dma_wait3A_241 : memref<64xi32, #tpu.memory_space<hbm>>) dst(%arg8 : memref<64xi32, #tpu.memory_space<vmem>>)
    %dma_wait3A_242 = arith.constant 0 : i32
    %dma_wait3A_243 = arith.constant 0 : i32
    %dma_wait3A_244 = tpu.memref_slice %arg4[%dma_wait3A_242, %dma_wait3A_243] : memref<2560x64xi32, #tpu.memory_space<hbm>> -> memref<1x64xi32, #tpu.memory_space<hbm>>
    %dma_wait3A_245 = tpu.memref_squeeze %dma_wait3A_244 : memref<1x64xi32, #tpu.memory_space<hbm>> -> memref<64xi32, #tpu.memory_space<hbm>>
    %dma_wait3A_246 = arith.constant 0 : i32
    %dma_wait3A_247 = tpu.memref_slice %arg4[%dma_wait3A_242, %dma_wait3A_246] : memref<2560x64xi32, #tpu.memory_space<hbm>> -> memref<1x64xi32, #tpu.memory_space<hbm>>
    %dma_wait3A_248 = tpu.memref_squeeze %dma_wait3A_247 : memref<1x64xi32, #tpu.memory_space<hbm>> -> memref<64xi32, #tpu.memory_space<hbm>>
    tpu.wait_dma2 semaphore(%arg19 : memref<!tpu.dma_semaphore, #tpu.memory_space<semaphore_mem>>) src(%dma_wait3A_248 : memref<64xi32, #tpu.memory_space<hbm>>) dst(%arg10 : memref<64xi32, #tpu.memory_space<vmem>>)
    %barrier3A_249 = arith.constant 0 : index
    tpu.barrier barrier_id(%barrier3A_249)
    "tpu.region"() ({
      %run_scoped3A = tpu.sem_alloc : memref<!tpu.dma_semaphore, #tpu.memory_space<semaphore_mem>>
      %dma_start3A_251 = arith.constant 0 : i32
      %dma_start3A_252 = tpu.memref_slice %arg6[%add3A_125, %mul3A_0, %dma_start3A_251] : memref<4x10112x128xf32, #tpu.memory_space<hbm>> -> memref<1x632x128xf32, #tpu.memory_space<hbm>>
      %dma_start3A_253 = tpu.memref_squeeze %dma_start3A_252 : memref<1x632x128xf32, #tpu.memory_space<hbm>> -> memref<632x128xf32, #tpu.memory_space<hbm>>
      %dma_start3A_254 = arith.constant 0 : i32
      %dma_start3A_255 = tpu.memref_slice %arg15[%mul3A_0, %dma_start3A_254] : memref<10112x128xf32, #tpu.memory_space<vmem_shared>> -> memref<632x128xf32, #tpu.memory_space<vmem_shared>>
      tpu.enqueue_dma source(%dma_start3A_255 : memref<632x128xf32, #tpu.memory_space<vmem_shared>>) target(%dma_start3A_253 : memref<632x128xf32, #tpu.memory_space<hbm>>) target_semaphore(%run_scoped3A : memref<!tpu.dma_semaphore, #tpu.memory_space<semaphore_mem>>)
      %dma_wait3A_256 = arith.constant 0 : i32
      %dma_wait3A_257 = tpu.memref_slice %arg6[%add3A_125, %mul3A_0, %dma_wait3A_256] : memref<4x10112x128xf32, #tpu.memory_space<hbm>> -> memref<1x632x128xf32, #tpu.memory_space<hbm>>
      %dma_wait3A_258 = tpu.memref_squeeze %dma_wait3A_257 : memref<1x632x128xf32, #tpu.memory_space<hbm>> -> memref<632x128xf32, #tpu.memory_space<hbm>>
      %dma_wait3A_259 = arith.constant 0 : i32
      %dma_wait3A_260 = tpu.memref_slice %arg15[%mul3A_0, %dma_wait3A_259] : memref<10112x128xf32, #tpu.memory_space<vmem_shared>> -> memref<632x128xf32, #tpu.memory_space<vmem_shared>>
      tpu.wait_dma2 semaphore(%run_scoped3A : memref<!tpu.dma_semaphore, #tpu.memory_space<semaphore_mem>>) src(%dma_wait3A_260 : memref<632x128xf32, #tpu.memory_space<vmem_shared>>) dst(%dma_wait3A_258 : memref<632x128xf32, #tpu.memory_space<hbm>>)
      tpu.yield
    }) : () -> ()
    %barrier3A_250 = arith.constant 0 : index
    tpu.barrier barrier_id(%barrier3A_250)
    return
  }
}

#map = affine_map<(d0, d1) -> (0, 0)>
#map1 = affine_map<(d0, d1) -> (0, 0, 0)>
module attributes {stable_mosaic.version = 14 : i64} {
  func.func @body(%arg0: i32, %arg1: i32, %arg2: memref<20000x128xf32, #tpu.memory_space<hbm>>, %arg3: memref<2560x64xi32, #tpu.memory_space<hbm>>, %arg4: memref<2560x64xi32, #tpu.memory_space<hbm>>, %arg5: memref<10112x128xf32, #tpu.memory_space<hbm>>, %arg6: memref<2x10112x128xf32, #tpu.memory_space<hbm>>, %arg7: memref<2x10112x128xf32, #tpu.memory_space<hbm>>, %arg8: memref<64xi32, #tpu.memory_space<vmem>>, %arg9: memref<64xi32, #tpu.memory_space<vmem>>, %arg10: memref<64xi32, #tpu.memory_space<vmem>>, %arg11: memref<64xi32, #tpu.memory_space<vmem>>, %arg12: memref<64xi32, #tpu.memory_space<vmem>>, %arg13: memref<64xi32, #tpu.memory_space<vmem>>, %arg14: memref<64x128xf32, #tpu.memory_space<vmem>>, %arg15: memref<64x128xf32, #tpu.memory_space<vmem>>, %arg16: memref<10112x128xf32, #tpu.memory_space<vmem_shared>>, %arg17: memref<!tpu.dma_semaphore, #tpu.memory_space<semaphore_mem>>, %arg18: memref<!tpu.dma_semaphore, #tpu.memory_space<semaphore_mem>>, %arg19: memref<!tpu.dma_semaphore, #tpu.memory_space<semaphore_mem>>, %arg20: memref<!tpu.dma_semaphore, #tpu.memory_space<semaphore_mem>>) attributes {dimension_semantics = [#tpu.dimension_semantics<core_parallel>, #tpu.dimension_semantics<subcore_parallel>], iteration_bounds = array<i64: 2, 16>, scalar_prefetch = 0 : i64, scratch_operands = 13 : i64, tpu.core_type = #tpu.core_type<sc_vector_subcore>, window_params = [{transform_indices = #map}, {transform_indices = #map}, {transform_indices = #map}, {transform_indices = #map}, {transform_indices = #map1}, {transform_indices = #map1}]} {
    %mul3A = arith.constant 632 : i32
    %mul3A_0 = arith.muli %arg1, %mul3A : i32
    %mul3A_1 = arith.constant 160 : i32
    %mul3A_2 = arith.muli %arg1, %mul3A_1 : i32
    %mul3A_3 = arith.constant 1 : i32
    %mul3A_4 = arith.muli %arg0, %mul3A_3 : i32
    %add3A = arith.constant 0 : i32
    %add3A_5 = arith.addi %mul3A_4, %add3A : i32
    %eq3A = arith.constant 0 : i32
    %eq3A_6 = arith.cmpi eq, %arg1, %eq3A : i32
    %convert_element_type3A = arith.extui %eq3A_6 : i1 to i32
    %cond3A = arith.constant 0 : i32
    %cond3A_7 = arith.cmpi ne, %convert_element_type3A, %cond3A : i32
    scf.if %cond3A_7 {
      "tpu.region"() ({
        %run_scoped3A = tpu.sem_alloc : memref<!tpu.dma_semaphore, #tpu.memory_space<semaphore_mem>>
        tpu.enqueue_dma source(%arg5 : memref<10112x128xf32, #tpu.memory_space<hbm>>) target(%arg16 : memref<10112x128xf32, #tpu.memory_space<vmem_shared>>) target_semaphore(%run_scoped3A : memref<!tpu.dma_semaphore, #tpu.memory_space<semaphore_mem>>)
        tpu.wait_dma2 semaphore(%run_scoped3A : memref<!tpu.dma_semaphore, #tpu.memory_space<semaphore_mem>>) src(%arg5 : memref<10112x128xf32, #tpu.memory_space<hbm>>) dst(%arg16 : memref<10112x128xf32, #tpu.memory_space<vmem_shared>>)
        tpu.yield
      }) : () -> ()
    } else {
    }
    %dma_start3A = arith.constant 0 : i32
    %dma_start3A_8 = tpu.memref_slice %arg3[%mul3A_2, %dma_start3A] : memref<2560x64xi32, #tpu.memory_space<hbm>> -> memref<1x64xi32, #tpu.memory_space<hbm>>
    %dma_start3A_9 = tpu.memref_squeeze %dma_start3A_8 : memref<1x64xi32, #tpu.memory_space<hbm>> -> memref<64xi32, #tpu.memory_space<hbm>>
    %dma_start3A_10 = arith.constant 0 : i32
    %dma_start3A_11 = tpu.memref_slice %arg3[%mul3A_2, %dma_start3A_10] : memref<2560x64xi32, #tpu.memory_space<hbm>> -> memref<1x64xi32, #tpu.memory_space<hbm>>
    %dma_start3A_12 = tpu.memref_squeeze %dma_start3A_11 : memref<1x64xi32, #tpu.memory_space<hbm>> -> memref<64xi32, #tpu.memory_space<hbm>>
    tpu.enqueue_dma source(%dma_start3A_12 : memref<64xi32, #tpu.memory_space<hbm>>) target(%arg8 : memref<64xi32, #tpu.memory_space<vmem>>) target_semaphore(%arg19 : memref<!tpu.dma_semaphore, #tpu.memory_space<semaphore_mem>>)
    %dma_start3A_13 = arith.constant 0 : i32
    %dma_start3A_14 = tpu.memref_slice %arg4[%mul3A_2, %dma_start3A_13] : memref<2560x64xi32, #tpu.memory_space<hbm>> -> memref<1x64xi32, #tpu.memory_space<hbm>>
    %dma_start3A_15 = tpu.memref_squeeze %dma_start3A_14 : memref<1x64xi32, #tpu.memory_space<hbm>> -> memref<64xi32, #tpu.memory_space<hbm>>
    %dma_start3A_16 = arith.constant 0 : i32
    %dma_start3A_17 = tpu.memref_slice %arg4[%mul3A_2, %dma_start3A_16] : memref<2560x64xi32, #tpu.memory_space<hbm>> -> memref<1x64xi32, #tpu.memory_space<hbm>>
    %dma_start3A_18 = tpu.memref_squeeze %dma_start3A_17 : memref<1x64xi32, #tpu.memory_space<hbm>> -> memref<64xi32, #tpu.memory_space<hbm>>
    tpu.enqueue_dma source(%dma_start3A_18 : memref<64xi32, #tpu.memory_space<hbm>>) target(%arg10 : memref<64xi32, #tpu.memory_space<vmem>>) target_semaphore(%arg19 : memref<!tpu.dma_semaphore, #tpu.memory_space<semaphore_mem>>)
    %add3A_19 = arith.constant 1 : i32
    %add3A_20 = arith.addi %mul3A_2, %add3A_19 : i32
    %dma_start3A_21 = arith.constant 0 : i32
    %dma_start3A_22 = tpu.memref_slice %arg3[%add3A_20, %dma_start3A_21] : memref<2560x64xi32, #tpu.memory_space<hbm>> -> memref<1x64xi32, #tpu.memory_space<hbm>>
    %dma_start3A_23 = tpu.memref_squeeze %dma_start3A_22 : memref<1x64xi32, #tpu.memory_space<hbm>> -> memref<64xi32, #tpu.memory_space<hbm>>
    %dma_start3A_24 = arith.constant 0 : i32
    %dma_start3A_25 = tpu.memref_slice %arg3[%add3A_20, %dma_start3A_24] : memref<2560x64xi32, #tpu.memory_space<hbm>> -> memref<1x64xi32, #tpu.memory_space<hbm>>
    %dma_start3A_26 = tpu.memref_squeeze %dma_start3A_25 : memref<1x64xi32, #tpu.memory_space<hbm>> -> memref<64xi32, #tpu.memory_space<hbm>>
    tpu.enqueue_dma source(%dma_start3A_26 : memref<64xi32, #tpu.memory_space<hbm>>) target(%arg9 : memref<64xi32, #tpu.memory_space<vmem>>) target_semaphore(%arg20 : memref<!tpu.dma_semaphore, #tpu.memory_space<semaphore_mem>>)
    %dma_start3A_27 = arith.constant 0 : i32
    %dma_start3A_28 = tpu.memref_slice %arg4[%add3A_20, %dma_start3A_27] : memref<2560x64xi32, #tpu.memory_space<hbm>> -> memref<1x64xi32, #tpu.memory_space<hbm>>
    %dma_start3A_29 = tpu.memref_squeeze %dma_start3A_28 : memref<1x64xi32, #tpu.memory_space<hbm>> -> memref<64xi32, #tpu.memory_space<hbm>>
    %dma_start3A_30 = arith.constant 0 : i32
    %dma_start3A_31 = tpu.memref_slice %arg4[%add3A_20, %dma_start3A_30] : memref<2560x64xi32, #tpu.memory_space<hbm>> -> memref<1x64xi32, #tpu.memory_space<hbm>>
    %dma_start3A_32 = tpu.memref_squeeze %dma_start3A_31 : memref<1x64xi32, #tpu.memory_space<hbm>> -> memref<64xi32, #tpu.memory_space<hbm>>
    tpu.enqueue_dma source(%dma_start3A_32 : memref<64xi32, #tpu.memory_space<hbm>>) target(%arg11 : memref<64xi32, #tpu.memory_space<vmem>>) target_semaphore(%arg20 : memref<!tpu.dma_semaphore, #tpu.memory_space<semaphore_mem>>)
    %dma_wait3A = arith.constant 0 : i32
    %dma_wait3A_33 = arith.constant 0 : i32
    %dma_wait3A_34 = tpu.memref_slice %arg3[%dma_wait3A, %dma_wait3A_33] : memref<2560x64xi32, #tpu.memory_space<hbm>> -> memref<1x64xi32, #tpu.memory_space<hbm>>
    %dma_wait3A_35 = tpu.memref_squeeze %dma_wait3A_34 : memref<1x64xi32, #tpu.memory_space<hbm>> -> memref<64xi32, #tpu.memory_space<hbm>>
    %dma_wait3A_36 = arith.constant 0 : i32
    %dma_wait3A_37 = tpu.memref_slice %arg3[%dma_wait3A, %dma_wait3A_36] : memref<2560x64xi32, #tpu.memory_space<hbm>> -> memref<1x64xi32, #tpu.memory_space<hbm>>
    %dma_wait3A_38 = tpu.memref_squeeze %dma_wait3A_37 : memref<1x64xi32, #tpu.memory_space<hbm>> -> memref<64xi32, #tpu.memory_space<hbm>>
    tpu.wait_dma2 semaphore(%arg19 : memref<!tpu.dma_semaphore, #tpu.memory_space<semaphore_mem>>) src(%dma_wait3A_38 : memref<64xi32, #tpu.memory_space<hbm>>) dst(%arg8 : memref<64xi32, #tpu.memory_space<vmem>>)
    %dma_wait3A_39 = arith.constant 0 : i32
    %dma_wait3A_40 = arith.constant 0 : i32
    %dma_wait3A_41 = tpu.memref_slice %arg4[%dma_wait3A_39, %dma_wait3A_40] : memref<2560x64xi32, #tpu.memory_space<hbm>> -> memref<1x64xi32, #tpu.memory_space<hbm>>
    %dma_wait3A_42 = tpu.memref_squeeze %dma_wait3A_41 : memref<1x64xi32, #tpu.memory_space<hbm>> -> memref<64xi32, #tpu.memory_space<hbm>>
    %dma_wait3A_43 = arith.constant 0 : i32
    %dma_wait3A_44 = tpu.memref_slice %arg4[%dma_wait3A_39, %dma_wait3A_43] : memref<2560x64xi32, #tpu.memory_space<hbm>> -> memref<1x64xi32, #tpu.memory_space<hbm>>
    %dma_wait3A_45 = tpu.memref_squeeze %dma_wait3A_44 : memref<1x64xi32, #tpu.memory_space<hbm>> -> memref<64xi32, #tpu.memory_space<hbm>>
    tpu.wait_dma2 semaphore(%arg19 : memref<!tpu.dma_semaphore, #tpu.memory_space<semaphore_mem>>) src(%dma_wait3A_45 : memref<64xi32, #tpu.memory_space<hbm>>) dst(%arg10 : memref<64xi32, #tpu.memory_space<vmem>>)
    %get3A = arith.constant 0 : index
    %get3A_46 = tpu.vector_load %arg8[%get3A] {strides = array<i32>} : memref<64xi32, #tpu.memory_space<vmem>>, vector<16xi32>,
    %get3A_47 = vector.shape_cast %get3A_46 : vector<16xi32> to vector<16xi32>
    %mul3A_48 = arith.constant 2 : i32
    %mul3A_49 = vector.broadcast %mul3A_48 : i32 to vector<16xi32>
    %mul3A_50 = arith.muli %get3A_47, %mul3A_49 : vector<16xi32>
    %add3A_51 = vector.broadcast %add3A_5 : i32 to vector<16xi32>
    %add3A_52 = arith.addi %mul3A_50, %add3A_51 : vector<16xi32>
    %swap3A = arith.constant 0 : index
    %swap3A_53 = tpu.vector_load %arg12[%swap3A] {strides = array<i32>} : memref<64xi32, #tpu.memory_space<vmem>>, vector<16xi32>,
    %swap3A_54 = vector.shape_cast %swap3A_53 : vector<16xi32> to vector<16xi32>
    %swap3A_55 = vector.shape_cast %add3A_52 : vector<16xi32> to vector<16xi32>
    tpu.vector_store %arg12[%swap3A], %swap3A_55 {strides = array<i32>} : memref<64xi32, #tpu.memory_space<vmem>>, vector<16xi32>,
    %get3A_56 = arith.constant 16 : index
    %get3A_57 = tpu.vector_load %arg8[%get3A_56] {strides = array<i32>} : memref<64xi32, #tpu.memory_space<vmem>>, vector<16xi32>,
    %get3A_58 = vector.shape_cast %get3A_57 : vector<16xi32> to vector<16xi32>
    %mul3A_59 = arith.constant 2 : i32
    %mul3A_60 = vector.broadcast %mul3A_59 : i32 to vector<16xi32>
    %mul3A_61 = arith.muli %get3A_58, %mul3A_60 : vector<16xi32>
    %add3A_62 = vector.broadcast %add3A_5 : i32 to vector<16xi32>
    %add3A_63 = arith.addi %mul3A_61, %add3A_62 : vector<16xi32>
    %swap3A_64 = arith.constant 16 : index
    %swap3A_65 = tpu.vector_load %arg12[%swap3A_64] {strides = array<i32>} : memref<64xi32, #tpu.memory_space<vmem>>, vector<16xi32>,
    %swap3A_66 = vector.shape_cast %swap3A_65 : vector<16xi32> to vector<16xi32>
    %swap3A_67 = vector.shape_cast %add3A_63 : vector<16xi32> to vector<16xi32>
    tpu.vector_store %arg12[%swap3A_64], %swap3A_67 {strides = array<i32>} : memref<64xi32, #tpu.memory_space<vmem>>, vector<16xi32>,
    %get3A_68 = arith.constant 32 : index
    %get3A_69 = tpu.vector_load %arg8[%get3A_68] {strides = array<i32>} : memref<64xi32, #tpu.memory_space<vmem>>, vector<16xi32>,
    %get3A_70 = vector.shape_cast %get3A_69 : vector<16xi32> to vector<16xi32>
    %mul3A_71 = arith.constant 2 : i32
    %mul3A_72 = vector.broadcast %mul3A_71 : i32 to vector<16xi32>
    %mul3A_73 = arith.muli %get3A_70, %mul3A_72 : vector<16xi32>
    %add3A_74 = vector.broadcast %add3A_5 : i32 to vector<16xi32>
    %add3A_75 = arith.addi %mul3A_73, %add3A_74 : vector<16xi32>
    %swap3A_76 = arith.constant 32 : index
    %swap3A_77 = tpu.vector_load %arg12[%swap3A_76] {strides = array<i32>} : memref<64xi32, #tpu.memory_space<vmem>>, vector<16xi32>,
    %swap3A_78 = vector.shape_cast %swap3A_77 : vector<16xi32> to vector<16xi32>
    %swap3A_79 = vector.shape_cast %add3A_75 : vector<16xi32> to vector<16xi32>
    tpu.vector_store %arg12[%swap3A_76], %swap3A_79 {strides = array<i32>} : memref<64xi32, #tpu.memory_space<vmem>>, vector<16xi32>,
    %get3A_80 = arith.constant 48 : index
    %get3A_81 = tpu.vector_load %arg8[%get3A_80] {strides = array<i32>} : memref<64xi32, #tpu.memory_space<vmem>>, vector<16xi32>,
    %get3A_82 = vector.shape_cast %get3A_81 : vector<16xi32> to vector<16xi32>
    %mul3A_83 = arith.constant 2 : i32
    %mul3A_84 = vector.broadcast %mul3A_83 : i32 to vector<16xi32>
    %mul3A_85 = arith.muli %get3A_82, %mul3A_84 : vector<16xi32>
    %add3A_86 = vector.broadcast %add3A_5 : i32 to vector<16xi32>
    %add3A_87 = arith.addi %mul3A_85, %add3A_86 : vector<16xi32>
    %swap3A_88 = arith.constant 48 : index
    %swap3A_89 = tpu.vector_load %arg12[%swap3A_88] {strides = array<i32>} : memref<64xi32, #tpu.memory_space<vmem>>, vector<16xi32>,
    %swap3A_90 = vector.shape_cast %swap3A_89 : vector<16xi32> to vector<16xi32>
    %swap3A_91 = vector.shape_cast %add3A_87 : vector<16xi32> to vector<16xi32>
    tpu.vector_store %arg12[%swap3A_88], %swap3A_91 {strides = array<i32>} : memref<64xi32, #tpu.memory_space<vmem>>, vector<16xi32>,
    %dma_start3A_92 = arith.constant 0 : i32
    %dma_start3A_93 = arith.constant 0 : i32
    %dma_start3A_94 = tpu.memref_slice %arg2[%dma_start3A_92, %dma_start3A_93] : memref<20000x128xf32, #tpu.memory_space<hbm>> -> memref<20000x128xf32, #tpu.memory_space<hbm>>
    tpu.enqueue_indirect_dma source(%dma_start3A_94 : memref<20000x128xf32, #tpu.memory_space<hbm>>) target(%arg14 : memref<64x128xf32, #tpu.memory_space<vmem>>) offsets(%arg12 : memref<64xi32, #tpu.memory_space<vmem>>) semaphore(%arg17 : memref<!tpu.dma_semaphore, #tpu.memory_space<semaphore_mem>>)
    %barrier3A = arith.constant 0 : index
    tpu.barrier barrier_id(%barrier3A)
    %scan3A = arith.constant 0 : i32
    %scan3A_95 = arith.constant 0 : i32
    %scan3A_96 = arith.constant 80 : i32
    %scan3A_97 = arith.addi %scan3A_95, %scan3A_96 : i32
    %scan3A_98 = arith.constant 1 : i32
    scf.for %scan3A_173 = %scan3A_95 to %scan3A_97 step %scan3A_98  : i32 {
      %mul3A_174 = arith.constant 2 : i32
      %mul3A_175 = arith.muli %mul3A_174, %scan3A_173 : i32
      %add3A_176 = arith.constant 0 : i32
      %add3A_177 = arith.addi %mul3A_175, %add3A_176 : i32
      %dma_wait3A_178 = arith.constant 0 : i32
      %dma_wait3A_179 = arith.constant 0 : i32
      %dma_wait3A_180 = tpu.memref_slice %arg3[%dma_wait3A_178, %dma_wait3A_179] : memref<2560x64xi32, #tpu.memory_space<hbm>> -> memref<1x64xi32, #tpu.memory_space<hbm>>
      %dma_wait3A_181 = tpu.memref_squeeze %dma_wait3A_180 : memref<1x64xi32, #tpu.memory_space<hbm>> -> memref<64xi32, #tpu.memory_space<hbm>>
      %dma_wait3A_182 = arith.constant 0 : i32
      %dma_wait3A_183 = tpu.memref_slice %arg3[%dma_wait3A_178, %dma_wait3A_182] : memref<2560x64xi32, #tpu.memory_space<hbm>> -> memref<1x64xi32, #tpu.memory_space<hbm>>
      %dma_wait3A_184 = tpu.memref_squeeze %dma_wait3A_183 : memref<1x64xi32, #tpu.memory_space<hbm>> -> memref<64xi32, #tpu.memory_space<hbm>>
      tpu.wait_dma2 semaphore(%arg20 : memref<!tpu.dma_semaphore, #tpu.memory_space<semaphore_mem>>) src(%dma_wait3A_184 : memref<64xi32, #tpu.memory_space<hbm>>) dst(%arg9 : memref<64xi32, #tpu.memory_space<vmem>>)
      %dma_wait3A_185 = arith.constant 0 : i32
      %dma_wait3A_186 = arith.constant 0 : i32
      %dma_wait3A_187 = tpu.memref_slice %arg4[%dma_wait3A_185, %dma_wait3A_186] : memref<2560x64xi32, #tpu.memory_space<hbm>> -> memref<1x64xi32, #tpu.memory_space<hbm>>
      %dma_wait3A_188 = tpu.memref_squeeze %dma_wait3A_187 : memref<1x64xi32, #tpu.memory_space<hbm>> -> memref<64xi32, #tpu.memory_space<hbm>>
      %dma_wait3A_189 = arith.constant 0 : i32
      %dma_wait3A_190 = tpu.memref_slice %arg4[%dma_wait3A_185, %dma_wait3A_189] : memref<2560x64xi32, #tpu.memory_space<hbm>> -> memref<1x64xi32, #tpu.memory_space<hbm>>
      %dma_wait3A_191 = tpu.memref_squeeze %dma_wait3A_190 : memref<1x64xi32, #tpu.memory_space<hbm>> -> memref<64xi32, #tpu.memory_space<hbm>>
      tpu.wait_dma2 semaphore(%arg20 : memref<!tpu.dma_semaphore, #tpu.memory_space<semaphore_mem>>) src(%dma_wait3A_191 : memref<64xi32, #tpu.memory_space<hbm>>) dst(%arg11 : memref<64xi32, #tpu.memory_space<vmem>>)
      %get3A_192 = arith.constant 0 : index
      %get3A_193 = tpu.vector_load %arg9[%get3A_192] {strides = array<i32>} : memref<64xi32, #tpu.memory_space<vmem>>, vector<16xi32>,
      %get3A_194 = vector.shape_cast %get3A_193 : vector<16xi32> to vector<16xi32>
      %mul3A_195 = arith.constant 2 : i32
      %mul3A_196 = vector.broadcast %mul3A_195 : i32 to vector<16xi32>
      %mul3A_197 = arith.muli %get3A_194, %mul3A_196 : vector<16xi32>
      %add3A_198 = vector.broadcast %add3A_5 : i32 to vector<16xi32>
      %add3A_199 = arith.addi %mul3A_197, %add3A_198 : vector<16xi32>
      %swap3A_200 = arith.constant 0 : index
      %swap3A_201 = tpu.vector_load %arg13[%swap3A_200] {strides = array<i32>} : memref<64xi32, #tpu.memory_space<vmem>>, vector<16xi32>,
      %swap3A_202 = vector.shape_cast %swap3A_201 : vector<16xi32> to vector<16xi32>
      %swap3A_203 = vector.shape_cast %add3A_199 : vector<16xi32> to vector<16xi32>
      tpu.vector_store %arg13[%swap3A_200], %swap3A_203 {strides = array<i32>} : memref<64xi32, #tpu.memory_space<vmem>>, vector<16xi32>,
      %get3A_204 = arith.constant 16 : index
      %get3A_205 = tpu.vector_load %arg9[%get3A_204] {strides = array<i32>} : memref<64xi32, #tpu.memory_space<vmem>>, vector<16xi32>,
      %get3A_206 = vector.shape_cast %get3A_205 : vector<16xi32> to vector<16xi32>
      %mul3A_207 = arith.constant 2 : i32
      %mul3A_208 = vector.broadcast %mul3A_207 : i32 to vector<16xi32>
      %mul3A_209 = arith.muli %get3A_206, %mul3A_208 : vector<16xi32>
      %add3A_210 = vector.broadcast %add3A_5 : i32 to vector<16xi32>
      %add3A_211 = arith.addi %mul3A_209, %add3A_210 : vector<16xi32>
      %swap3A_212 = arith.constant 16 : index
      %swap3A_213 = tpu.vector_load %arg13[%swap3A_212] {strides = array<i32>} : memref<64xi32, #tpu.memory_space<vmem>>, vector<16xi32>,
      %swap3A_214 = vector.shape_cast %swap3A_213 : vector<16xi32> to vector<16xi32>
      %swap3A_215 = vector.shape_cast %add3A_211 : vector<16xi32> to vector<16xi32>
      tpu.vector_store %arg13[%swap3A_212], %swap3A_215 {strides = array<i32>} : memref<64xi32, #tpu.memory_space<vmem>>, vector<16xi32>,
      %get3A_216 = arith.constant 32 : index
      %get3A_217 = tpu.vector_load %arg9[%get3A_216] {strides = array<i32>} : memref<64xi32, #tpu.memory_space<vmem>>, vector<16xi32>,
      %get3A_218 = vector.shape_cast %get3A_217 : vector<16xi32> to vector<16xi32>
      %mul3A_219 = arith.constant 2 : i32
      %mul3A_220 = vector.broadcast %mul3A_219 : i32 to vector<16xi32>
      %mul3A_221 = arith.muli %get3A_218, %mul3A_220 : vector<16xi32>
      %add3A_222 = vector.broadcast %add3A_5 : i32 to vector<16xi32>
      %add3A_223 = arith.addi %mul3A_221, %add3A_222 : vector<16xi32>
      %swap3A_224 = arith.constant 32 : index
      %swap3A_225 = tpu.vector_load %arg13[%swap3A_224] {strides = array<i32>} : memref<64xi32, #tpu.memory_space<vmem>>, vector<16xi32>,
      %swap3A_226 = vector.shape_cast %swap3A_225 : vector<16xi32> to vector<16xi32>
      %swap3A_227 = vector.shape_cast %add3A_223 : vector<16xi32> to vector<16xi32>
      tpu.vector_store %arg13[%swap3A_224], %swap3A_227 {strides = array<i32>} : memref<64xi32, #tpu.memory_space<vmem>>, vector<16xi32>,
      %get3A_228 = arith.constant 48 : index
      %get3A_229 = tpu.vector_load %arg9[%get3A_228] {strides = array<i32>} : memref<64xi32, #tpu.memory_space<vmem>>, vector<16xi32>,
      %get3A_230 = vector.shape_cast %get3A_229 : vector<16xi32> to vector<16xi32>
      %mul3A_231 = arith.constant 2 : i32
      %mul3A_232 = vector.broadcast %mul3A_231 : i32 to vector<16xi32>
      %mul3A_233 = arith.muli %get3A_230, %mul3A_232 : vector<16xi32>
      %add3A_234 = vector.broadcast %add3A_5 : i32 to vector<16xi32>
      %add3A_235 = arith.addi %mul3A_233, %add3A_234 : vector<16xi32>
      %swap3A_236 = arith.constant 48 : index
      %swap3A_237 = tpu.vector_load %arg13[%swap3A_236] {strides = array<i32>} : memref<64xi32, #tpu.memory_space<vmem>>, vector<16xi32>,
      %swap3A_238 = vector.shape_cast %swap3A_237 : vector<16xi32> to vector<16xi32>
      %swap3A_239 = vector.shape_cast %add3A_235 : vector<16xi32> to vector<16xi32>
      tpu.vector_store %arg13[%swap3A_236], %swap3A_239 {strides = array<i32>} : memref<64xi32, #tpu.memory_space<vmem>>, vector<16xi32>,
      %dma_wait3A_240 = arith.constant 0 : i32
      %dma_wait3A_241 = arith.constant 0 : i32
      %dma_wait3A_242 = tpu.memref_slice %arg2[%dma_wait3A_240, %dma_wait3A_241] : memref<20000x128xf32, #tpu.memory_space<hbm>> -> memref<64x128xf32, #tpu.memory_space<hbm>>
      %dma_wait3A_243 = arith.constant 0 : i32
      %dma_wait3A_244 = arith.constant 0 : i32
      %dma_wait3A_245 = tpu.memref_slice %arg2[%dma_wait3A_243, %dma_wait3A_244] : memref<20000x128xf32, #tpu.memory_space<hbm>> -> memref<64x128xf32, #tpu.memory_space<hbm>>
      tpu.wait_dma2 semaphore(%arg17 : memref<!tpu.dma_semaphore, #tpu.memory_space<semaphore_mem>>) src(%dma_wait3A_245 : memref<64x128xf32, #tpu.memory_space<hbm>>) dst(%arg14 : memref<64x128xf32, #tpu.memory_space<vmem>>)
      %dma_start3A_246 = arith.constant 0 : i32
      %dma_start3A_247 = arith.constant 0 : i32
      %dma_start3A_248 = tpu.memref_slice %arg2[%dma_start3A_246, %dma_start3A_247] : memref<20000x128xf32, #tpu.memory_space<hbm>> -> memref<20000x128xf32, #tpu.memory_space<hbm>>
      tpu.enqueue_indirect_dma source(%dma_start3A_248 : memref<20000x128xf32, #tpu.memory_space<hbm>>) target(%arg15 : memref<64x128xf32, #tpu.memory_space<vmem>>) offsets(%arg13 : memref<64xi32, #tpu.memory_space<vmem>>) semaphore(%arg18 : memref<!tpu.dma_semaphore, #tpu.memory_space<semaphore_mem>>)
      "tpu.region"() ({
        %run_scoped3A = tpu.sem_alloc : memref<!tpu.dma_semaphore, #tpu.memory_space<semaphore_mem>>
        %dma_start3A_355 = arith.constant 0 : i32
        %dma_start3A_356 = arith.constant 0 : i32
        %dma_start3A_357 = tpu.memref_slice %arg16[%dma_start3A_355, %dma_start3A_356] : memref<10112x128xf32, #tpu.memory_space<vmem_shared>> -> memref<10112x128xf32, #tpu.memory_space<vmem_shared>>
        tpu.enqueue_indirect_dma source(%arg14 : memref<64x128xf32, #tpu.memory_space<vmem>>) target(%dma_start3A_357 : memref<10112x128xf32, #tpu.memory_space<vmem_shared>>) offsets(%arg10 : memref<64xi32, #tpu.memory_space<vmem>>) semaphore(%run_scoped3A : memref<!tpu.dma_semaphore, #tpu.memory_space<semaphore_mem>>) {add = true}
        %dma_wait3A_358 = arith.constant 0 : i32
        %dma_wait3A_359 = arith.constant 0 : i32
        %dma_wait3A_360 = tpu.memref_slice %arg16[%dma_wait3A_358, %dma_wait3A_359] : memref<10112x128xf32, #tpu.memory_space<vmem_shared>> -> memref<10112x128xf32, #tpu.memory_space<vmem_shared>>
        tpu.wait_indirect_dma semaphore(%run_scoped3A : memref<!tpu.dma_semaphore, #tpu.memory_space<semaphore_mem>>) src(%arg14 : memref<64x128xf32, #tpu.memory_space<vmem>>) dst(%dma_wait3A_360 : memref<10112x128xf32, #tpu.memory_space<vmem_shared>>)
        tpu.yield
      }) : () -> ()
      %add3A_249 = arith.constant 2 : i32
      %add3A_250 = arith.addi %add3A_177, %add3A_249 : i32
      %rem3A = arith.constant 160 : i32
      %rem3A_251 = arith.remsi %add3A_250, %rem3A : i32
      %add3A_252 = arith.addi %mul3A_2, %rem3A_251 : i32
      %dma_start3A_253 = arith.constant 0 : i32
      %dma_start3A_254 = tpu.memref_slice %arg3[%add3A_252, %dma_start3A_253] : memref<2560x64xi32, #tpu.memory_space<hbm>> -> memref<1x64xi32, #tpu.memory_space<hbm>>
      %dma_start3A_255 = tpu.memref_squeeze %dma_start3A_254 : memref<1x64xi32, #tpu.memory_space<hbm>> -> memref<64xi32, #tpu.memory_space<hbm>>
      %dma_start3A_256 = arith.constant 0 : i32
      %dma_start3A_257 = tpu.memref_slice %arg3[%add3A_252, %dma_start3A_256] : memref<2560x64xi32, #tpu.memory_space<hbm>> -> memref<1x64xi32, #tpu.memory_space<hbm>>
      %dma_start3A_258 = tpu.memref_squeeze %dma_start3A_257 : memref<1x64xi32, #tpu.memory_space<hbm>> -> memref<64xi32, #tpu.memory_space<hbm>>
      tpu.enqueue_dma source(%dma_start3A_258 : memref<64xi32, #tpu.memory_space<hbm>>) target(%arg8 : memref<64xi32, #tpu.memory_space<vmem>>) target_semaphore(%arg19 : memref<!tpu.dma_semaphore, #tpu.memory_space<semaphore_mem>>)
      %dma_start3A_259 = arith.constant 0 : i32
      %dma_start3A_260 = tpu.memref_slice %arg4[%add3A_252, %dma_start3A_259] : memref<2560x64xi32, #tpu.memory_space<hbm>> -> memref<1x64xi32, #tpu.memory_space<hbm>>
      %dma_start3A_261 = tpu.memref_squeeze %dma_start3A_260 : memref<1x64xi32, #tpu.memory_space<hbm>> -> memref<64xi32, #tpu.memory_space<hbm>>
      %dma_start3A_262 = arith.constant 0 : i32
      %dma_start3A_263 = tpu.memref_slice %arg4[%add3A_252, %dma_start3A_262] : memref<2560x64xi32, #tpu.memory_space<hbm>> -> memref<1x64xi32, #tpu.memory_space<hbm>>
      %dma_start3A_264 = tpu.memref_squeeze %dma_start3A_263 : memref<1x64xi32, #tpu.memory_space<hbm>> -> memref<64xi32, #tpu.memory_space<hbm>>
      tpu.enqueue_dma source(%dma_start3A_264 : memref<64xi32, #tpu.memory_space<hbm>>) target(%arg10 : memref<64xi32, #tpu.memory_space<vmem>>) target_semaphore(%arg19 : memref<!tpu.dma_semaphore, #tpu.memory_space<semaphore_mem>>)
      %add3A_265 = arith.constant 1 : i32
      %add3A_266 = arith.addi %mul3A_175, %add3A_265 : i32
      %dma_wait3A_267 = arith.constant 0 : i32
      %dma_wait3A_268 = arith.constant 0 : i32
      %dma_wait3A_269 = tpu.memref_slice %arg3[%dma_wait3A_267, %dma_wait3A_268] : memref<2560x64xi32, #tpu.memory_space<hbm>> -> memref<1x64xi32, #tpu.memory_space<hbm>>
      %dma_wait3A_270 = tpu.memref_squeeze %dma_wait3A_269 : memref<1x64xi32, #tpu.memory_space<hbm>> -> memref<64xi32, #tpu.memory_space<hbm>>
      %dma_wait3A_271 = arith.constant 0 : i32
      %dma_wait3A_272 = tpu.memref_slice %arg3[%dma_wait3A_267, %dma_wait3A_271] : memref<2560x64xi32, #tpu.memory_space<hbm>> -> memref<1x64xi32, #tpu.memory_space<hbm>>
      %dma_wait3A_273 = tpu.memref_squeeze %dma_wait3A_272 : memref<1x64xi32, #tpu.memory_space<hbm>> -> memref<64xi32, #tpu.memory_space<hbm>>
      tpu.wait_dma2 semaphore(%arg19 : memref<!tpu.dma_semaphore, #tpu.memory_space<semaphore_mem>>) src(%dma_wait3A_273 : memref<64xi32, #tpu.memory_space<hbm>>) dst(%arg8 : memref<64xi32, #tpu.memory_space<vmem>>)
      %dma_wait3A_274 = arith.constant 0 : i32
      %dma_wait3A_275 = arith.constant 0 : i32
      %dma_wait3A_276 = tpu.memref_slice %arg4[%dma_wait3A_274, %dma_wait3A_275] : memref<2560x64xi32, #tpu.memory_space<hbm>> -> memref<1x64xi32, #tpu.memory_space<hbm>>
      %dma_wait3A_277 = tpu.memref_squeeze %dma_wait3A_276 : memref<1x64xi32, #tpu.memory_space<hbm>> -> memref<64xi32, #tpu.memory_space<hbm>>
      %dma_wait3A_278 = arith.constant 0 : i32
      %dma_wait3A_279 = tpu.memref_slice %arg4[%dma_wait3A_274, %dma_wait3A_278] : memref<2560x64xi32, #tpu.memory_space<hbm>> -> memref<1x64xi32, #tpu.memory_space<hbm>>
      %dma_wait3A_280 = tpu.memref_squeeze %dma_wait3A_279 : memref<1x64xi32, #tpu.memory_space<hbm>> -> memref<64xi32, #tpu.memory_space<hbm>>
      tpu.wait_dma2 semaphore(%arg19 : memref<!tpu.dma_semaphore, #tpu.memory_space<semaphore_mem>>) src(%dma_wait3A_280 : memref<64xi32, #tpu.memory_space<hbm>>) dst(%arg10 : memref<64xi32, #tpu.memory_space<vmem>>)
      %get3A_281 = arith.constant 0 : index
      %get3A_282 = tpu.vector_load %arg8[%get3A_281] {strides = array<i32>} : memref<64xi32, #tpu.memory_space<vmem>>, vector<16xi32>,
      %get3A_283 = vector.shape_cast %get3A_282 : vector<16xi32> to vector<16xi32>
      %mul3A_284 = arith.constant 2 : i32
      %mul3A_285 = vector.broadcast %mul3A_284 : i32 to vector<16xi32>
      %mul3A_286 = arith.muli %get3A_283, %mul3A_285 : vector<16xi32>
      %add3A_287 = vector.broadcast %add3A_5 : i32 to vector<16xi32>
      %add3A_288 = arith.addi %mul3A_286, %add3A_287 : vector<16xi32>
      %swap3A_289 = arith.constant 0 : index
      %swap3A_290 = tpu.vector_load %arg12[%swap3A_289] {strides = array<i32>} : memref<64xi32, #tpu.memory_space<vmem>>, vector<16xi32>,
      %swap3A_291 = vector.shape_cast %swap3A_290 : vector<16xi32> to vector<16xi32>
      %swap3A_292 = vector.shape_cast %add3A_288 : vector<16xi32> to vector<16xi32>
      tpu.vector_store %arg12[%swap3A_289], %swap3A_292 {strides = array<i32>} : memref<64xi32, #tpu.memory_space<vmem>>, vector<16xi32>,
      %get3A_293 = arith.constant 16 : index
      %get3A_294 = tpu.vector_load %arg8[%get3A_293] {strides = array<i32>} : memref<64xi32, #tpu.memory_space<vmem>>, vector<16xi32>,
      %get3A_295 = vector.shape_cast %get3A_294 : vector<16xi32> to vector<16xi32>
      %mul3A_296 = arith.constant 2 : i32
      %mul3A_297 = vector.broadcast %mul3A_296 : i32 to vector<16xi32>
      %mul3A_298 = arith.muli %get3A_295, %mul3A_297 : vector<16xi32>
      %add3A_299 = vector.broadcast %add3A_5 : i32 to vector<16xi32>
      %add3A_300 = arith.addi %mul3A_298, %add3A_299 : vector<16xi32>
      %swap3A_301 = arith.constant 16 : index
      %swap3A_302 = tpu.vector_load %arg12[%swap3A_301] {strides = array<i32>} : memref<64xi32, #tpu.memory_space<vmem>>, vector<16xi32>,
      %swap3A_303 = vector.shape_cast %swap3A_302 : vector<16xi32> to vector<16xi32>
      %swap3A_304 = vector.shape_cast %add3A_300 : vector<16xi32> to vector<16xi32>
      tpu.vector_store %arg12[%swap3A_301], %swap3A_304 {strides = array<i32>} : memref<64xi32, #tpu.memory_space<vmem>>, vector<16xi32>,
      %get3A_305 = arith.constant 32 : index
      %get3A_306 = tpu.vector_load %arg8[%get3A_305] {strides = array<i32>} : memref<64xi32, #tpu.memory_space<vmem>>, vector<16xi32>,
      %get3A_307 = vector.shape_cast %get3A_306 : vector<16xi32> to vector<16xi32>
      %mul3A_308 = arith.constant 2 : i32
      %mul3A_309 = vector.broadcast %mul3A_308 : i32 to vector<16xi32>
      %mul3A_310 = arith.muli %get3A_307, %mul3A_309 : vector<16xi32>
      %add3A_311 = vector.broadcast %add3A_5 : i32 to vector<16xi32>
      %add3A_312 = arith.addi %mul3A_310, %add3A_311 : vector<16xi32>
      %swap3A_313 = arith.constant 32 : index
      %swap3A_314 = tpu.vector_load %arg12[%swap3A_313] {strides = array<i32>} : memref<64xi32, #tpu.memory_space<vmem>>, vector<16xi32>,
      %swap3A_315 = vector.shape_cast %swap3A_314 : vector<16xi32> to vector<16xi32>
      %swap3A_316 = vector.shape_cast %add3A_312 : vector<16xi32> to vector<16xi32>
      tpu.vector_store %arg12[%swap3A_313], %swap3A_316 {strides = array<i32>} : memref<64xi32, #tpu.memory_space<vmem>>, vector<16xi32>,
      %get3A_317 = arith.constant 48 : index
      %get3A_318 = tpu.vector_load %arg8[%get3A_317] {strides = array<i32>} : memref<64xi32, #tpu.memory_space<vmem>>, vector<16xi32>,
      %get3A_319 = vector.shape_cast %get3A_318 : vector<16xi32> to vector<16xi32>
      %mul3A_320 = arith.constant 2 : i32
      %mul3A_321 = vector.broadcast %mul3A_320 : i32 to vector<16xi32>
      %mul3A_322 = arith.muli %get3A_319, %mul3A_321 : vector<16xi32>
      %add3A_323 = vector.broadcast %add3A_5 : i32 to vector<16xi32>
      %add3A_324 = arith.addi %mul3A_322, %add3A_323 : vector<16xi32>
      %swap3A_325 = arith.constant 48 : index
      %swap3A_326 = tpu.vector_load %arg12[%swap3A_325] {strides = array<i32>} : memref<64xi32, #tpu.memory_space<vmem>>, vector<16xi32>,
      %swap3A_327 = vector.shape_cast %swap3A_326 : vector<16xi32> to vector<16xi32>
      %swap3A_328 = vector.shape_cast %add3A_324 : vector<16xi32> to vector<16xi32>
      tpu.vector_store %arg12[%swap3A_325], %swap3A_328 {strides = array<i32>} : memref<64xi32, #tpu.memory_space<vmem>>, vector<16xi32>,
      %dma_wait3A_329 = arith.constant 0 : i32
      %dma_wait3A_330 = arith.constant 0 : i32
      %dma_wait3A_331 = tpu.memref_slice %arg2[%dma_wait3A_329, %dma_wait3A_330] : memref<20000x128xf32, #tpu.memory_space<hbm>> -> memref<64x128xf32, #tpu.memory_space<hbm>>
      %dma_wait3A_332 = arith.constant 0 : i32
      %dma_wait3A_333 = arith.constant 0 : i32
      %dma_wait3A_334 = tpu.memref_slice %arg2[%dma_wait3A_332, %dma_wait3A_333] : memref<20000x128xf32, #tpu.memory_space<hbm>> -> memref<64x128xf32, #tpu.memory_space<hbm>>
      tpu.wait_dma2 semaphore(%arg18 : memref<!tpu.dma_semaphore, #tpu.memory_space<semaphore_mem>>) src(%dma_wait3A_334 : memref<64x128xf32, #tpu.memory_space<hbm>>) dst(%arg15 : memref<64x128xf32, #tpu.memory_space<vmem>>)
      %dma_start3A_335 = arith.constant 0 : i32
      %dma_start3A_336 = arith.constant 0 : i32
      %dma_start3A_337 = tpu.memref_slice %arg2[%dma_start3A_335, %dma_start3A_336] : memref<20000x128xf32, #tpu.memory_space<hbm>> -> memref<20000x128xf32, #tpu.memory_space<hbm>>
      tpu.enqueue_indirect_dma source(%dma_start3A_337 : memref<20000x128xf32, #tpu.memory_space<hbm>>) target(%arg14 : memref<64x128xf32, #tpu.memory_space<vmem>>) offsets(%arg12 : memref<64xi32, #tpu.memory_space<vmem>>) semaphore(%arg17 : memref<!tpu.dma_semaphore, #tpu.memory_space<semaphore_mem>>)
      "tpu.region"() ({
        %run_scoped3A = tpu.sem_alloc : memref<!tpu.dma_semaphore, #tpu.memory_space<semaphore_mem>>
        %dma_start3A_355 = arith.constant 0 : i32
        %dma_start3A_356 = arith.constant 0 : i32
        %dma_start3A_357 = tpu.memref_slice %arg16[%dma_start3A_355, %dma_start3A_356] : memref<10112x128xf32, #tpu.memory_space<vmem_shared>> -> memref<10112x128xf32, #tpu.memory_space<vmem_shared>>
        tpu.enqueue_indirect_dma source(%arg15 : memref<64x128xf32, #tpu.memory_space<vmem>>) target(%dma_start3A_357 : memref<10112x128xf32, #tpu.memory_space<vmem_shared>>) offsets(%arg11 : memref<64xi32, #tpu.memory_space<vmem>>) semaphore(%run_scoped3A : memref<!tpu.dma_semaphore, #tpu.memory_space<semaphore_mem>>) {add = true}
        %dma_wait3A_358 = arith.constant 0 : i32
        %dma_wait3A_359 = arith.constant 0 : i32
        %dma_wait3A_360 = tpu.memref_slice %arg16[%dma_wait3A_358, %dma_wait3A_359] : memref<10112x128xf32, #tpu.memory_space<vmem_shared>> -> memref<10112x128xf32, #tpu.memory_space<vmem_shared>>
        tpu.wait_indirect_dma semaphore(%run_scoped3A : memref<!tpu.dma_semaphore, #tpu.memory_space<semaphore_mem>>) src(%arg15 : memref<64x128xf32, #tpu.memory_space<vmem>>) dst(%dma_wait3A_360 : memref<10112x128xf32, #tpu.memory_space<vmem_shared>>)
        tpu.yield
      }) : () -> ()
      %add3A_338 = arith.constant 2 : i32
      %add3A_339 = arith.addi %add3A_266, %add3A_338 : i32
      %rem3A_340 = arith.constant 160 : i32
      %rem3A_341 = arith.remsi %add3A_339, %rem3A_340 : i32
      %add3A_342 = arith.addi %mul3A_2, %rem3A_341 : i32
      %dma_start3A_343 = arith.constant 0 : i32
      %dma_start3A_344 = tpu.memref_slice %arg3[%add3A_342, %dma_start3A_343] : memref<2560x64xi32, #tpu.memory_space<hbm>> -> memref<1x64xi32, #tpu.memory_space<hbm>>
      %dma_start3A_345 = tpu.memref_squeeze %dma_start3A_344 : memref<1x64xi32, #tpu.memory_space<hbm>> -> memref<64xi32, #tpu.memory_space<hbm>>
      %dma_start3A_346 = arith.constant 0 : i32
      %dma_start3A_347 = tpu.memref_slice %arg3[%add3A_342, %dma_start3A_346] : memref<2560x64xi32, #tpu.memory_space<hbm>> -> memref<1x64xi32, #tpu.memory_space<hbm>>
      %dma_start3A_348 = tpu.memref_squeeze %dma_start3A_347 : memref<1x64xi32, #tpu.memory_space<hbm>> -> memref<64xi32, #tpu.memory_space<hbm>>
      tpu.enqueue_dma source(%dma_start3A_348 : memref<64xi32, #tpu.memory_space<hbm>>) target(%arg9 : memref<64xi32, #tpu.memory_space<vmem>>) target_semaphore(%arg20 : memref<!tpu.dma_semaphore, #tpu.memory_space<semaphore_mem>>)
      %dma_start3A_349 = arith.constant 0 : i32
      %dma_start3A_350 = tpu.memref_slice %arg4[%add3A_342, %dma_start3A_349] : memref<2560x64xi32, #tpu.memory_space<hbm>> -> memref<1x64xi32, #tpu.memory_space<hbm>>
      %dma_start3A_351 = tpu.memref_squeeze %dma_start3A_350 : memref<1x64xi32, #tpu.memory_space<hbm>> -> memref<64xi32, #tpu.memory_space<hbm>>
      %dma_start3A_352 = arith.constant 0 : i32
      %dma_start3A_353 = tpu.memref_slice %arg4[%add3A_342, %dma_start3A_352] : memref<2560x64xi32, #tpu.memory_space<hbm>> -> memref<1x64xi32, #tpu.memory_space<hbm>>
      %dma_start3A_354 = tpu.memref_squeeze %dma_start3A_353 : memref<1x64xi32, #tpu.memory_space<hbm>> -> memref<64xi32, #tpu.memory_space<hbm>>
      tpu.enqueue_dma source(%dma_start3A_354 : memref<64xi32, #tpu.memory_space<hbm>>) target(%arg11 : memref<64xi32, #tpu.memory_space<vmem>>) target_semaphore(%arg20 : memref<!tpu.dma_semaphore, #tpu.memory_space<semaphore_mem>>)
    }
    %scan3A_99 = arith.constant 80 : i32
    %dma_wait3A_100 = arith.constant 0 : i32
    %dma_wait3A_101 = arith.constant 0 : i32
    %dma_wait3A_102 = tpu.memref_slice %arg2[%dma_wait3A_100, %dma_wait3A_101] : memref<20000x128xf32, #tpu.memory_space<hbm>> -> memref<64x128xf32, #tpu.memory_space<hbm>>
    %dma_wait3A_103 = arith.constant 0 : i32
    %dma_wait3A_104 = arith.constant 0 : i32
    %dma_wait3A_105 = tpu.memref_slice %arg2[%dma_wait3A_103, %dma_wait3A_104] : memref<20000x128xf32, #tpu.memory_space<hbm>> -> memref<64x128xf32, #tpu.memory_space<hbm>>
    tpu.wait_dma2 semaphore(%arg17 : memref<!tpu.dma_semaphore, #tpu.memory_space<semaphore_mem>>) src(%dma_wait3A_105 : memref<64x128xf32, #tpu.memory_space<hbm>>) dst(%arg14 : memref<64x128xf32, #tpu.memory_space<vmem>>)
    %dma_wait3A_106 = arith.constant 0 : i32
    %dma_wait3A_107 = arith.constant 0 : i32
    %dma_wait3A_108 = tpu.memref_slice %arg3[%dma_wait3A_106, %dma_wait3A_107] : memref<2560x64xi32, #tpu.memory_space<hbm>> -> memref<1x64xi32, #tpu.memory_space<hbm>>
    %dma_wait3A_109 = tpu.memref_squeeze %dma_wait3A_108 : memref<1x64xi32, #tpu.memory_space<hbm>> -> memref<64xi32, #tpu.memory_space<hbm>>
    %dma_wait3A_110 = arith.constant 0 : i32
    %dma_wait3A_111 = tpu.memref_slice %arg3[%dma_wait3A_106, %dma_wait3A_110] : memref<2560x64xi32, #tpu.memory_space<hbm>> -> memref<1x64xi32, #tpu.memory_space<hbm>>
    %dma_wait3A_112 = tpu.memref_squeeze %dma_wait3A_111 : memref<1x64xi32, #tpu.memory_space<hbm>> -> memref<64xi32, #tpu.memory_space<hbm>>
    tpu.wait_dma2 semaphore(%arg20 : memref<!tpu.dma_semaphore, #tpu.memory_space<semaphore_mem>>) src(%dma_wait3A_112 : memref<64xi32, #tpu.memory_space<hbm>>) dst(%arg9 : memref<64xi32, #tpu.memory_space<vmem>>)
    %dma_wait3A_113 = arith.constant 0 : i32
    %dma_wait3A_114 = arith.constant 0 : i32
    %dma_wait3A_115 = tpu.memref_slice %arg4[%dma_wait3A_113, %dma_wait3A_114] : memref<2560x64xi32, #tpu.memory_space<hbm>> -> memref<1x64xi32, #tpu.memory_space<hbm>>
    %dma_wait3A_116 = tpu.memref_squeeze %dma_wait3A_115 : memref<1x64xi32, #tpu.memory_space<hbm>> -> memref<64xi32, #tpu.memory_space<hbm>>
    %dma_wait3A_117 = arith.constant 0 : i32
    %dma_wait3A_118 = tpu.memref_slice %arg4[%dma_wait3A_113, %dma_wait3A_117] : memref<2560x64xi32, #tpu.memory_space<hbm>> -> memref<1x64xi32, #tpu.memory_space<hbm>>
    %dma_wait3A_119 = tpu.memref_squeeze %dma_wait3A_118 : memref<1x64xi32, #tpu.memory_space<hbm>> -> memref<64xi32, #tpu.memory_space<hbm>>
    tpu.wait_dma2 semaphore(%arg20 : memref<!tpu.dma_semaphore, #tpu.memory_space<semaphore_mem>>) src(%dma_wait3A_119 : memref<64xi32, #tpu.memory_space<hbm>>) dst(%arg11 : memref<64xi32, #tpu.memory_space<vmem>>)
    %barrier3A_120 = arith.constant 0 : index
    tpu.barrier barrier_id(%barrier3A_120)
    "tpu.region"() ({
      %run_scoped3A = tpu.sem_alloc : memref<!tpu.dma_semaphore, #tpu.memory_space<semaphore_mem>>
      %dma_start3A_173 = arith.constant 0 : i32
      %dma_start3A_174 = tpu.memref_slice %arg6[%add3A_5, %mul3A_0, %dma_start3A_173] : memref<2x10112x128xf32, #tpu.memory_space<hbm>> -> memref<1x632x128xf32, #tpu.memory_space<hbm>>
      %dma_start3A_175 = tpu.memref_squeeze %dma_start3A_174 : memref<1x632x128xf32, #tpu.memory_space<hbm>> -> memref<632x128xf32, #tpu.memory_space<hbm>>
      %dma_start3A_176 = arith.constant 0 : i32
      %dma_start3A_177 = tpu.memref_slice %arg16[%mul3A_0, %dma_start3A_176] : memref<10112x128xf32, #tpu.memory_space<vmem_shared>> -> memref<632x128xf32, #tpu.memory_space<vmem_shared>>
      tpu.enqueue_dma source(%dma_start3A_177 : memref<632x128xf32, #tpu.memory_space<vmem_shared>>) target(%dma_start3A_175 : memref<632x128xf32, #tpu.memory_space<hbm>>) target_semaphore(%run_scoped3A : memref<!tpu.dma_semaphore, #tpu.memory_space<semaphore_mem>>)
      %dma_wait3A_178 = arith.constant 0 : i32
      %dma_wait3A_179 = tpu.memref_slice %arg6[%add3A_5, %mul3A_0, %dma_wait3A_178] : memref<2x10112x128xf32, #tpu.memory_space<hbm>> -> memref<1x632x128xf32, #tpu.memory_space<hbm>>
      %dma_wait3A_180 = tpu.memref_squeeze %dma_wait3A_179 : memref<1x632x128xf32, #tpu.memory_space<hbm>> -> memref<632x128xf32, #tpu.memory_space<hbm>>
      %dma_wait3A_181 = arith.constant 0 : i32
      %dma_wait3A_182 = tpu.memref_slice %arg16[%mul3A_0, %dma_wait3A_181] : memref<10112x128xf32, #tpu.memory_space<vmem_shared>> -> memref<632x128xf32, #tpu.memory_space<vmem_shared>>
      tpu.wait_dma2 semaphore(%run_scoped3A : memref<!tpu.dma_semaphore, #tpu.memory_space<semaphore_mem>>) src(%dma_wait3A_182 : memref<632x128xf32, #tpu.memory_space<vmem_shared>>) dst(%dma_wait3A_180 : memref<632x128xf32, #tpu.memory_space<hbm>>)
      tpu.yield
    }) : () -> ()
    %barrier3A_121 = arith.constant 0 : index
    tpu.barrier barrier_id(%barrier3A_121)
    %eq3A_122 = arith.constant 0 : i32
    %eq3A_123 = arith.cmpi eq, %arg1, %eq3A_122 : i32
    %convert_element_type3A_124 = arith.extui %eq3A_123 : i1 to i32
    %cond3A_125 = arith.constant 0 : i32
    %cond3A_126 = arith.cmpi ne, %convert_element_type3A_124, %cond3A_125 : i32
    scf.if %cond3A_126 {
      "tpu.region"() ({
        %run_scoped3A = tpu.sem_alloc : memref<!tpu.dma_semaphore, #tpu.memory_space<semaphore_mem>>
        tpu.enqueue_dma source(%arg5 : memref<10112x128xf32, #tpu.memory_space<hbm>>) target(%arg16 : memref<10112x128xf32, #tpu.memory_space<vmem_shared>>) target_semaphore(%run_scoped3A : memref<!tpu.dma_semaphore, #tpu.memory_space<semaphore_mem>>)
        tpu.wait_dma2 semaphore(%run_scoped3A : memref<!tpu.dma_semaphore, #tpu.memory_space<semaphore_mem>>) src(%arg5 : memref<10112x128xf32, #tpu.memory_space<hbm>>) dst(%arg16 : memref<10112x128xf32, #tpu.memory_space<vmem_shared>>)
        tpu.yield
      }) : () -> ()
    } else {
    }
    %scan3A_127 = arith.constant 0 : i32
    %scan3A_128 = arith.constant 0 : i32
    %scan3A_129 = arith.constant 64 : i32
    %scan3A_130 = arith.addi %scan3A_128, %scan3A_129 : i32
    %scan3A_131 = arith.constant 1 : i32
    scf.for %scan3A_173 = %scan3A_128 to %scan3A_130 step %scan3A_131  : i32 {
      %broadcast_in_dim3A = arith.constant 1.000000e+00 : f32
      %broadcast_in_dim3A_174 = vector.broadcast %broadcast_in_dim3A : f32 to vector<16xf32>
      %swap3A_175 = arith.index_cast %scan3A_173 : i32 to index
      %swap3A_176 = arith.constant 0 : index
      %swap3A_177 = tpu.vector_load %arg14[%swap3A_175, %swap3A_176] {strides = array<i32>} : memref<64x128xf32, #tpu.memory_space<vmem>>, vector<1x16xf32>,
      %swap3A_178 = vector.shape_cast %swap3A_177 : vector<1x16xf32> to vector<16xf32>
      %swap3A_179 = vector.shape_cast %broadcast_in_dim3A_174 : vector<16xf32> to vector<1x16xf32>
      tpu.vector_store %arg14[%swap3A_175, %swap3A_176], %swap3A_179 {strides = array<i32>} : memref<64x128xf32, #tpu.memory_space<vmem>>, vector<1x16xf32>,
      %swap3A_180 = arith.index_cast %scan3A_173 : i32 to index
      %swap3A_181 = arith.constant 16 : index
      %swap3A_182 = tpu.vector_load %arg14[%swap3A_180, %swap3A_181] {strides = array<i32>} : memref<64x128xf32, #tpu.memory_space<vmem>>, vector<1x16xf32>,
      %swap3A_183 = vector.shape_cast %swap3A_182 : vector<1x16xf32> to vector<16xf32>
      %swap3A_184 = vector.shape_cast %broadcast_in_dim3A_174 : vector<16xf32> to vector<1x16xf32>
      tpu.vector_store %arg14[%swap3A_180, %swap3A_181], %swap3A_184 {strides = array<i32>} : memref<64x128xf32, #tpu.memory_space<vmem>>, vector<1x16xf32>,
      %swap3A_185 = arith.index_cast %scan3A_173 : i32 to index
      %swap3A_186 = arith.constant 32 : index
      %swap3A_187 = tpu.vector_load %arg14[%swap3A_185, %swap3A_186] {strides = array<i32>} : memref<64x128xf32, #tpu.memory_space<vmem>>, vector<1x16xf32>,
      %swap3A_188 = vector.shape_cast %swap3A_187 : vector<1x16xf32> to vector<16xf32>
      %swap3A_189 = vector.shape_cast %broadcast_in_dim3A_174 : vector<16xf32> to vector<1x16xf32>
      tpu.vector_store %arg14[%swap3A_185, %swap3A_186], %swap3A_189 {strides = array<i32>} : memref<64x128xf32, #tpu.memory_space<vmem>>, vector<1x16xf32>,
      %swap3A_190 = arith.index_cast %scan3A_173 : i32 to index
      %swap3A_191 = arith.constant 48 : index
      %swap3A_192 = tpu.vector_load %arg14[%swap3A_190, %swap3A_191] {strides = array<i32>} : memref<64x128xf32, #tpu.memory_space<vmem>>, vector<1x16xf32>,
      %swap3A_193 = vector.shape_cast %swap3A_192 : vector<1x16xf32> to vector<16xf32>
      %swap3A_194 = vector.shape_cast %broadcast_in_dim3A_174 : vector<16xf32> to vector<1x16xf32>
      tpu.vector_store %arg14[%swap3A_190, %swap3A_191], %swap3A_194 {strides = array<i32>} : memref<64x128xf32, #tpu.memory_space<vmem>>, vector<1x16xf32>,
      %swap3A_195 = arith.index_cast %scan3A_173 : i32 to index
      %swap3A_196 = arith.constant 64 : index
      %swap3A_197 = tpu.vector_load %arg14[%swap3A_195, %swap3A_196] {strides = array<i32>} : memref<64x128xf32, #tpu.memory_space<vmem>>, vector<1x16xf32>,
      %swap3A_198 = vector.shape_cast %swap3A_197 : vector<1x16xf32> to vector<16xf32>
      %swap3A_199 = vector.shape_cast %broadcast_in_dim3A_174 : vector<16xf32> to vector<1x16xf32>
      tpu.vector_store %arg14[%swap3A_195, %swap3A_196], %swap3A_199 {strides = array<i32>} : memref<64x128xf32, #tpu.memory_space<vmem>>, vector<1x16xf32>,
      %swap3A_200 = arith.index_cast %scan3A_173 : i32 to index
      %swap3A_201 = arith.constant 80 : index
      %swap3A_202 = tpu.vector_load %arg14[%swap3A_200, %swap3A_201] {strides = array<i32>} : memref<64x128xf32, #tpu.memory_space<vmem>>, vector<1x16xf32>,
      %swap3A_203 = vector.shape_cast %swap3A_202 : vector<1x16xf32> to vector<16xf32>
      %swap3A_204 = vector.shape_cast %broadcast_in_dim3A_174 : vector<16xf32> to vector<1x16xf32>
      tpu.vector_store %arg14[%swap3A_200, %swap3A_201], %swap3A_204 {strides = array<i32>} : memref<64x128xf32, #tpu.memory_space<vmem>>, vector<1x16xf32>,
      %swap3A_205 = arith.index_cast %scan3A_173 : i32 to index
      %swap3A_206 = arith.constant 96 : index
      %swap3A_207 = tpu.vector_load %arg14[%swap3A_205, %swap3A_206] {strides = array<i32>} : memref<64x128xf32, #tpu.memory_space<vmem>>, vector<1x16xf32>,
      %swap3A_208 = vector.shape_cast %swap3A_207 : vector<1x16xf32> to vector<16xf32>
      %swap3A_209 = vector.shape_cast %broadcast_in_dim3A_174 : vector<16xf32> to vector<1x16xf32>
      tpu.vector_store %arg14[%swap3A_205, %swap3A_206], %swap3A_209 {strides = array<i32>} : memref<64x128xf32, #tpu.memory_space<vmem>>, vector<1x16xf32>,
      %swap3A_210 = arith.index_cast %scan3A_173 : i32 to index
      %swap3A_211 = arith.constant 112 : index
      %swap3A_212 = tpu.vector_load %arg14[%swap3A_210, %swap3A_211] {strides = array<i32>} : memref<64x128xf32, #tpu.memory_space<vmem>>, vector<1x16xf32>,
      %swap3A_213 = vector.shape_cast %swap3A_212 : vector<1x16xf32> to vector<16xf32>
      %swap3A_214 = vector.shape_cast %broadcast_in_dim3A_174 : vector<16xf32> to vector<1x16xf32>
      tpu.vector_store %arg14[%swap3A_210, %swap3A_211], %swap3A_214 {strides = array<i32>} : memref<64x128xf32, #tpu.memory_space<vmem>>, vector<1x16xf32>,
    }
    %scan3A_132 = arith.constant 64 : i32
    %mul3A_133 = arith.constant 80 : i32
    %mul3A_134 = arith.muli %arg0, %mul3A_133 : i32
    %add3A_135 = arith.addi %mul3A_2, %mul3A_134 : i32
    %add3A_136 = arith.constant 0 : i32
    %add3A_137 = arith.addi %add3A_135, %add3A_136 : i32
    %dma_start3A_138 = arith.constant 0 : i32
    %dma_start3A_139 = tpu.memref_slice %arg4[%add3A_137, %dma_start3A_138] : memref<2560x64xi32, #tpu.memory_space<hbm>> -> memref<1x64xi32, #tpu.memory_space<hbm>>
    %dma_start3A_140 = tpu.memref_squeeze %dma_start3A_139 : memref<1x64xi32, #tpu.memory_space<hbm>> -> memref<64xi32, #tpu.memory_space<hbm>>
    %dma_start3A_141 = arith.constant 0 : i32
    %dma_start3A_142 = tpu.memref_slice %arg4[%add3A_137, %dma_start3A_141] : memref<2560x64xi32, #tpu.memory_space<hbm>> -> memref<1x64xi32, #tpu.memory_space<hbm>>
    %dma_start3A_143 = tpu.memref_squeeze %dma_start3A_142 : memref<1x64xi32, #tpu.memory_space<hbm>> -> memref<64xi32, #tpu.memory_space<hbm>>
    tpu.enqueue_dma source(%dma_start3A_143 : memref<64xi32, #tpu.memory_space<hbm>>) target(%arg10 : memref<64xi32, #tpu.memory_space<vmem>>) target_semaphore(%arg19 : memref<!tpu.dma_semaphore, #tpu.memory_space<semaphore_mem>>)
    %add3A_144 = arith.constant 1 : i32
    %add3A_145 = arith.addi %add3A_135, %add3A_144 : i32
    %dma_start3A_146 = arith.constant 0 : i32
    %dma_start3A_147 = tpu.memref_slice %arg4[%add3A_145, %dma_start3A_146] : memref<2560x64xi32, #tpu.memory_space<hbm>> -> memref<1x64xi32, #tpu.memory_space<hbm>>
    %dma_start3A_148 = tpu.memref_squeeze %dma_start3A_147 : memref<1x64xi32, #tpu.memory_space<hbm>> -> memref<64xi32, #tpu.memory_space<hbm>>
    %dma_start3A_149 = arith.constant 0 : i32
    %dma_start3A_150 = tpu.memref_slice %arg4[%add3A_145, %dma_start3A_149] : memref<2560x64xi32, #tpu.memory_space<hbm>> -> memref<1x64xi32, #tpu.memory_space<hbm>>
    %dma_start3A_151 = tpu.memref_squeeze %dma_start3A_150 : memref<1x64xi32, #tpu.memory_space<hbm>> -> memref<64xi32, #tpu.memory_space<hbm>>
    tpu.enqueue_dma source(%dma_start3A_151 : memref<64xi32, #tpu.memory_space<hbm>>) target(%arg11 : memref<64xi32, #tpu.memory_space<vmem>>) target_semaphore(%arg20 : memref<!tpu.dma_semaphore, #tpu.memory_space<semaphore_mem>>)
    %barrier3A_152 = arith.constant 0 : index
    tpu.barrier barrier_id(%barrier3A_152)
    %scan3A_153 = arith.constant 0 : i32
    %scan3A_154 = arith.constant 0 : i32
    %scan3A_155 = arith.constant 40 : i32
    %scan3A_156 = arith.addi %scan3A_154, %scan3A_155 : i32
    %scan3A_157 = arith.constant 1 : i32
    scf.for %scan3A_173 = %scan3A_154 to %scan3A_156 step %scan3A_157  : i32 {
      %mul3A_174 = arith.constant 2 : i32
      %mul3A_175 = arith.muli %mul3A_174, %scan3A_173 : i32
      %add3A_176 = arith.constant 0 : i32
      %add3A_177 = arith.addi %mul3A_175, %add3A_176 : i32
      %dma_wait3A_178 = arith.constant 0 : i32
      %dma_wait3A_179 = tpu.memref_slice %arg4[%add3A_135, %dma_wait3A_178] : memref<2560x64xi32, #tpu.memory_space<hbm>> -> memref<1x64xi32, #tpu.memory_space<hbm>>
      %dma_wait3A_180 = tpu.memref_squeeze %dma_wait3A_179 : memref<1x64xi32, #tpu.memory_space<hbm>> -> memref<64xi32, #tpu.memory_space<hbm>>
      %dma_wait3A_181 = arith.constant 0 : i32
      %dma_wait3A_182 = tpu.memref_slice %arg4[%add3A_135, %dma_wait3A_181] : memref<2560x64xi32, #tpu.memory_space<hbm>> -> memref<1x64xi32, #tpu.memory_space<hbm>>
      %dma_wait3A_183 = tpu.memref_squeeze %dma_wait3A_182 : memref<1x64xi32, #tpu.memory_space<hbm>> -> memref<64xi32, #tpu.memory_space<hbm>>
      tpu.wait_dma2 semaphore(%arg19 : memref<!tpu.dma_semaphore, #tpu.memory_space<semaphore_mem>>) src(%dma_wait3A_183 : memref<64xi32, #tpu.memory_space<hbm>>) dst(%arg10 : memref<64xi32, #tpu.memory_space<vmem>>)
      "tpu.region"() ({
        %run_scoped3A = tpu.sem_alloc : memref<!tpu.dma_semaphore, #tpu.memory_space<semaphore_mem>>
        %dma_start3A_215 = arith.constant 0 : i32
        %dma_start3A_216 = arith.constant 0 : i32
        %dma_start3A_217 = tpu.memref_slice %arg16[%dma_start3A_215, %dma_start3A_216] : memref<10112x128xf32, #tpu.memory_space<vmem_shared>> -> memref<10112x128xf32, #tpu.memory_space<vmem_shared>>
        tpu.enqueue_indirect_dma source(%arg14 : memref<64x128xf32, #tpu.memory_space<vmem>>) target(%dma_start3A_217 : memref<10112x128xf32, #tpu.memory_space<vmem_shared>>) offsets(%arg10 : memref<64xi32, #tpu.memory_space<vmem>>) semaphore(%run_scoped3A : memref<!tpu.dma_semaphore, #tpu.memory_space<semaphore_mem>>) {add = true}
        %dma_wait3A_218 = arith.constant 0 : i32
        %dma_wait3A_219 = arith.constant 0 : i32
        %dma_wait3A_220 = tpu.memref_slice %arg16[%dma_wait3A_218, %dma_wait3A_219] : memref<10112x128xf32, #tpu.memory_space<vmem_shared>> -> memref<10112x128xf32, #tpu.memory_space<vmem_shared>>
        tpu.wait_indirect_dma semaphore(%run_scoped3A : memref<!tpu.dma_semaphore, #tpu.memory_space<semaphore_mem>>) src(%arg14 : memref<64x128xf32, #tpu.memory_space<vmem>>) dst(%dma_wait3A_220 : memref<10112x128xf32, #tpu.memory_space<vmem_shared>>)
        tpu.yield
      }) : () -> ()
      %add3A_184 = arith.constant 2 : i32
      %add3A_185 = arith.addi %add3A_177, %add3A_184 : i32
      %rem3A = arith.constant 80 : i32
      %rem3A_186 = arith.remsi %add3A_185, %rem3A : i32
      %add3A_187 = arith.addi %add3A_135, %rem3A_186 : i32
      %dma_start3A_188 = arith.constant 0 : i32
      %dma_start3A_189 = tpu.memref_slice %arg4[%add3A_187, %dma_start3A_188] : memref<2560x64xi32, #tpu.memory_space<hbm>> -> memref<1x64xi32, #tpu.memory_space<hbm>>
      %dma_start3A_190 = tpu.memref_squeeze %dma_start3A_189 : memref<1x64xi32, #tpu.memory_space<hbm>> -> memref<64xi32, #tpu.memory_space<hbm>>
      %dma_start3A_191 = arith.constant 0 : i32
      %dma_start3A_192 = tpu.memref_slice %arg4[%add3A_187, %dma_start3A_191] : memref<2560x64xi32, #tpu.memory_space<hbm>> -> memref<1x64xi32, #tpu.memory_space<hbm>>
      %dma_start3A_193 = tpu.memref_squeeze %dma_start3A_192 : memref<1x64xi32, #tpu.memory_space<hbm>> -> memref<64xi32, #tpu.memory_space<hbm>>
      tpu.enqueue_dma source(%dma_start3A_193 : memref<64xi32, #tpu.memory_space<hbm>>) target(%arg10 : memref<64xi32, #tpu.memory_space<vmem>>) target_semaphore(%arg19 : memref<!tpu.dma_semaphore, #tpu.memory_space<semaphore_mem>>)
      %mul3A_194 = arith.constant 2 : i32
      %mul3A_195 = arith.muli %mul3A_194, %scan3A_173 : i32
      %add3A_196 = arith.constant 1 : i32
      %add3A_197 = arith.addi %mul3A_195, %add3A_196 : i32
      %dma_wait3A_198 = arith.constant 0 : i32
      %dma_wait3A_199 = tpu.memref_slice %arg4[%add3A_135, %dma_wait3A_198] : memref<2560x64xi32, #tpu.memory_space<hbm>> -> memref<1x64xi32, #tpu.memory_space<hbm>>
      %dma_wait3A_200 = tpu.memref_squeeze %dma_wait3A_199 : memref<1x64xi32, #tpu.memory_space<hbm>> -> memref<64xi32, #tpu.memory_space<hbm>>
      %dma_wait3A_201 = arith.constant 0 : i32
      %dma_wait3A_202 = tpu.memref_slice %arg4[%add3A_135, %dma_wait3A_201] : memref<2560x64xi32, #tpu.memory_space<hbm>> -> memref<1x64xi32, #tpu.memory_space<hbm>>
      %dma_wait3A_203 = tpu.memref_squeeze %dma_wait3A_202 : memref<1x64xi32, #tpu.memory_space<hbm>> -> memref<64xi32, #tpu.memory_space<hbm>>
      tpu.wait_dma2 semaphore(%arg20 : memref<!tpu.dma_semaphore, #tpu.memory_space<semaphore_mem>>) src(%dma_wait3A_203 : memref<64xi32, #tpu.memory_space<hbm>>) dst(%arg11 : memref<64xi32, #tpu.memory_space<vmem>>)
      "tpu.region"() ({
        %run_scoped3A = tpu.sem_alloc : memref<!tpu.dma_semaphore, #tpu.memory_space<semaphore_mem>>
        %dma_start3A_215 = arith.constant 0 : i32
        %dma_start3A_216 = arith.constant 0 : i32
        %dma_start3A_217 = tpu.memref_slice %arg16[%dma_start3A_215, %dma_start3A_216] : memref<10112x128xf32, #tpu.memory_space<vmem_shared>> -> memref<10112x128xf32, #tpu.memory_space<vmem_shared>>
        tpu.enqueue_indirect_dma source(%arg14 : memref<64x128xf32, #tpu.memory_space<vmem>>) target(%dma_start3A_217 : memref<10112x128xf32, #tpu.memory_space<vmem_shared>>) offsets(%arg11 : memref<64xi32, #tpu.memory_space<vmem>>) semaphore(%run_scoped3A : memref<!tpu.dma_semaphore, #tpu.memory_space<semaphore_mem>>) {add = true}
        %dma_wait3A_218 = arith.constant 0 : i32
        %dma_wait3A_219 = arith.constant 0 : i32
        %dma_wait3A_220 = tpu.memref_slice %arg16[%dma_wait3A_218, %dma_wait3A_219] : memref<10112x128xf32, #tpu.memory_space<vmem_shared>> -> memref<10112x128xf32, #tpu.memory_space<vmem_shared>>
        tpu.wait_indirect_dma semaphore(%run_scoped3A : memref<!tpu.dma_semaphore, #tpu.memory_space<semaphore_mem>>) src(%arg14 : memref<64x128xf32, #tpu.memory_space<vmem>>) dst(%dma_wait3A_220 : memref<10112x128xf32, #tpu.memory_space<vmem_shared>>)
        tpu.yield
      }) : () -> ()
      %add3A_204 = arith.constant 2 : i32
      %add3A_205 = arith.addi %add3A_197, %add3A_204 : i32
      %rem3A_206 = arith.constant 80 : i32
      %rem3A_207 = arith.remsi %add3A_205, %rem3A_206 : i32
      %add3A_208 = arith.addi %add3A_135, %rem3A_207 : i32
      %dma_start3A_209 = arith.constant 0 : i32
      %dma_start3A_210 = tpu.memref_slice %arg4[%add3A_208, %dma_start3A_209] : memref<2560x64xi32, #tpu.memory_space<hbm>> -> memref<1x64xi32, #tpu.memory_space<hbm>>
      %dma_start3A_211 = tpu.memref_squeeze %dma_start3A_210 : memref<1x64xi32, #tpu.memory_space<hbm>> -> memref<64xi32, #tpu.memory_space<hbm>>
      %dma_start3A_212 = arith.constant 0 : i32
      %dma_start3A_213 = tpu.memref_slice %arg4[%add3A_208, %dma_start3A_212] : memref<2560x64xi32, #tpu.memory_space<hbm>> -> memref<1x64xi32, #tpu.memory_space<hbm>>
      %dma_start3A_214 = tpu.memref_squeeze %dma_start3A_213 : memref<1x64xi32, #tpu.memory_space<hbm>> -> memref<64xi32, #tpu.memory_space<hbm>>
      tpu.enqueue_dma source(%dma_start3A_214 : memref<64xi32, #tpu.memory_space<hbm>>) target(%arg11 : memref<64xi32, #tpu.memory_space<vmem>>) target_semaphore(%arg20 : memref<!tpu.dma_semaphore, #tpu.memory_space<semaphore_mem>>)
    }
    %scan3A_158 = arith.constant 40 : i32
    %dma_wait3A_159 = arith.constant 0 : i32
    %dma_wait3A_160 = tpu.memref_slice %arg4[%add3A_135, %dma_wait3A_159] : memref<2560x64xi32, #tpu.memory_space<hbm>> -> memref<1x64xi32, #tpu.memory_space<hbm>>
    %dma_wait3A_161 = tpu.memref_squeeze %dma_wait3A_160 : memref<1x64xi32, #tpu.memory_space<hbm>> -> memref<64xi32, #tpu.memory_space<hbm>>
    %dma_wait3A_162 = arith.constant 0 : i32
    %dma_wait3A_163 = tpu.memref_slice %arg4[%add3A_135, %dma_wait3A_162] : memref<2560x64xi32, #tpu.memory_space<hbm>> -> memref<1x64xi32, #tpu.memory_space<hbm>>
    %dma_wait3A_164 = tpu.memref_squeeze %dma_wait3A_163 : memref<1x64xi32, #tpu.memory_space<hbm>> -> memref<64xi32, #tpu.memory_space<hbm>>
    tpu.wait_dma2 semaphore(%arg19 : memref<!tpu.dma_semaphore, #tpu.memory_space<semaphore_mem>>) src(%dma_wait3A_164 : memref<64xi32, #tpu.memory_space<hbm>>) dst(%arg10 : memref<64xi32, #tpu.memory_space<vmem>>)
    %dma_wait3A_165 = arith.constant 0 : i32
    %dma_wait3A_166 = tpu.memref_slice %arg4[%add3A_135, %dma_wait3A_165] : memref<2560x64xi32, #tpu.memory_space<hbm>> -> memref<1x64xi32, #tpu.memory_space<hbm>>
    %dma_wait3A_167 = tpu.memref_squeeze %dma_wait3A_166 : memref<1x64xi32, #tpu.memory_space<hbm>> -> memref<64xi32, #tpu.memory_space<hbm>>
    %dma_wait3A_168 = arith.constant 0 : i32
    %dma_wait3A_169 = tpu.memref_slice %arg4[%add3A_135, %dma_wait3A_168] : memref<2560x64xi32, #tpu.memory_space<hbm>> -> memref<1x64xi32, #tpu.memory_space<hbm>>
    %dma_wait3A_170 = tpu.memref_squeeze %dma_wait3A_169 : memref<1x64xi32, #tpu.memory_space<hbm>> -> memref<64xi32, #tpu.memory_space<hbm>>
    tpu.wait_dma2 semaphore(%arg20 : memref<!tpu.dma_semaphore, #tpu.memory_space<semaphore_mem>>) src(%dma_wait3A_170 : memref<64xi32, #tpu.memory_space<hbm>>) dst(%arg11 : memref<64xi32, #tpu.memory_space<vmem>>)
    %barrier3A_171 = arith.constant 0 : index
    tpu.barrier barrier_id(%barrier3A_171)
    "tpu.region"() ({
      %run_scoped3A = tpu.sem_alloc : memref<!tpu.dma_semaphore, #tpu.memory_space<semaphore_mem>>
      %dma_start3A_173 = arith.constant 0 : i32
      %dma_start3A_174 = tpu.memref_slice %arg7[%arg0, %mul3A_0, %dma_start3A_173] : memref<2x10112x128xf32, #tpu.memory_space<hbm>> -> memref<1x632x128xf32, #tpu.memory_space<hbm>>
      %dma_start3A_175 = tpu.memref_squeeze %dma_start3A_174 : memref<1x632x128xf32, #tpu.memory_space<hbm>> -> memref<632x128xf32, #tpu.memory_space<hbm>>
      %dma_start3A_176 = arith.constant 0 : i32
      %dma_start3A_177 = tpu.memref_slice %arg16[%mul3A_0, %dma_start3A_176] : memref<10112x128xf32, #tpu.memory_space<vmem_shared>> -> memref<632x128xf32, #tpu.memory_space<vmem_shared>>
      tpu.enqueue_dma source(%dma_start3A_177 : memref<632x128xf32, #tpu.memory_space<vmem_shared>>) target(%dma_start3A_175 : memref<632x128xf32, #tpu.memory_space<hbm>>) target_semaphore(%run_scoped3A : memref<!tpu.dma_semaphore, #tpu.memory_space<semaphore_mem>>)
      %dma_wait3A_178 = arith.constant 0 : i32
      %dma_wait3A_179 = tpu.memref_slice %arg7[%arg0, %mul3A_0, %dma_wait3A_178] : memref<2x10112x128xf32, #tpu.memory_space<hbm>> -> memref<1x632x128xf32, #tpu.memory_space<hbm>>
      %dma_wait3A_180 = tpu.memref_squeeze %dma_wait3A_179 : memref<1x632x128xf32, #tpu.memory_space<hbm>> -> memref<632x128xf32, #tpu.memory_space<hbm>>
      %dma_wait3A_181 = arith.constant 0 : i32
      %dma_wait3A_182 = tpu.memref_slice %arg16[%mul3A_0, %dma_wait3A_181] : memref<10112x128xf32, #tpu.memory_space<vmem_shared>> -> memref<632x128xf32, #tpu.memory_space<vmem_shared>>
      tpu.wait_dma2 semaphore(%run_scoped3A : memref<!tpu.dma_semaphore, #tpu.memory_space<semaphore_mem>>) src(%dma_wait3A_182 : memref<632x128xf32, #tpu.memory_space<vmem_shared>>) dst(%dma_wait3A_180 : memref<632x128xf32, #tpu.memory_space<hbm>>)
      tpu.yield
    }) : () -> ()
    %barrier3A_172 = arith.constant 0 : index
    tpu.barrier barrier_id(%barrier3A_172)
    return
  }
}

module attributes {stable_mosaic.version = 14 : i64} {
  func.func @body(%arg0: i32, %arg1: memref<1x1000x128xf32, #tpu.memory_space<vmem>>, %arg2: memref<1x1000x128xf32, #tpu.memory_space<vmem>>, %arg3: memref<1x1000x128xf32, #tpu.memory_space<vmem>>, %arg4: memref<1x1000x128xf32, #tpu.memory_space<vmem>>, %arg5: memref<1000x256xf32, #tpu.memory_space<vmem>>, %arg6: memref<512x256xf32, #tpu.memory_space<vmem>>, %arg7: memref<1x512xf32, #tpu.memory_space<vmem>>, %arg8: memref<512x256xf32, #tpu.memory_space<vmem>>, %arg9: memref<1000x512xf32, #tpu.memory_space<vmem>>) attributes {dimension_semantics = [#tpu.dimension_semantics<arbitrary>], iteration_bounds = array<i64: 10>, scalar_prefetch = 0 : i64, scratch_operands = 0 : i64, tpu.core_type = #tpu.core_type<tc>, window_params = [{transform_indices = @transform_0, window_bounds = array<i64: 1, 1000, 128>}, {transform_indices = @transform_1, window_bounds = array<i64: 1, 1000, 128>}, {transform_indices = @transform_2, window_bounds = array<i64: 1, 1000, 128>}, {transform_indices = @transform_3, window_bounds = array<i64: 1, 1000, 128>}, {transform_indices = @transform_4, window_bounds = array<i64: 1000, 256>}, {pipeline_mode = #tpu.pipeline_mode<synchronous>, transform_indices = @transform_5, window_bounds = array<i64: 512, 256>}, {pipeline_mode = #tpu.pipeline_mode<synchronous>, transform_indices = @transform_6, window_bounds = array<i64: 1, 512>}, {pipeline_mode = #tpu.pipeline_mode<synchronous>, transform_indices = @transform_7, window_bounds = array<i64: 512, 256>}, {transform_indices = @transform_8, window_bounds = array<i64: 1000, 512>}]} {
    %get3A = arith.constant 0 : index
    %get3A_0 = arith.constant 0 : index
    %get3A_1 = arith.constant 0 : index
    %get3A_2 = vector.load %arg3[%get3A, %get3A_0, %get3A_1] : memref<1x1000x128xf32, #tpu.memory_space<vmem>>, vector<1x1000x1xf32>
    %get3A_3 = vector.shape_cast %get3A_2 : vector<1x1000x1xf32> to vector<1000x1xf32>
    %get3A_4 = arith.constant 0 : index
    %get3A_5 = arith.constant 0 : index
    %get3A_6 = arith.constant 0 : index
    %get3A_7 = vector.load %arg4[%get3A_4, %get3A_5, %get3A_6] : memref<1x1000x128xf32, #tpu.memory_space<vmem>>, vector<1x1000x1xf32>
    %get3A_8 = vector.shape_cast %get3A_7 : vector<1x1000x1xf32> to vector<1000x1xf32>
    %add3A = arith.addf %get3A_3, %get3A_8 : vector<1000x1xf32>
    %max3A = arith.constant 1.000000e+00 : f32
    %max3A_9 = vector.broadcast %max3A : f32 to vector<1000x1xf32>
    %max3A_10 = arith.maximumf %add3A, %max3A_9 : vector<1000x1xf32>
    %div3A = arith.constant 1.000000e+00 : f32
    %div3A_11 = vector.broadcast %div3A : f32 to vector<1000x1xf32>
    %div3A_12 = arith.divf %div3A_11, %max3A_10 : vector<1000x1xf32>
    %get3A_13 = arith.constant 0 : index
    %get3A_14 = arith.constant 0 : index
    %get3A_15 = arith.constant 0 : index
    %get3A_16 = vector.load %arg1[%get3A_13, %get3A_14, %get3A_15] : memref<1x1000x128xf32, #tpu.memory_space<vmem>>, vector<1x1000x128xf32>
    %get3A_17 = vector.shape_cast %get3A_16 : vector<1x1000x128xf32> to vector<1000x128xf32>
    %get3A_18 = arith.constant 0 : index
    %get3A_19 = arith.constant 0 : index
    %get3A_20 = arith.constant 0 : index
    %get3A_21 = vector.load %arg2[%get3A_18, %get3A_19, %get3A_20] : memref<1x1000x128xf32, #tpu.memory_space<vmem>>, vector<1x1000x128xf32>
    %get3A_22 = vector.shape_cast %get3A_21 : vector<1x1000x128xf32> to vector<1000x128xf32>
    %concatenate3A = tpu.concatenate %get3A_17, %get3A_22 in 1 : vector<1000x128xf32>, vector<1000x128xf32> -> vector<1000x256xf32>
    %mul3A = vector.broadcast %div3A_12 : vector<1000x1xf32> to vector<1000x256xf32>
    %mul3A_23 = arith.mulf %concatenate3A, %mul3A : vector<1000x256xf32>
    %get3A_24 = arith.constant 0 : index
    %get3A_25 = arith.constant 0 : index
    %get3A_26 = vector.load %arg6[%get3A_24, %get3A_25] : memref<512x256xf32, #tpu.memory_space<vmem>>, vector<512x256xf32>
    %dot_general3A = arith.constant dense<0.000000e+00> : vector<1000x512xf32>
    %dot_general3A_27 = tpu.matmul %mul3A_23, %get3A_26, %dot_general3A {dimension_numbers = #tpu.dot_dimension_numbers<[1], [1], [0], [0], [0, 0, 1, 0], [], []>, transpose_lhs_hint = false} : vector<1000x256xf32>, vector<512x256xf32>, vector<1000x512xf32> -> vector<1000x512xf32>
    %get3A_28 = arith.constant 0 : index
    %get3A_29 = arith.constant 0 : index
    %get3A_30 = vector.load %arg5[%get3A_28, %get3A_29] : memref<1000x256xf32, #tpu.memory_space<vmem>>, vector<1000x256xf32>
    %get3A_31 = arith.constant 0 : index
    %get3A_32 = arith.constant 0 : index
    %get3A_33 = vector.load %arg8[%get3A_31, %get3A_32] : memref<512x256xf32, #tpu.memory_space<vmem>>, vector<512x256xf32>
    %dot_general3A_34 = arith.constant dense<0.000000e+00> : vector<1000x512xf32>
    %dot_general3A_35 = tpu.matmul %get3A_30, %get3A_33, %dot_general3A_34 {dimension_numbers = #tpu.dot_dimension_numbers<[1], [1], [0], [0], [0, 0, 1, 0], [], []>, transpose_lhs_hint = false} : vector<1000x256xf32>, vector<512x256xf32>, vector<1000x512xf32> -> vector<1000x512xf32>
    %add3A_36 = arith.addf %dot_general3A_27, %dot_general3A_35 : vector<1000x512xf32>
    %get3A_37 = arith.constant 0 : index
    %get3A_38 = arith.constant 0 : index
    %get3A_39 = vector.load %arg7[%get3A_37, %get3A_38] : memref<1x512xf32, #tpu.memory_space<vmem>>, vector<1x512xf32>
    %add3A_40 = vector.broadcast %get3A_39 : vector<1x512xf32> to vector<1000x512xf32>
    %add3A_41 = arith.addf %add3A_36, %add3A_40 : vector<1000x512xf32>
    %max3A_42 = arith.constant 0.000000e+00 : f32
    %max3A_43 = vector.broadcast %max3A_42 : f32 to vector<1000x512xf32>
    %max3A_44 = arith.maximumf %add3A_41, %max3A_43 : vector<1000x512xf32>
    %swap3A = arith.constant 0 : index
    %swap3A_45 = arith.constant 0 : index
    %swap3A_46 = vector.load %arg9[%swap3A, %swap3A_45] : memref<1000x512xf32, #tpu.memory_space<vmem>>, vector<1000x512xf32>
    tpu.vector_store %arg9[%swap3A, %swap3A_45], %max3A_44 {strides = array<i32>} : memref<1000x512xf32, #tpu.memory_space<vmem>>, vector<1000x512xf32>,
    return
  }
  func.func @transform_0(%arg0: i32) -> (i32, i32, i32) {
    %c0_i32 = arith.constant 0 : i32
    %c0_i32_0 = arith.constant 0 : i32
    %c0_i32_1 = arith.constant 0 : i32
    return %c0_i32, %arg0, %c0_i32_0 : i32, i32, i32
  }
  func.func @transform_1(%arg0: i32) -> (i32, i32, i32) {
    %c1_i32 = arith.constant 1 : i32
    %c0_i32 = arith.constant 0 : i32
    %c0_i32_0 = arith.constant 0 : i32
    return %c1_i32, %arg0, %c0_i32 : i32, i32, i32
  }
  func.func @transform_2(%arg0: i32) -> (i32, i32, i32) {
    %c0_i32 = arith.constant 0 : i32
    %c0_i32_0 = arith.constant 0 : i32
    %c0_i32_1 = arith.constant 0 : i32
    return %c0_i32, %arg0, %c0_i32_0 : i32, i32, i32
  }
  func.func @transform_3(%arg0: i32) -> (i32, i32, i32) {
    %c1_i32 = arith.constant 1 : i32
    %c0_i32 = arith.constant 0 : i32
    %c0_i32_0 = arith.constant 0 : i32
    return %c1_i32, %arg0, %c0_i32 : i32, i32, i32
  }
  func.func @transform_4(%arg0: i32) -> (i32, i32) {
    %c0_i32 = arith.constant 0 : i32
    %c0_i32_0 = arith.constant 0 : i32
    return %arg0, %c0_i32 : i32, i32
  }
  func.func @transform_5(%arg0: i32) -> (i32, i32) {
    %c0_i32 = arith.constant 0 : i32
    %c0_i32_0 = arith.constant 0 : i32
    %c0_i32_1 = arith.constant 0 : i32
    return %c0_i32, %c0_i32_0 : i32, i32
  }
  func.func @transform_6(%arg0: i32) -> (i32, i32) {
    %c0_i32 = arith.constant 0 : i32
    %c0_i32_0 = arith.constant 0 : i32
    %c0_i32_1 = arith.constant 0 : i32
    return %c0_i32, %c0_i32_0 : i32, i32
  }
  func.func @transform_7(%arg0: i32) -> (i32, i32) {
    %c0_i32 = arith.constant 0 : i32
    %c0_i32_0 = arith.constant 0 : i32
    %c0_i32_1 = arith.constant 0 : i32
    return %c0_i32, %c0_i32_0 : i32, i32
  }
  func.func @transform_8(%arg0: i32) -> (i32, i32) {
    %c0_i32 = arith.constant 0 : i32
    %c0_i32_0 = arith.constant 0 : i32
    return %arg0, %c0_i32 : i32, i32
  }
}

module attributes {stable_mosaic.version = 14 : i64} {
  func.func @body(%arg0: i32, %arg1: memref<1x1000x128xf32, #tpu.memory_space<vmem>>, %arg2: memref<1x1000x128xf32, #tpu.memory_space<vmem>>, %arg3: memref<1x1000x128xf32, #tpu.memory_space<vmem>>, %arg4: memref<1x1000x128xf32, #tpu.memory_space<vmem>>, %arg5: memref<1x1000x128xf32, #tpu.memory_space<vmem>>, %arg6: memref<1x1000x128xf32, #tpu.memory_space<vmem>>, %arg7: memref<1000x512xf32, #tpu.memory_space<vmem>>, %arg8: memref<512x512xf32, #tpu.memory_space<vmem>>, %arg9: memref<1x512xf32, #tpu.memory_space<vmem>>, %arg10: memref<512x512xf32, #tpu.memory_space<vmem>>, %arg11: memref<1000x512xf32, #tpu.memory_space<vmem>>) attributes {dimension_semantics = [#tpu.dimension_semantics<arbitrary>], iteration_bounds = array<i64: 10>, scalar_prefetch = 0 : i64, scratch_operands = 0 : i64, tpu.core_type = #tpu.core_type<tc>, window_params = [{transform_indices = @transform_0, window_bounds = array<i64: 1, 1000, 128>}, {transform_indices = @transform_1, window_bounds = array<i64: 1, 1000, 128>}, {transform_indices = @transform_2, window_bounds = array<i64: 1, 1000, 128>}, {transform_indices = @transform_3, window_bounds = array<i64: 1, 1000, 128>}, {transform_indices = @transform_4, window_bounds = array<i64: 1, 1000, 128>}, {transform_indices = @transform_5, window_bounds = array<i64: 1, 1000, 128>}, {transform_indices = @transform_6, window_bounds = array<i64: 1000, 512>}, {pipeline_mode = #tpu.pipeline_mode<synchronous>, transform_indices = @transform_7, window_bounds = array<i64: 512, 512>}, {pipeline_mode = #tpu.pipeline_mode<synchronous>, transform_indices = @transform_8, window_bounds = array<i64: 1, 512>}, {pipeline_mode = #tpu.pipeline_mode<synchronous>, transform_indices = @transform_9, window_bounds = array<i64: 512, 512>}, {transform_indices = @transform_10, window_bounds = array<i64: 1000, 512>}]} {
    %get3A = arith.constant 0 : index
    %get3A_0 = arith.constant 0 : index
    %get3A_1 = arith.constant 0 : index
    %get3A_2 = vector.load %arg5[%get3A, %get3A_0, %get3A_1] : memref<1x1000x128xf32, #tpu.memory_space<vmem>>, vector<1x1000x1xf32>
    %get3A_3 = vector.shape_cast %get3A_2 : vector<1x1000x1xf32> to vector<1000x1xf32>
    %get3A_4 = arith.constant 0 : index
    %get3A_5 = arith.constant 0 : index
    %get3A_6 = arith.constant 0 : index
    %get3A_7 = vector.load %arg6[%get3A_4, %get3A_5, %get3A_6] : memref<1x1000x128xf32, #tpu.memory_space<vmem>>, vector<1x1000x1xf32>
    %get3A_8 = vector.shape_cast %get3A_7 : vector<1x1000x1xf32> to vector<1000x1xf32>
    %add3A = arith.addf %get3A_3, %get3A_8 : vector<1000x1xf32>
    %max3A = arith.constant 1.000000e+00 : f32
    %max3A_9 = vector.broadcast %max3A : f32 to vector<1000x1xf32>
    %max3A_10 = arith.maximumf %add3A, %max3A_9 : vector<1000x1xf32>
    %div3A = arith.constant 1.000000e+00 : f32
    %div3A_11 = vector.broadcast %div3A : f32 to vector<1000x1xf32>
    %div3A_12 = arith.divf %div3A_11, %max3A_10 : vector<1000x1xf32>
    %get3A_13 = arith.constant 0 : index
    %get3A_14 = arith.constant 0 : index
    %get3A_15 = arith.constant 0 : index
    %get3A_16 = vector.load %arg1[%get3A_13, %get3A_14, %get3A_15] : memref<1x1000x128xf32, #tpu.memory_space<vmem>>, vector<1x1000x128xf32>
    %get3A_17 = vector.shape_cast %get3A_16 : vector<1x1000x128xf32> to vector<1000x128xf32>
    %get3A_18 = arith.constant 0 : index
    %get3A_19 = arith.constant 0 : index
    %get3A_20 = arith.constant 0 : index
    %get3A_21 = vector.load %arg2[%get3A_18, %get3A_19, %get3A_20] : memref<1x1000x128xf32, #tpu.memory_space<vmem>>, vector<1x1000x128xf32>
    %get3A_22 = vector.shape_cast %get3A_21 : vector<1x1000x128xf32> to vector<1000x128xf32>
    %get3A_23 = arith.constant 0 : index
    %get3A_24 = arith.constant 0 : index
    %get3A_25 = arith.constant 0 : index
    %get3A_26 = vector.load %arg3[%get3A_23, %get3A_24, %get3A_25] : memref<1x1000x128xf32, #tpu.memory_space<vmem>>, vector<1x1000x128xf32>
    %get3A_27 = vector.shape_cast %get3A_26 : vector<1x1000x128xf32> to vector<1000x128xf32>
    %get3A_28 = arith.constant 0 : index
    %get3A_29 = arith.constant 0 : index
    %get3A_30 = arith.constant 0 : index
    %get3A_31 = vector.load %arg4[%get3A_28, %get3A_29, %get3A_30] : memref<1x1000x128xf32, #tpu.memory_space<vmem>>, vector<1x1000x128xf32>
    %get3A_32 = vector.shape_cast %get3A_31 : vector<1x1000x128xf32> to vector<1000x128xf32>
    %concatenate3A = tpu.concatenate %get3A_17, %get3A_22, %get3A_27, %get3A_32 in 1 : vector<1000x128xf32>, vector<1000x128xf32>, vector<1000x128xf32>, vector<1000x128xf32> -> vector<1000x512xf32>
    %mul3A = vector.broadcast %div3A_12 : vector<1000x1xf32> to vector<1000x512xf32>
    %mul3A_33 = arith.mulf %concatenate3A, %mul3A : vector<1000x512xf32>
    %get3A_34 = arith.constant 0 : index
    %get3A_35 = arith.constant 0 : index
    %get3A_36 = vector.load %arg8[%get3A_34, %get3A_35] : memref<512x512xf32, #tpu.memory_space<vmem>>, vector<512x512xf32>
    %dot_general3A = arith.constant dense<0.000000e+00> : vector<1000x512xf32>
    %dot_general3A_37 = tpu.matmul %mul3A_33, %get3A_36, %dot_general3A {dimension_numbers = #tpu.dot_dimension_numbers<[1], [1], [0], [0], [0, 0, 1, 0], [], []>, transpose_lhs_hint = false} : vector<1000x512xf32>, vector<512x512xf32>, vector<1000x512xf32> -> vector<1000x512xf32>
    %get3A_38 = arith.constant 0 : index
    %get3A_39 = arith.constant 0 : index
    %get3A_40 = vector.load %arg7[%get3A_38, %get3A_39] : memref<1000x512xf32, #tpu.memory_space<vmem>>, vector<1000x512xf32>
    %get3A_41 = arith.constant 0 : index
    %get3A_42 = arith.constant 0 : index
    %get3A_43 = vector.load %arg10[%get3A_41, %get3A_42] : memref<512x512xf32, #tpu.memory_space<vmem>>, vector<512x512xf32>
    %dot_general3A_44 = arith.constant dense<0.000000e+00> : vector<1000x512xf32>
    %dot_general3A_45 = tpu.matmul %get3A_40, %get3A_43, %dot_general3A_44 {dimension_numbers = #tpu.dot_dimension_numbers<[1], [1], [0], [0], [0, 0, 1, 0], [], []>, transpose_lhs_hint = false} : vector<1000x512xf32>, vector<512x512xf32>, vector<1000x512xf32> -> vector<1000x512xf32>
    %add3A_46 = arith.addf %dot_general3A_37, %dot_general3A_45 : vector<1000x512xf32>
    %get3A_47 = arith.constant 0 : index
    %get3A_48 = arith.constant 0 : index
    %get3A_49 = vector.load %arg9[%get3A_47, %get3A_48] : memref<1x512xf32, #tpu.memory_space<vmem>>, vector<1x512xf32>
    %add3A_50 = vector.broadcast %get3A_49 : vector<1x512xf32> to vector<1000x512xf32>
    %add3A_51 = arith.addf %add3A_46, %add3A_50 : vector<1000x512xf32>
    %swap3A = arith.constant 0 : index
    %swap3A_52 = arith.constant 0 : index
    %swap3A_53 = vector.load %arg11[%swap3A, %swap3A_52] : memref<1000x512xf32, #tpu.memory_space<vmem>>, vector<1000x512xf32>
    tpu.vector_store %arg11[%swap3A, %swap3A_52], %add3A_51 {strides = array<i32>} : memref<1000x512xf32, #tpu.memory_space<vmem>>, vector<1000x512xf32>,
    return
  }
  func.func @transform_0(%arg0: i32) -> (i32, i32, i32) {
    %c0_i32 = arith.constant 0 : i32
    %c0_i32_0 = arith.constant 0 : i32
    %c0_i32_1 = arith.constant 0 : i32
    return %c0_i32, %arg0, %c0_i32_0 : i32, i32, i32
  }
  func.func @transform_1(%arg0: i32) -> (i32, i32, i32) {
    %c1_i32 = arith.constant 1 : i32
    %c0_i32 = arith.constant 0 : i32
    %c0_i32_0 = arith.constant 0 : i32
    return %c1_i32, %arg0, %c0_i32 : i32, i32, i32
  }
  func.func @transform_2(%arg0: i32) -> (i32, i32, i32) {
    %c2_i32 = arith.constant 2 : i32
    %c0_i32 = arith.constant 0 : i32
    %c0_i32_0 = arith.constant 0 : i32
    return %c2_i32, %arg0, %c0_i32 : i32, i32, i32
  }
  func.func @transform_3(%arg0: i32) -> (i32, i32, i32) {
    %c3_i32 = arith.constant 3 : i32
    %c0_i32 = arith.constant 0 : i32
    %c0_i32_0 = arith.constant 0 : i32
    return %c3_i32, %arg0, %c0_i32 : i32, i32, i32
  }
  func.func @transform_4(%arg0: i32) -> (i32, i32, i32) {
    %c0_i32 = arith.constant 0 : i32
    %c0_i32_0 = arith.constant 0 : i32
    %c0_i32_1 = arith.constant 0 : i32
    return %c0_i32, %arg0, %c0_i32_0 : i32, i32, i32
  }
  func.func @transform_5(%arg0: i32) -> (i32, i32, i32) {
    %c1_i32 = arith.constant 1 : i32
    %c0_i32 = arith.constant 0 : i32
    %c0_i32_0 = arith.constant 0 : i32
    return %c1_i32, %arg0, %c0_i32 : i32, i32, i32
  }
  func.func @transform_6(%arg0: i32) -> (i32, i32) {
    %c0_i32 = arith.constant 0 : i32
    %c0_i32_0 = arith.constant 0 : i32
    return %arg0, %c0_i32 : i32, i32
  }
  func.func @transform_7(%arg0: i32) -> (i32, i32) {
    %c0_i32 = arith.constant 0 : i32
    %c0_i32_0 = arith.constant 0 : i32
    %c0_i32_1 = arith.constant 0 : i32
    return %c0_i32, %c0_i32_0 : i32, i32
  }
  func.func @transform_8(%arg0: i32) -> (i32, i32) {
    %c0_i32 = arith.constant 0 : i32
    %c0_i32_0 = arith.constant 0 : i32
    %c0_i32_1 = arith.constant 0 : i32
    return %c0_i32, %c0_i32_0 : i32, i32
  }
  func.func @transform_9(%arg0: i32) -> (i32, i32) {
    %c0_i32 = arith.constant 0 : i32
    %c0_i32_0 = arith.constant 0 : i32
    %c0_i32_1 = arith.constant 0 : i32
    return %c0_i32, %c0_i32_0 : i32, i32
  }
  func.func @transform_10(%arg0: i32) -> (i32, i32) {
    %c0_i32 = arith.constant 0 : i32
    %c0_i32_0 = arith.constant 0 : i32
    return %arg0, %c0_i32 : i32, i32
  }
}

</mosaic_0001>

<sc_bundles>
// kernel: kernel.6.cloned.1.call-start
scs
__scs_entry_jumppad:
0x0: {  	(pc) =	sbr.rel $0x88, $3  }
0x1: {  	(tag) =	ssettag $0x0;
	lr =	simm.s32 $0x1  }
0x2: {  	[smem:$0x3F99] =	sst lr;
	_ =	strace $0xD0000000  }
0x3: {  	_ = 	snop  }
0x4: {  	_ = 	snop  }
0x5: {  	_ = 	snop  }
0x6: {  	_ = 	snop  }
0x7: {  	_ = 	snop  }
__scs_overlays_trampoline_lowered:
0x8: {  	[smem:$0x3FA8] =	sst s0  }
0x9: {  	[smem:$0x3FA9] =	sst s1  }
0xa: {  	[smem:$0x3FAA] =	sst s2  }
0xb: {  	[smem:$0x3FAB] =	sst s3  }
0xc: {  	[smem:$0x3FAC] =	sst s4  }
0xd: {  	[smem:$0x3FAD] =	sst s5  }
0xe: {  	[smem:$0x3FAE] =	sst s6  }
0xf: {  	[smem:$0x3FAF] =	sst s7  }
0x10: {  	[smem:$0x3FB0] =	sst s8  }
0x11: {  	[smem:$0x3FB1] =	sst s9;
	s0 =	simm.s32 @!p0 $0x0  }
0x12: {  	s1 =	sld [smem:$0x3F97];
	s0 =	simm.s32 @p0 $0x1  }
0x13: {  	[smem:$0x3FB2] =	sst s0;
	s0 =	simm.s32 @!p1 $0x0  }
0x14: {  	s2 =	sld [smem:$0x3F96];
	s0 =	simm.s32 @p1 $0x1  }
0x15: {  	[smem:$0x3FB3] =	sst s0;
	s0 =	simm.s32 @!p2 $0x0  }
0x16: {  	s3 =	sld [smem:$0x3FDB];
	s0 =	simm.s32 @p2 $0x1  }
0x17: {  	s4 =	simm.s32 $0x1BF5;
	[smem:$0x3FB5] =	sst s0  }
0x18: {  	s0 =	sld [smem:$0x3F98];
	_ =	swait.ge [sflag:s4], $0x0  }
0x19: {  	s7 =	sld [smem:$0x3F99]  }
0x1a: {  	s8 =	sadd.s32 $0xFFFFE003, lr  }
0x1b: {  	s9 =	sadd.s32 $0xFFFFFEF7, lr;
	s5 =	simm.s32 $0xFFFFFFFF;
	p2 =	slt.u32 s8, $0xFFFFF086  }
0x1c: {  	p1 =	slt.u32 s9, $0xF7A;
	s5 =	simm.s32 @!p2 $0x0  }
0x1d: {  	s5 =	simm.s32 @p1 $0x1;
	p0 =	seq.s32 s7, s2  }
0x1e: {  	s7 =	smul.u32 @!p0 $0xF7A, s2;
	p2 =	seq.s32 @!p0 s5, $0x0  }
0x1f: {  	s9 =	smul.u32 $0xF7A, s1;
	s8 =	simm.s32 @!p0 $0x1BF5;
	p2 =	por !p2, p0  }
0x20: {  	[sflag:s8] =	ssyncset.s32 @!p0 $0xFFFFF086;
	s6 =	sadd.s32 @!p0 s3, s7;
	s7 =	simm.s32 @!p0 $0x108  }
0x21: {  	s3 =	sadd.s32 s3, s9;
	s6 =	sadd.s32 @!p0 $0x88, s6;
	s7 =	simm.s32 @p2 $0x1082  }
0x22: {  	[simem:s7], [sflag:s8] =	dma.local @!p0 [hbm:s6], $0xF7A  }
0x23: {  	s9 =	sor.u32 $0xD0000000, s2;
	s6 =	simm.s32 $0x108;
	_ =	swait.ge @!p0 [sflag:s8], $0x0  }
0x24: {  	s3 =	sadd.s32 $0x88, s3;
	s6 =	simm.s32 @!p1 $0x1082;
	[sflag:s4] =	ssyncset.s32 $0xFFFFF086  }
0x25: {  	[simem:s6], [sflag:s4] =	dma.local [hbm:s3], $0xF7A  }
0x26: {  	[smem:$0x3F99] =	sst s1;
	(tag) =	ssettag s2;
	_ =	strace s9  }
0x27: {  	s1 =	sld [smem:$0x3FA9]  }
0x28: {  	s2 =	sld [smem:$0x3FAA]  }
0x29: {  	s4 =	sld [smem:$0x3FAC]  }
0x2a: {  	p0 =	seq.s32 s5, $0x0;
	s5 =	sld [smem:$0x3FAD]  }
0x2b: {  	s6 =	sld [smem:$0x3FAE]  }
0x2c: {  	s7 =	sld [smem:$0x3FAF]  }
0x2d: {  	s3 =	simm.s32 $0x108;
	s8 =	sld [smem:$0x3FB0]  }
0x2e: {  	s3 =	simm.s32 @!p0 $0x1082;
	s9 =	sld [smem:$0x3FB1]  }
0x2f: {  	lr =	sadd.s32 s0, s3;
	s0 =	sld [smem:$0x3FA8]  }
0x30: {  	s3 =	sld [smem:$0x3FAB]  }
0x31: {  	[smem:$0x3FB4] =	sst s10  }
0x32: {  	s10 =	sld [smem:$0x3FB2];
	_ =	sdelay $0x3  }
0x33: {  	p0 =	seq.s32 s10, $0x1;
	s10 =	sld [smem:$0x3FB4];
	_ =	sdelay $0x3  }
0x34: {  	[smem:$0x3FB4] =	sst s10  }
0x35: {  	s10 =	sld [smem:$0x3FB3];
	_ =	sdelay $0x3  }
0x36: {  	p1 =	seq.s32 s10, $0x1;
	s10 =	sld [smem:$0x3FB4];
	_ =	sdelay $0x3  }
0x37: {  	[smem:$0x3FB4] =	sst s10  }
0x38: {  	s10 =	sld [smem:$0x3FB5]  }
0x39: {  	_ = 	snop;
	(pc) =	sbr.ind lr, $3  }
0x3a: {  	_ = 	snop  }
0x3b: {  	_ = 	snop  }
0x3c: {  	p2 =	seq.s32 s10, $0x1;
	s10 =	sld [smem:$0x3FB4]  }
0x3d: {  	_ =	shalt  }
0x3e: {  	_ =	shalt  }
0x3f: {  	_ =	shalt  }
0x40: {  	_ =	shalt  }
0x41: {  	_ =	shalt  }
0x42: {  	_ =	shalt  }
0x43: {  	_ =	shalt  }
0x44: {  	_ =	shalt  }
0x45: {  	_ =	shalt  }
0x46: {  	_ =	shalt  }
0x47: {  	_ =	shalt  }
0x48: {  	_ =	shalt  }
0x49: {  	_ =	shalt  }
0x4a: {  	_ =	shalt  }
0x4b: {  	_ =	shalt  }
0x4c: {  	_ =	shalt  }
0x4d: {  	_ =	shalt  }
0x4e: {  	_ =	shalt  }
0x4f: {  	_ =	shalt  }
0x50: {  	_ =	shalt  }
0x51: {  	_ =	shalt  }
0x52: {  	_ =	shalt  }
0x53: {  	_ =	shalt  }
0x54: {  	_ =	shalt  }
0x55: {  	_ =	shalt  }
0x56: {  	_ =	shalt  }
0x57: {  	_ =	shalt  }
0x58: {  	_ =	shalt  }
0x59: {  	_ =	shalt  }
0x5a: {  	_ =	shalt  }
0x5b: {  	_ =	shalt  }
0x5c: {  	_ =	shalt  }
0x5d: {  	_ =	shalt  }
0x5e: {  	_ =	shalt  }
0x5f: {  	_ =	shalt  }
0x60: {  	_ =	shalt  }
0x61: {  	_ =	shalt  }
0x62: {  	_ =	shalt  }
0x63: {  	_ =	shalt  }
0x64: {  	_ =	shalt  }
0x65: {  	_ =	shalt  }
0x66: {  	_ =	shalt  }
0x67: {  	_ =	shalt  }
0x68: {  	_ =	shalt  }
0x69: {  	_ =	shalt  }
0x6a: {  	_ =	shalt  }
0x6b: {  	_ =	shalt  }
0x6c: {  	_ =	shalt  }
0x6d: {  	_ =	shalt  }
0x6e: {  	_ =	shalt  }
0x6f: {  	_ =	shalt  }
0x70: {  	_ =	shalt  }
0x71: {  	_ =	shalt  }
0x72: {  	_ =	shalt  }
0x73: {  	_ =	shalt  }
0x74: {  	_ =	shalt  }
0x75: {  	_ =	shalt  }
0x76: {  	_ =	shalt  }
0x77: {  	_ =	shalt  }
0x78: {  	_ =	shalt  }
0x79: {  	_ =	shalt  }
0x7a: {  	_ =	shalt  }
0x7b: {  	_ =	shalt  }
0x7c: {  	_ =	shalt  }
0x7d: {  	_ =	shalt  }
0x7e: {  	_ =	shalt  }
0x7f: {  	_ =	shalt  }
0x80: {  	_ =	shalt  }
0x81: {  	_ =	shalt  }
0x82: {  	_ =	shalt  }
0x83: {  	_ =	shalt  }
0x84: {  	_ =	shalt  }
0x85: {  	_ =	shalt  }
0x86: {  	_ =	shalt  }
0x87: {  	_ =	shalt  }
.Lfunc_end0:
.L_simem_size_0:
called_computation_lowered:
.L_overlay_start_0:
0x88: {  	s2 =	sld [smem:$0x3FD9]  }
0x89: {  	s3 =	sld [smem:$0x3FFE];
	_ =	sdelay $0x1  }
0x8a: {  	s1 =	srdreg.scid  }
0x8b: {  	s0 =	sand.u32 $0x1, s1  }
0x8c: {  	s17 =	sshll.u32 s0, $0xA;
	s2 =	sadd.s32 s3, s2  }
0x8d: {  	s2 =	sadd.s32 s2, s17  }
0x8e: {  	[smem:$0x3FC0] =	sst s2  }
0x8f: {  	_ = 	snop  }
0x90: {  	s2 =	sld [smem:$0x3FD0];
	(tm) =	ssettm $0x1  }
0x91: {  	s18 =	sld [smem:$0x3FFB];
	_ =	sdelay $0x3  }
0x92: {  	_ =	strace s18  }
0x93: {  	s3 =	sld [smem:$0x3FFC];
	_ =	sdelay $0x3  }
0x94: {  	_ =	strace s3  }
0x95: {  	s3 =	sld [smem:$0x3FFD];
	_ =	sdelay $0x3  }
0x96: {  	_ =	strace s3  }
0x97: {  	_ =	strace $0x8FFFFFFF  }
0x98: {  	s19 =	sld [smem:$0x3FDB];
	_ =	sdelay $0x1  }
0x99: {  	s4 =	simm.s32 $_scs_section_size  }
0x9a: {  	s5 =	simm.s32 $_size__tile_overlayer_lowered;
	s6 =	simm.s32 $_tile_overlayer_lowered  }
0x9b: {  	s22 =	simm.s32 $0x1BFF;
	s21 =	sshll.u32 s6, $0x1;
	s3 =	sadd.s32 s4, s19  }
0x9c: {  	s7 =	simm.s32 $0x0;
	s20 =	sshll.u32 s5, $0x1;
	s5 =	sadd.s32 s21, s3  }
0x9d: {  	[timem:s7], [sflag:s22] =	dma.local [hbm:s5], s20  }
0x9e: {  	_ =	swait.ge [sflag:s22], s20  }
0x9f: {  	s4 =	ssub.s32 $0x0, s20;
	[sflag:s22] =	ssyncset.done $0x0  }
0xa0: {  	[sflag:s22] =	ssyncadd.s32 s4;
	_ =	sdelay $0x1  }
0xa1: {  	s23 =	simm.s32 $0x1B8B  }
0xa2: {  	_ =	swait.ge [sflag:s23], $0x1  }
0xa3: {  	[sflag:s23] =	ssyncset.done $0x0  }
0xa4: {  	s25 =	simm.s32 $0x1B8E;
	s24 =	sld [smem:$0x3FFE];
	[sflag:s23] =	ssyncadd.s32 $0xFFFFFFFF  }
0xa5: {  	s26 =	simm.s32 $execute0_lowered;
	[smem:$0x3FD2] =	sst s25  }
0xa6: {  	s5 =	sshll.u32 s26, $0x1;
	_ =	strace $0x80000046;
	[dreg:$0x1] =	wrdreg $0xFFFFFFFF  }
0xa7: {  	s28 =	simm.s32 $_size_execute0_lowered;
	s3 =	sadd.s32 s3, s5;
	[dreg:$0x0] =	wrdreg $0x0  }
0xa8: {  	s5 =	sshll.u32 s28, $0x1;
	[dreg:$0x2] =	wrdreg s3  }
0xa9: {  	[dreg:$0x3] =	wrdreg s5  }
0xaa: {  	[dreg:$0x4] =	wrdreg $0xC0  }
0xab: {  	_ =	task [dreg:s7], $0x5FFFF  }
0xac: {  	[dreg:$0x1] =	wrdreg $0xFFFFFFFF  }
0xad: {  	[dreg:$0x0] =	wrdreg $0x60  }
0xae: {  	[dreg:$0x2] =	wrdreg s24  }
0xaf: {  	[dreg:$0x3] =	wrdreg s2  }
0xb0: {  	[dreg:$0x4] =	wrdreg $0x43000  }
0xb1: {  	[dreg:$0x5] =	wrdreg $0x9  }
0xb2: {  	_ =	task.clear_ibuf [dreg:s7], $0x6FFFF;
	_ =	strace $0x90000046  }
0xb3: {  	s29 =	simm.s32 $0x9;
	_ =	strace $0x80000048  }
0xb4: {  	_ =	swait.ge [sflag:s29], $0x1  }
0xb5: {  	[sflag:s29] =	ssyncadd.s32 $0xFFFFFFFF  }
0xb6: {  	_ =	strace $0x90000048  }
0xb7: {  	_ =	sfence  }
0xb8: {  	s30 =	sld [smem:$0x0];
	_ =	sdelay $0x2  }
0xb9: {  	s31 =	sshll.u32 s1, $0xD;
	s1 =	sshrl.u32 s1, $0x2  }
0xba: {  	s3 =	sand.u32 $0x4000, s31;
	s1 =	sadd.s32 s1, s30  }
0xbb: {  	s0 =	sor.u32 s3, s0;
	s1 =	sshll.u32 s1, $0x11  }
0xbc: {  	s0 =	sor.u32 s1, s0  }
0xbd: {  	s0 =	sadd.s32 $0x8F2B, s0  }
0xbe: {  	[sflag:s0] =	ssyncadd.remote.s32 $0x1  }
0xbf: {  	_ =	sfence.sel $0xFFFF  }
0xc0: {  	[dreg:$0x0] =	wrdreg $0xFFFFFFFF;
	(pc) =	sbr.abs _section_cstart, $3  }
0xc1: {  	[dreg:$0x1] =	wrdreg $0xFFFFFFFF  }
0xc2: {  	_ =	task.clear_ibuf [dreg:s7], $0x2FFFF;
	_ =	strace $0x9FFFFFFF  }
0xc3: {  	(tm) =	ssettm $0x7FFFFFFF  }
tec
execute0_lowered:
.L_overlay_start_1:
0x0: {  	(tag) =	ssettag $0x1  }
0x1: {  	s0 =	rddreg [dreg:$0x0]  }
0x2: {  	s3 =	rddreg [dreg:$0x1]  }
0x3: {  	s1 =	rddreg [dreg:$0x2]  }
0x4: {  	s2 =	srdreg.scid;
	s17 =	stileid.u32;
	s26 =	simm.s32 $0x280  }
0x5: {  	s28 =	simm.s32 $0x4;
	s29 =	simm.s32 $0x1;
	s30 =	simm.s32 $0x2300  }
0x6: {  	s31 =	simm.s32 $0x5;
	s9 =	sand.u32 $0x1, s2;
	s10 =	smul.u32 $0x13C00, s17  }
0x7: {  	s2 =	simm.s32 $0x0;
	s4 =	sadd.s32 $0x16A00, s0;
	s12 =	smul.u32 $0xA00, s17  }
0x8: {  	s5 =	sadd.s32 $0xCA00, s0;
	s6 =	sadd.s32 $0x2A00, s0;
	s15 =	smul.u32 $0x4F000, s17  }
0x9: {  	s7 =	sadd.s32 $0x64C00, s0;
	p0 =	sne.s32 s17, $0x0;
	s8 =	smul.u32 $0x13C000, s9  }
0xa: {  	[smem:$0x7FF] =	sst s2;
	s11 =	ssub.s32 $0x2, s9;
	s20 =	smul.u32 $0x50, s9  }
0xb: {  	s24 =	smul.u32 $0x500, s9;
	v0 =	vmov s9;
	s9 =	simm.s32 $0x0;
	_ =	strace $0x80000047  }
0xc: {  	s13 =	sshrl.u32 s11, $0x1;
	s19 =	sadd.s32 s5, s12;
	s14 =	sadd.s32 s6, s12  }
0xd: {  	s21 =	sor.u32 $0x10, s12;
	s22 =	sshrl.u32 s15, $0x2;
	[dreg:$0x4] =	wrdreg s26  }
0xe: {  	s26 =	simm.s32 $0x300;
	s8 =	sadd.s32 s10, s8;
	[dreg:$0x5] =	wrdreg s19  }
0xf: {  	s11 =	ssub.s32 s11, s13;
	[dreg:$0x6] =	wrdreg s14;
	s16 =	sadd.s32 s5, s21  }
0x10: {  	s14 =	sadd.s32 s6, s21;
	s19 =	sadd.s32 s24, s12;
	s21 =	simm.s32 $0x100  }
0x11: {  	s24 =	simm.s32 $0x40;
	s10 =	sshrl.u32 s8, $0x3;
	[dreg:$0x7] =	wrdreg s16  }
0x12: {  	s8 =	smul.u32 $0xA0, s17;
	[dreg:$0x8] =	wrdreg s14;
	s25 =	smax.u32 s11, $0x1  }
0x13: {  	s0 =	sadd.s32 s10, s0;
	s3 =	sadd.s32 s3, s10;
	[dreg:$0xc] =	wrdreg s25  }
0x14: {  	s25 =	simm.s32 $0x200;
	s13 =	sadd.s32 s20, s8;
	[dreg:$0x9] =	wrdreg s3  }
0x15: {  	s3 =	sadd.s32 s22, s1;
	s0 =	sadd.s32 $0x8C400, s0;
	s20 =	sshrl.u32 @!p0 s1, $0x3  }
0x16: {  	s22 =	simm.s32 $0x80;
	s23 =	sshll.u32 s13, $0x4;
	[dreg:$0xa] =	wrdreg s3  }
0x17: {  	[dreg:$0xb] =	wrdreg s0;
	s0 =	simm.s32 $0x3;
	s15 =	sadd.s32 s6, s23  }
0x18: {  	v1 =	vimm.f32 $1.000000000e+00;
	s3 =	simm.s32 $0x2;
	s23 =	simm.s32 $0x180;
	s16 =	sadd.s32 $0x10, s15  }
.LBB2_1:
0x19: {  	s10 =	simm.s32 @!p0 $0x1C05  }
0x1a: {  	[spmem:s20], [sflag:s10] =	dma.local @!p0 [hbm:s7], $0x27800  }
0x1b: {  	s10 =	simm.s32 @!p0 $0x5  }
0x1c: {  	_ =	swait.ge @!p0 [sflag:s10], $0x27800  }
0x1d: {  	[sflag:s10] =	ssyncset.done @!p0 $0x0  }
0x1e: {  	s18 =	rddreg [dreg:$0x5];
	[sflag:s10] =	ssyncadd.s32 @!p0 $0xFFFD8800  }
0x1f: {  	[tilespmem:s2], [sflag:$0x3] =	stream.linear.gather [hbm4b:s18+s2], $0x80, $0x38;
	[tilespmem:$0x17F00] =	vst v63  }
0x20: {  	s11 =	rddreg [dreg:$0x6]  }
0x21: {  	[tilespmem:s21], [sflag:$0x3] =	stream.linear.gather [hbm4b:s11+s2], $0x80, $0x38;
	[tilespmem:$0x17F00] =	vst v63  }
0x22: {  	s12 =	rddreg [dreg:$0x7]  }
0x23: {  	[tilespmem:s22], [sflag:$0x4] =	stream.linear.gather [hbm4b:s12+s2], $0x80, $0x38;
	[tilespmem:$0x17F00] =	vst v63  }
0x24: {  	s13 =	rddreg [dreg:$0x8]  }
0x25: {  	[tilespmem:s23], [sflag:$0x4] =	stream.linear.gather [hbm4b:s13+s2], $0x80, $0x38;
	[tilespmem:$0x17F00] =	vst v63  }
0x26: {  	_ =	swait.ge [sflag:s0], $0x80  }
0x27: {  	[sflag:s0] =	ssyncset.done $0x0  }
0x28: {  	[sflag:s0] =	ssyncadd.s32 $0xFFFFFF80  }
0x29: {  	_ =	swait.ge [sflag:s0], $0x80  }
0x2a: {  	[sflag:s0] =	ssyncset.done $0x0  }
0x2b: {  	[sflag:s0] =	ssyncadd.s32 $0xFFFFFF80  }
0x2c: {  	v2 =	vld [tilespmem:$0x0]  }
0x2d: {  	v3 =	vld [tilespmem:$0x10]  }
0x2e: {  	v4 =	vld [tilespmem:$0x20]  }
0x2f: {  	v5 =	vld [tilespmem:$0x30];
	_ =	sdelay $0x1  }
0x30: {  	v2 =	vshll.u32 v2, $0x1  }
0x31: {  	v3 =	vshll.u32 v3, $0x1;
	v2 =	vor.u32 v0, v2  }
0x32: {  	[tilespmem:$0x200] =	vst v2;
	v2 =	vor.u32 v0, v3;
	v3 =	vshll.u32 v4, $0x1  }
0x33: {  	[tilespmem:$0x210] =	vst v2;
	v2 =	vor.u32 v0, v3;
	v3 =	vshll.u32 v5, $0x1  }
0x34: {  	[tilespmem:$0x220] =	vst v2;
	v2 =	vor.u32 v0, v3  }
0x35: {  	[tilespmem:$0x230] =	vst v2  }
0x36: {  	[tilespmem:s26], [sflag:$0x1] =	stream.indirect.gather [hbm4b:s4+s24], $0x80, s25, s24, $0xb8;
	[tilespmem:$0x17F00] =	vst v63  }
0x37: {  	[bflag:$0x0] =	sbarrier.arrive $0xFFFF  }
0x38: {  	_ =	swait.ge [sflag:s28], $0x80  }
0x39: {  	[sflag:s28] =	ssyncset.done $0x0  }
0x3a: {  	[sflag:s28] =	ssyncadd.s32 $0xFFFFFF80  }
0x3b: {  	_ =	swait.ge [sflag:s28], $0x80  }
0x3c: {  	[sflag:s28] =	ssyncset.done $0x0  }
0x3d: {  	[sflag:s28] =	ssyncadd.s32 $0xFFFFFF80  }
0x3e: {  	v2 =	vld [tilespmem:$0xB0]  }
0x3f: {  	v3 =	vld [tilespmem:$0xA0]  }
0x40: {  	v4 =	vld [tilespmem:$0x90]  }
0x41: {  	v5 =	vld [tilespmem:$0x80];
	_ =	sdelay $0x1  }
0x42: {  	v2 =	vshll.u32 v2, $0x1  }
0x43: {  	v3 =	vshll.u32 v3, $0x1;
	v2 =	vor.u32 v0, v2  }
0x44: {  	v4 =	vshll.u32 v4, $0x1;
	v3 =	vor.u32 v0, v3;
	[tilespmem:$0x2B0] =	vst v2  }
0x45: {  	v4 =	vor.u32 v0, v4;
	v2 =	vshll.u32 v5, $0x1;
	[tilespmem:$0x2A0] =	vst v3  }
0x46: {  	[tilespmem:$0x290] =	vst v4;
	v2 =	vor.u32 v0, v2  }
0x47: {  	[tilespmem:$0x280] =	vst v2  }
0x48: {  	p1 =	por $0x0, $0x0;
	s11 =	simm.s32 $0x2;
	_ =	swait.ge [sflag:s29], $0x2000  }
0x49: {  	s11 =	simm.s32 @p1 $0x0;
	[sflag:s29] =	ssyncset.done $0x0  }
0x4a: {  	s17 =	sadd.s32 s8, s11;
	s14 =	rddreg [dreg:$0x4];
	[sflag:s29] =	ssyncadd.s32 $0xFFFFE000  }
0x4b: {  	[tilespmem:s30], [sflag:$0x2] =	stream.indirect.gather [hbm4b:s4+s24], $0x80, s14, s24, $0xb8;
	[tilespmem:$0x17F00] =	vst v63  }
0x4c: {  	s11 =	sshll.u32 s11, $0x4;
	s10 =	sshll.u32 s17, $0x4  }
0x4d: {  	[spmem:s1] =	stream.indirect.scatter.add.f32 [tilespmem:s26], [sflag:$0x5], $0x80, s21, s24, $0xb8;
	[tilespmem:$0x17F00] =	vst v63  }
0x4e: {  	s11 =	sand.u32 $0x60, s11;
	s10 =	sand.u32 $0x1FF80, s10;
	_ =	swait.ge [sflag:s31], $0x2000  }
0x4f: {  	s10 =	sor.u32 s11, s10;
	[sflag:s31] =	ssyncset.done $0x0  }
0x50: {  	s11 =	sadd.s32 s5, s10;
	[sflag:s31] =	ssyncadd.s32 $0xFFFFE000  }
0x51: {  	[tilespmem:s2], [sflag:$0x3] =	stream.linear.gather [hbm4b:s11+s2], $0x80, $0x38;
	[tilespmem:$0x17F00] =	vst v63  }
0x52: {  	s10 =	sadd.s32 s6, s10  }
0x53: {  	[tilespmem:s21], [sflag:$0x3] =	stream.linear.gather [hbm4b:s10+s2], $0x80, $0x38;
	[tilespmem:$0x17F00] =	vst v63  }
0x54: {  	_ =	swait.ge [sflag:s0], $0x80  }
0x55: {  	[sflag:s0] =	ssyncset.done $0x0  }
0x56: {  	[sflag:s0] =	ssyncadd.s32 $0xFFFFFF80  }
0x57: {  	_ =	swait.ge [sflag:s0], $0x80  }
0x58: {  	[sflag:s0] =	ssyncset.done $0x0  }
0x59: {  	[sflag:s0] =	ssyncadd.s32 $0xFFFFFF80  }
0x5a: {  	v2 =	vld [tilespmem:$0x0]  }
0x5b: {  	v3 =	vld [tilespmem:$0x10]  }
0x5c: {  	v4 =	vld [tilespmem:$0x20]  }
0x5d: {  	s10 =	simm.s32 $0x3;
	v5 =	vld [tilespmem:$0x30]  }
0x5e: {  	s10 =	simm.s32 @p1 $0x1  }
0x5f: {  	s18 =	sadd.s32 s8, s10;
	v2 =	vshll.u32 v2, $0x1  }
0x60: {  	s10 =	sshll.u32 s10, $0x4;
	s11 =	sshll.u32 s18, $0x4;
	v3 =	vshll.u32 v3, $0x1;
	v2 =	vor.u32 v0, v2  }
0x61: {  	s10 =	sand.u32 $0x70, s10;
	s11 =	sand.u32 $0x1FF80, s11;
	[tilespmem:$0x200] =	vst v2;
	v2 =	vor.u32 v0, v3;
	v3 =	vshll.u32 v4, $0x1  }
0x62: {  	s11 =	sor.u32 s10, s11;
	s10 =	simm.s32 $0x5;
	[tilespmem:$0x210] =	vst v2;
	v2 =	vor.u32 v0, v3;
	v3 =	vshll.u32 v5, $0x1  }
.LBB2_2:
0x63: {  	[tilespmem:$0x220] =	vst v2;
	v2 =	vor.u32 v0, v3  }
0x64: {  	[tilespmem:$0x230] =	vst v2  }
0x65: {  	_ =	swait.ge [sflag:s3], $0x2000  }
0x66: {  	[sflag:s3] =	ssyncset.done $0x0  }
0x67: {  	[sflag:s3] =	ssyncadd.s32 $0xFFFFE000  }
0x68: {  	[tilespmem:s26], [sflag:$0x1] =	stream.indirect.gather [hbm4b:s4+s24], $0x80, s25, s24, $0xb8;
	[tilespmem:$0x17F00] =	vst v63  }
0x69: {  	_ = 	snop  }
0x6a: {  	[spmem:s1] =	stream.indirect.scatter.add.f32 [tilespmem:s30], [sflag:$0x5], $0x80, s23, s24, $0xb8;
	[tilespmem:$0x17F00] =	vst v63  }
0x6b: {  	_ =	swait.ge [sflag:s31], $0x2000  }
0x6c: {  	[sflag:s31] =	ssyncset.done $0x0  }
0x6d: {  	s13 =	sadd.s32 s5, s11;
	[sflag:s31] =	ssyncadd.s32 $0xFFFFE000  }
0x6e: {  	[tilespmem:s22], [sflag:$0x4] =	stream.linear.gather [hbm4b:s13+s2], $0x80, $0x38;
	[tilespmem:$0x17F00] =	vst v63  }
0x6f: {  	s17 =	sadd.s32 s6, s11  }
0x70: {  	[tilespmem:s23], [sflag:$0x4] =	stream.linear.gather [hbm4b:s17+s2], $0x80, $0x38;
	[tilespmem:$0x17F00] =	vst v63  }
0x71: {  	_ =	swait.ge [sflag:s28], $0x80  }
0x72: {  	[sflag:s28] =	ssyncset.done $0x0  }
0x73: {  	[sflag:s28] =	ssyncadd.s32 $0xFFFFFF80  }
0x74: {  	_ =	swait.ge [sflag:s28], $0x80  }
0x75: {  	[sflag:s28] =	ssyncset.done $0x0  }
0x76: {  	[sflag:s28] =	ssyncadd.s32 $0xFFFFFF80  }
0x77: {  	v2 =	vld [tilespmem:$0xB0]  }
0x78: {  	v3 =	vld [tilespmem:$0xA0]  }
0x79: {  	v4 =	vld [tilespmem:$0x90]  }
0x7a: {  	v5 =	vld [tilespmem:$0x80];
	_ =	sdelay $0x1  }
0x7b: {  	v2 =	vshll.u32 v2, $0x1  }
0x7c: {  	v3 =	vshll.u32 v3, $0x1;
	v2 =	vor.u32 v0, v2  }
0x7d: {  	v4 =	vshll.u32 v4, $0x1;
	v3 =	vor.u32 v0, v3;
	[tilespmem:$0x2B0] =	vst v2  }
0x7e: {  	s12 =	smov.u32 s10;
	v4 =	vor.u32 v0, v4;
	v2 =	vshll.u32 v5, $0x1;
	[tilespmem:$0x2A0] =	vst v3  }
0x7f: {  	s11 =	sadd.s32 $0xFFFFFFFF, s12;
	p2 =	seq.s32 s12, $0xA1;
	[tilespmem:$0x290] =	vst v4;
	v2 =	vor.u32 v0, v2  }
0x80: {  	s11 =	simm.s32 @p2 $0x0;
	s12 =	simm.s32 @p2 $0x1;
	[tilespmem:$0x280] =	vst v2  }
0x81: {  	s18 =	sadd.s32 s8, s12;
	s14 =	sadd.s32 s8, s11;
	_ =	swait.ge [sflag:s29], $0x2000  }
0x82: {  	s12 =	sshll.u32 s12, $0x4;
	s14 =	sshll.u32 s14, $0x4;
	[sflag:s29] =	ssyncset.done $0x0  }
0x83: {  	s13 =	sshll.u32 s18, $0x4;
	s18 =	rddreg [dreg:$0x4];
	[sflag:s29] =	ssyncadd.s32 $0xFFFFE000  }
0x84: {  	[tilespmem:s30], [sflag:$0x2] =	stream.indirect.gather [hbm4b:s4+s24], $0x80, s18, s24, $0xb8;
	[tilespmem:$0x17F00] =	vst v63  }
0x85: {  	s12 =	sand.u32 $0x70, s12;
	s14 =	sand.u32 $0x1FF80, s14;
	s17 =	sshll.u32 s11, $0x4  }
0x86: {  	[spmem:s1] =	stream.indirect.scatter.add.f32 [tilespmem:s26], [sflag:$0x5], $0x80, s21, s24, $0xb8;
	[tilespmem:$0x17F00] =	vst v63  }
0x87: {  	s11 =	sand.u32 $0x1FF80, s13;
	s17 =	sand.u32 $0x60, s17;
	_ =	swait.ge [sflag:s31], $0x2000  }
0x88: {  	s11 =	sor.u32 s12, s11;
	s12 =	sor.u32 s17, s14;
	[sflag:s31] =	ssyncset.done $0x0  }
0x89: {  	s18 =	sadd.s32 s5, s12;
	[sflag:s31] =	ssyncadd.s32 $0xFFFFE000  }
0x8a: {  	[tilespmem:s2], [sflag:$0x3] =	stream.linear.gather [hbm4b:s18+s2], $0x80, $0x38;
	[tilespmem:$0x17F00] =	vst v63  }
0x8b: {  	s12 =	sadd.s32 s6, s12  }
0x8c: {  	[tilespmem:s21], [sflag:$0x3] =	stream.linear.gather [hbm4b:s12+s2], $0x80, $0x38;
	[tilespmem:$0x17F00] =	vst v63  }
0x8d: {  	_ =	swait.ge [sflag:s0], $0x80  }
0x8e: {  	[sflag:s0] =	ssyncset.done $0x0  }
0x8f: {  	[sflag:s0] =	ssyncadd.s32 $0xFFFFFF80  }
0x90: {  	_ =	swait.ge [sflag:s0], $0x80  }
0x91: {  	[sflag:s0] =	ssyncset.done $0x0  }
0x92: {  	[sflag:s0] =	ssyncadd.s32 $0xFFFFFF80  }
0x93: {  	v2 =	vld [tilespmem:$0x0]  }
0x94: {  	v3 =	vld [tilespmem:$0x10]  }
0x95: {  	v4 =	vld [tilespmem:$0x20]  }
0x96: {  	p1 =	sne.s32 s10, $0xA1;
	v5 =	vld [tilespmem:$0x30]  }
.Ltmp0:
0x97: {  	_ = 	snop;
	(pc) =	sbr.rel @p1 .LBB2_2-.Ltmp0, $4  }
0x98: {  	v2 =	vshll.u32 v2, $0x1  }
0x99: {  	v3 =	vshll.u32 v3, $0x1;
	v2 =	vor.u32 v0, v2  }
0x9a: {  	[tilespmem:$0x200] =	vst v2;
	v2 =	vor.u32 v0, v3;
	v3 =	vshll.u32 v4, $0x1  }
0x9b: {  	s10 =	sadd.s32 $0x2, s10;
	[tilespmem:$0x210] =	vst v2;
	v2 =	vor.u32 v0, v3;
	v3 =	vshll.u32 v5, $0x1  }
0x9c: {  	[tilespmem:$0x220] =	vst v2;
	v2 =	vor.u32 v0, v3  }
0x9d: {  	[tilespmem:$0x230] =	vst v2  }
0x9e: {  	_ =	swait.ge [sflag:s3], $0x2000  }
0x9f: {  	[sflag:s3] =	ssyncset.done $0x0  }
0xa0: {  	[sflag:s3] =	ssyncadd.s32 $0xFFFFE000  }
0xa1: {  	[tilespmem:s26], [sflag:$0x1] =	stream.indirect.gather [hbm4b:s4+s24], $0x80, s25, s24, $0xb8;
	[tilespmem:$0x17F00] =	vst v63  }
0xa2: {  	_ = 	snop  }
0xa3: {  	[spmem:s1] =	stream.indirect.scatter.add.f32 [tilespmem:s30], [sflag:$0x5], $0x80, s23, s24, $0xb8;
	[tilespmem:$0x17F00] =	vst v63  }
0xa4: {  	_ =	swait.ge [sflag:s31], $0x2000  }
0xa5: {  	[sflag:s31] =	ssyncset.done $0x0  }
0xa6: {  	s10 =	sadd.s32 s5, s11;
	[sflag:s31] =	ssyncadd.s32 $0xFFFFE000  }
0xa7: {  	[tilespmem:s22], [sflag:$0x4] =	stream.linear.gather [hbm4b:s10+s2], $0x80, $0x38;
	[tilespmem:$0x17F00] =	vst v63  }
0xa8: {  	s14 =	sadd.s32 s6, s11  }
0xa9: {  	[tilespmem:s23], [sflag:$0x4] =	stream.linear.gather [hbm4b:s14+s2], $0x80, $0x38;
	[tilespmem:$0x17F00] =	vst v63  }
0xaa: {  	_ =	swait.ge [sflag:s29], $0x2000  }
0xab: {  	[sflag:s29] =	ssyncset.done $0x0  }
0xac: {  	[sflag:s29] =	ssyncadd.s32 $0xFFFFE000  }
0xad: {  	_ =	swait.ge [sflag:s28], $0x80  }
0xae: {  	[sflag:s28] =	ssyncset.done $0x0  }
0xaf: {  	[sflag:s28] =	ssyncadd.s32 $0xFFFFFF80  }
0xb0: {  	_ =	swait.ge [sflag:s28], $0x80  }
0xb1: {  	[sflag:s28] =	ssyncset.done $0x0  }
0xb2: {  	[sflag:s28] =	ssyncadd.s32 $0xFFFFFF80  }
0xb3: {  	s17 =	stileid.u32;
	[bflag:$0x0] =	sbarrier.arrive $0xFFFF  }
0xb4: {  	s10 =	sshll.u32 s17, $0x6;
	s18 =	rddreg [dreg:$0xa]  }
0xb5: {  	s10 =	sor.u32 $0x1C05, s10;
	s12 =	rddreg [dreg:$0x9];
	s11 =	sshrl.u32 s18, $0x3  }
0xb6: {  	[hbm:s12], [sflag:s10] =	dma.local [spmem:s11], $0x2780  }
0xb7: {  	_ =	swait.ge [sflag:s31], $0x2780  }
0xb8: {  	[sflag:s31] =	ssyncset.done $0x0  }
0xb9: {  	[sflag:s31] =	ssyncadd.s32 $0xFFFFD880  }
0xba: {  	s12 =	simm.s32 @!p0 $0x5;
	[bflag:$0x0] =	sbarrier.arrive $0xFFFF  }
0xbb: {  	[spmem:s20], [sflag:s10] =	dma.local @!p0 [hbm:s7], $0x27800  }
0xbc: {  	_ =	swait.ge @!p0 [sflag:s12], $0x27800  }
0xbd: {  	[sflag:s12] =	ssyncset.done @!p0 $0x0  }
0xbe: {  	s13 =	simm.s32 $0x200;
	[sflag:s12] =	ssyncadd.s32 @!p0 $0xFFFD8800;
	s12 =	simm.s32 $0x0  }
.LBB2_4:
0xbf: {  	p1 =	sne.s32 s13, $0x7E00;
	[tilespmem:s12+$0x370] =	vst v1  }
0xc0: {  	[tilespmem:s12+$0x300] =	vst v1  }
0xc1: {  	[tilespmem:s12+$0x310] =	vst v1  }
.Ltmp1:
0xc2: {  	[tilespmem:s12+$0x320] =	vst v1;
	(pc) =	sbr.rel @p1 .LBB2_4-.Ltmp1, $4  }
0xc3: {  	[tilespmem:s12+$0x330] =	vst v1  }
0xc4: {  	[tilespmem:s12+$0x340] =	vst v1  }
0xc5: {  	[tilespmem:s12+$0x350] =	vst v1  }
0xc6: {  	[tilespmem:s12+$0x360] =	vst v1;
	s12 =	sshra.s32 s13, $0x2;
	s13 =	sadd.s32 $0x200, s13  }
0xc7: {  	[tilespmem:s12+$0x370] =	vst v1  }
0xc8: {  	[tilespmem:s12+$0x300] =	vst v1  }
0xc9: {  	[tilespmem:s12+$0x310] =	vst v1  }
0xca: {  	[tilespmem:s12+$0x320] =	vst v1  }
0xcb: {  	[tilespmem:s12+$0x330] =	vst v1  }
0xcc: {  	[tilespmem:s12+$0x340] =	vst v1  }
0xcd: {  	[tilespmem:s12+$0x350] =	vst v1  }
0xce: {  	[tilespmem:s12+$0x360] =	vst v1  }
0xcf: {  	[tilespmem:s21], [sflag:$0x3] =	stream.linear.gather [hbm4b:s15+s2], $0x80, $0x38;
	[tilespmem:$0x17F00] =	vst v63  }
0xd0: {  	_ = 	snop  }
0xd1: {  	[tilespmem:s23], [sflag:$0x4] =	stream.linear.gather [hbm4b:s16+s2], $0x80, $0x38;
	[tilespmem:$0x17F00] =	vst v63  }
0xd2: {  	[bflag:$0x0] =	sbarrier.arrive $0xFFFF  }
0xd3: {  	_ =	swait.ge [sflag:s0], $0x80  }
0xd4: {  	[sflag:s0] =	ssyncset.done $0x0  }
0xd5: {  	s18 =	sadd.s32 $0x30, s19;
	s13 =	simm.s32 $0x20;
	[sflag:s0] =	ssyncadd.s32 $0xFFFFFF80  }
0xd6: {  	[spmem:s1] =	stream.indirect.scatter.add.f32 [tilespmem:s26], [sflag:$0x5], $0x80, s21, s24, $0xb8;
	[tilespmem:$0x17F00] =	vst v63  }
0xd7: {  	s14 =	sadd.s32 $0xFFFFFFF0, s18;
	s13 =	sand.u32 $0x60, s13;
	_ =	swait.ge [sflag:s31], $0x2000  }
0xd8: {  	s14 =	sand.u32 $0x3FF80, s14;
	s13 =	sadd.s32 s6, s13;
	[sflag:s31] =	ssyncset.done $0x0  }
0xd9: {  	s13 =	sadd.s32 s14, s13;
	[sflag:s31] =	ssyncadd.s32 $0xFFFFE000  }
0xda: {  	[tilespmem:s21], [sflag:$0x3] =	stream.linear.gather [hbm4b:s13+s2], $0x80, $0x38;
	[tilespmem:$0x17F00] =	vst v63  }
0xdb: {  	_ =	swait.ge [sflag:s28], $0x80  }
0xdc: {  	[sflag:s28] =	ssyncset.done $0x0  }
0xdd: {  	s17 =	simm.s32 $0x30;
	[sflag:s28] =	ssyncadd.s32 $0xFFFFFF80  }
0xde: {  	[spmem:s1] =	stream.indirect.scatter.add.f32 [tilespmem:s26], [sflag:$0x5], $0x80, s23, s24, $0xb8;
	[tilespmem:$0x17F00] =	vst v63  }
0xdf: {  	s13 =	sand.u32 $0x70, s17;
	_ =	swait.ge [sflag:s31], $0x2000  }
0xe0: {  	s18 =	sand.u32 $0x3FF80, s18;
	s13 =	sadd.s32 s6, s13;
	[sflag:s31] =	ssyncset.done $0x0  }
0xe1: {  	s12 =	simm.s32 $0x50;
	s13 =	sadd.s32 s18, s13;
	[sflag:s31] =	ssyncadd.s32 $0xFFFFE000  }
.LBB2_6:
0xe2: {  	[tilespmem:s23], [sflag:$0x4] =	stream.linear.gather [hbm4b:s13+s2], $0x80, $0x38;
	[tilespmem:$0x17F00] =	vst v63  }
0xe3: {  	s13 =	smov.u32 s12  }
0xe4: {  	p1 =	sne.s32 s12, $0x4F0;
	s12 =	sadd.s32 $0x20, s12;
	_ =	swait.ge [sflag:s0], $0x80  }
0xe5: {  	[sflag:s0] =	ssyncset.done $0x0  }
0xe6: {  	s14 =	sadd.s32 s13, s19;
	s17 =	sadd.s32 $0xFFFFFFF0, s13;
	[sflag:s0] =	ssyncadd.s32 $0xFFFFFF80  }
0xe7: {  	[spmem:s1] =	stream.indirect.scatter.add.f32 [tilespmem:s26], [sflag:$0x5], $0x80, s21, s24, $0xb8;
	[tilespmem:$0x17F00] =	vst v63  }
0xe8: {  	s18 =	sadd.s32 $0xFFFFFFF0, s14;
	s17 =	sand.u32 $0x60, s17;
	_ =	swait.ge [sflag:s31], $0x2000  }
0xe9: {  	s18 =	sand.u32 $0x3FF80, s18;
	s17 =	sadd.s32 s6, s17;
	[sflag:s31] =	ssyncset.done $0x0  }
0xea: {  	s14 =	sand.u32 $0x3FF80, s14;
	s17 =	sadd.s32 s18, s17;
	[sflag:s31] =	ssyncadd.s32 $0xFFFFE000  }
0xeb: {  	[tilespmem:s21], [sflag:$0x3] =	stream.linear.gather [hbm4b:s17+s2], $0x80, $0x38;
	[tilespmem:$0x17F00] =	vst v63  }
0xec: {  	_ =	swait.ge [sflag:s28], $0x80  }
0xed: {  	[sflag:s28] =	ssyncset.done $0x0  }
.Ltmp2:
0xee: {  	[sflag:s28] =	ssyncadd.s32 $0xFFFFFF80;
	(pc) =	sbr.rel @p1 .LBB2_6-.Ltmp2, $4  }
0xef: {  	[spmem:s1] =	stream.indirect.scatter.add.f32 [tilespmem:s26], [sflag:$0x5], $0x80, s23, s24, $0xb8;
	[tilespmem:$0x17F00] =	vst v63  }
0xf0: {  	s13 =	sand.u32 $0x70, s13;
	_ =	swait.ge [sflag:s31], $0x2000  }
0xf1: {  	s13 =	sadd.s32 s6, s13;
	[sflag:s31] =	ssyncset.done $0x0  }
0xf2: {  	s13 =	sadd.s32 s14, s13;
	[sflag:s31] =	ssyncadd.s32 $0xFFFFE000  }
0xf3: {  	[tilespmem:s23], [sflag:$0x4] =	stream.linear.gather [hbm4b:s13+s2], $0x80, $0x38;
	[tilespmem:$0x17F00] =	vst v63  }
0xf4: {  	_ =	swait.ge [sflag:s0], $0x80  }
0xf5: {  	[sflag:s0] =	ssyncset.done $0x0  }
0xf6: {  	[sflag:s0] =	ssyncadd.s32 $0xFFFFFF80  }
0xf7: {  	[spmem:s1] =	stream.indirect.scatter.add.f32 [tilespmem:s26], [sflag:$0x5], $0x80, s21, s24, $0xb8;
	[tilespmem:$0x17F00] =	vst v63  }
0xf8: {  	_ =	swait.ge [sflag:s31], $0x2000  }
0xf9: {  	[sflag:s31] =	ssyncset.done $0x0  }
0xfa: {  	[sflag:s31] =	ssyncadd.s32 $0xFFFFE000  }
0xfb: {  	[tilespmem:s21], [sflag:$0x3] =	stream.linear.gather [hbm4b:s15+s2], $0x80, $0x38;
	[tilespmem:$0x17F00] =	vst v63  }
0xfc: {  	_ =	swait.ge [sflag:s28], $0x80  }
0xfd: {  	[sflag:s28] =	ssyncset.done $0x0  }
0xfe: {  	[sflag:s28] =	ssyncadd.s32 $0xFFFFFF80  }
0xff: {  	[spmem:s1] =	stream.indirect.scatter.add.f32 [tilespmem:s26], [sflag:$0x5], $0x80, s23, s24, $0xb8;
	[tilespmem:$0x17F00] =	vst v63  }
0x100: {  	_ =	swait.ge [sflag:s31], $0x2000  }
0x101: {  	[sflag:s31] =	ssyncset.done $0x0  }
0x102: {  	[sflag:s31] =	ssyncadd.s32 $0xFFFFE000  }
0x103: {  	[tilespmem:s23], [sflag:$0x4] =	stream.linear.gather [hbm4b:s16+s2], $0x80, $0x38;
	[tilespmem:$0x17F00] =	vst v63  }
0x104: {  	_ =	swait.ge [sflag:s0], $0x80  }
0x105: {  	[sflag:s0] =	ssyncset.done $0x0  }
0x106: {  	[sflag:s0] =	ssyncadd.s32 $0xFFFFFF80  }
0x107: {  	_ =	swait.ge [sflag:s28], $0x80  }
0x108: {  	[sflag:s28] =	ssyncset.done $0x0  }
0x109: {  	[sflag:s28] =	ssyncadd.s32 $0xFFFFFF80  }
0x10a: {  	[bflag:$0x0] =	sbarrier.arrive $0xFFFF  }
0x10b: {  	s12 =	rddreg [dreg:$0xb]  }
0x10c: {  	[hbm:s12], [sflag:s10] =	dma.local [spmem:s11], $0x2780  }
0x10d: {  	_ =	swait.ge [sflag:s31], $0x2780  }
0x10e: {  	s9 =	sadd.s32 $0x1, s9;
	s18 =	rddreg [dreg:$0xc]  }
0x10f: {  	p1 =	sne.s32 s9, s18  }
.Ltmp3:
0x110: {  	_ = 	snop;
	(pc) =	sbr.rel @p1 .LBB2_1-.Ltmp3, $3  }
0x111: {  	[sflag:s31] =	ssyncset.done $0x0  }
0x112: {  	[sflag:s31] =	ssyncadd.s32 $0xFFFFD880  }
0x113: {  	[bflag:$0x0] =	sbarrier.arrive $0xFFFF;
	_ =	sdelay $0x1  }
0x114: {  	_ =	sfence.sel $0x180000  }
0x115: {  	[bflag:$0x0] =	sbarrier.arrive $0xFFFF  }
0x116: {  	_ =	strace $0x90000047  }
0x117: {  	[bflag:$0x2] =	sbarrier.arrive $0xFFFF  }
0x118: {  	s0 =	rddreg [dreg:$0x3]  }
0x119: {  	s0 =	sadd.s32 @!p0 $0x100000, s0  }
0x11a: {  	[sflag:s0] =	ssyncadd.tile.s32 @!p0 $0x1;
	_ =	shalt  }
.Lfunc_end2:
_tile_overlayer_lowered:
.L_overlay_start_2:
0x11b: {  	(tag) =	ssettag $0x2  }
0x11c: {  	s0 =	rddreg [dreg:$0x0];
	s2 =	stileid.u32  }
0x11d: {  	s1 =	rddreg [dreg:$0x1];
	p0 =	sne.s32 s2, $0x0  }
0x11e: {  	s3 =	rddreg [dreg:$0x2];
	[bflag:$0x3] =	sbarrier.arrive $0xFFFF;
	s2 =	simm.s32 @!p0 $0x1C05  }
0x11f: {  	[timem:s3], [sflag:s2] =	dma.local @!p0 [hbm:s0], s1  }
0x120: {  	s0 =	simm.s32 @!p0 $0x5  }
0x121: {  	_ =	swait.ge @!p0 [sflag:s0], s1  }
0x122: {  	s1 =	ssub.s32 @!p0 $0x0, s1;
	[sflag:s0] =	ssyncset.done @!p0 $0x0  }
0x123: {  	[sflag:s0] =	ssyncadd.s32 @!p0 s1  }
0x124: {  	[bflag:$0x3] =	sbarrier.arrive $0xFFFF  }
0x125: {  	_ =	shalt  }

// kernel: kernel.9.cloned.1.call-start
scs
__scs_entry_jumppad:
0x0: {  	(pc) =	sbr.rel $0x88, $3  }
0x1: {  	(tag) =	ssettag $0x0;
	lr =	simm.s32 $0x1  }
0x2: {  	[smem:$0x3F99] =	sst lr;
	_ =	strace $0xD0000000  }
0x3: {  	_ = 	snop  }
0x4: {  	_ = 	snop  }
0x5: {  	_ = 	snop  }
0x6: {  	_ = 	snop  }
0x7: {  	_ = 	snop  }
__scs_overlays_trampoline_lowered:
0x8: {  	[smem:$0x3FA8] =	sst s0  }
0x9: {  	[smem:$0x3FA9] =	sst s1  }
0xa: {  	[smem:$0x3FAA] =	sst s2  }
0xb: {  	[smem:$0x3FAB] =	sst s3  }
0xc: {  	[smem:$0x3FAC] =	sst s4  }
0xd: {  	[smem:$0x3FAD] =	sst s5  }
0xe: {  	[smem:$0x3FAE] =	sst s6  }
0xf: {  	[smem:$0x3FAF] =	sst s7  }
0x10: {  	[smem:$0x3FB0] =	sst s8  }
0x11: {  	[smem:$0x3FB1] =	sst s9;
	s0 =	simm.s32 @!p0 $0x0  }
0x12: {  	s1 =	sld [smem:$0x3F97];
	s0 =	simm.s32 @p0 $0x1  }
0x13: {  	[smem:$0x3FB2] =	sst s0;
	s0 =	simm.s32 @!p1 $0x0  }
0x14: {  	s2 =	sld [smem:$0x3F96];
	s0 =	simm.s32 @p1 $0x1  }
0x15: {  	[smem:$0x3FB3] =	sst s0;
	s0 =	simm.s32 @!p2 $0x0  }
0x16: {  	s3 =	sld [smem:$0x3FDB];
	s0 =	simm.s32 @p2 $0x1  }
0x17: {  	s4 =	simm.s32 $0x1BF5;
	[smem:$0x3FB5] =	sst s0  }
0x18: {  	s0 =	sld [smem:$0x3F98];
	_ =	swait.ge [sflag:s4], $0x0  }
0x19: {  	s7 =	sld [smem:$0x3F99]  }
0x1a: {  	s8 =	sadd.s32 $0xFFFFE003, lr  }
0x1b: {  	s9 =	sadd.s32 $0xFFFFFEF7, lr;
	s5 =	simm.s32 $0xFFFFFFFF;
	p2 =	slt.u32 s8, $0xFFFFF086  }
0x1c: {  	p1 =	slt.u32 s9, $0xF7A;
	s5 =	simm.s32 @!p2 $0x0  }
0x1d: {  	s5 =	simm.s32 @p1 $0x1;
	p0 =	seq.s32 s7, s2  }
0x1e: {  	s7 =	smul.u32 @!p0 $0xF7A, s2;
	p2 =	seq.s32 @!p0 s5, $0x0  }
0x1f: {  	s9 =	smul.u32 $0xF7A, s1;
	s8 =	simm.s32 @!p0 $0x1BF5;
	p2 =	por !p2, p0  }
0x20: {  	[sflag:s8] =	ssyncset.s32 @!p0 $0xFFFFF086;
	s6 =	sadd.s32 @!p0 s3, s7;
	s7 =	simm.s32 @!p0 $0x108  }
0x21: {  	s3 =	sadd.s32 s3, s9;
	s6 =	sadd.s32 @!p0 $0x88, s6;
	s7 =	simm.s32 @p2 $0x1082  }
0x22: {  	[simem:s7], [sflag:s8] =	dma.local @!p0 [hbm:s6], $0xF7A  }
0x23: {  	s9 =	sor.u32 $0xD0000000, s2;
	s6 =	simm.s32 $0x108;
	_ =	swait.ge @!p0 [sflag:s8], $0x0  }
0x24: {  	s3 =	sadd.s32 $0x88, s3;
	s6 =	simm.s32 @!p1 $0x1082;
	[sflag:s4] =	ssyncset.s32 $0xFFFFF086  }
0x25: {  	[simem:s6], [sflag:s4] =	dma.local [hbm:s3], $0xF7A  }
0x26: {  	[smem:$0x3F99] =	sst s1;
	(tag) =	ssettag s2;
	_ =	strace s9  }
0x27: {  	s1 =	sld [smem:$0x3FA9]  }
0x28: {  	s2 =	sld [smem:$0x3FAA]  }
0x29: {  	s4 =	sld [smem:$0x3FAC]  }
0x2a: {  	p0 =	seq.s32 s5, $0x0;
	s5 =	sld [smem:$0x3FAD]  }
0x2b: {  	s6 =	sld [smem:$0x3FAE]  }
0x2c: {  	s7 =	sld [smem:$0x3FAF]  }
0x2d: {  	s3 =	simm.s32 $0x108;
	s8 =	sld [smem:$0x3FB0]  }
0x2e: {  	s3 =	simm.s32 @!p0 $0x1082;
	s9 =	sld [smem:$0x3FB1]  }
0x2f: {  	lr =	sadd.s32 s0, s3;
	s0 =	sld [smem:$0x3FA8]  }
0x30: {  	s3 =	sld [smem:$0x3FAB]  }
0x31: {  	[smem:$0x3FB4] =	sst s10  }
0x32: {  	s10 =	sld [smem:$0x3FB2];
	_ =	sdelay $0x3  }
0x33: {  	p0 =	seq.s32 s10, $0x1;
	s10 =	sld [smem:$0x3FB4];
	_ =	sdelay $0x3  }
0x34: {  	[smem:$0x3FB4] =	sst s10  }
0x35: {  	s10 =	sld [smem:$0x3FB3];
	_ =	sdelay $0x3  }
0x36: {  	p1 =	seq.s32 s10, $0x1;
	s10 =	sld [smem:$0x3FB4];
	_ =	sdelay $0x3  }
0x37: {  	[smem:$0x3FB4] =	sst s10  }
0x38: {  	s10 =	sld [smem:$0x3FB5]  }
0x39: {  	_ = 	snop;
	(pc) =	sbr.ind lr, $3  }
0x3a: {  	_ = 	snop  }
0x3b: {  	_ = 	snop  }
0x3c: {  	p2 =	seq.s32 s10, $0x1;
	s10 =	sld [smem:$0x3FB4]  }
0x3d: {  	_ =	shalt  }
0x3e: {  	_ =	shalt  }
0x3f: {  	_ =	shalt  }
0x40: {  	_ =	shalt  }
0x41: {  	_ =	shalt  }
0x42: {  	_ =	shalt  }
0x43: {  	_ =	shalt  }
0x44: {  	_ =	shalt  }
0x45: {  	_ =	shalt  }
0x46: {  	_ =	shalt  }
0x47: {  	_ =	shalt  }
0x48: {  	_ =	shalt  }
0x49: {  	_ =	shalt  }
0x4a: {  	_ =	shalt  }
0x4b: {  	_ =	shalt  }
0x4c: {  	_ =	shalt  }
0x4d: {  	_ =	shalt  }
0x4e: {  	_ =	shalt  }
0x4f: {  	_ =	shalt  }
0x50: {  	_ =	shalt  }
0x51: {  	_ =	shalt  }
0x52: {  	_ =	shalt  }
0x53: {  	_ =	shalt  }
0x54: {  	_ =	shalt  }
0x55: {  	_ =	shalt  }
0x56: {  	_ =	shalt  }
0x57: {  	_ =	shalt  }
0x58: {  	_ =	shalt  }
0x59: {  	_ =	shalt  }
0x5a: {  	_ =	shalt  }
0x5b: {  	_ =	shalt  }
0x5c: {  	_ =	shalt  }
0x5d: {  	_ =	shalt  }
0x5e: {  	_ =	shalt  }
0x5f: {  	_ =	shalt  }
0x60: {  	_ =	shalt  }
0x61: {  	_ =	shalt  }
0x62: {  	_ =	shalt  }
0x63: {  	_ =	shalt  }
0x64: {  	_ =	shalt  }
0x65: {  	_ =	shalt  }
0x66: {  	_ =	shalt  }
0x67: {  	_ =	shalt  }
0x68: {  	_ =	shalt  }
0x69: {  	_ =	shalt  }
0x6a: {  	_ =	shalt  }
0x6b: {  	_ =	shalt  }
0x6c: {  	_ =	shalt  }
0x6d: {  	_ =	shalt  }
0x6e: {  	_ =	shalt  }
0x6f: {  	_ =	shalt  }
0x70: {  	_ =	shalt  }
0x71: {  	_ =	shalt  }
0x72: {  	_ =	shalt  }
0x73: {  	_ =	shalt  }
0x74: {  	_ =	shalt  }
0x75: {  	_ =	shalt  }
0x76: {  	_ =	shalt  }
0x77: {  	_ =	shalt  }
0x78: {  	_ =	shalt  }
0x79: {  	_ =	shalt  }
0x7a: {  	_ =	shalt  }
0x7b: {  	_ =	shalt  }
0x7c: {  	_ =	shalt  }
0x7d: {  	_ =	shalt  }
0x7e: {  	_ =	shalt  }
0x7f: {  	_ =	shalt  }
0x80: {  	_ =	shalt  }
0x81: {  	_ =	shalt  }
0x82: {  	_ =	shalt  }
0x83: {  	_ =	shalt  }
0x84: {  	_ =	shalt  }
0x85: {  	_ =	shalt  }
0x86: {  	_ =	shalt  }
0x87: {  	_ =	shalt  }
.Lfunc_end0:
.L_simem_size_0:
called_computation.1_lowered:
.L_overlay_start_0:
0x88: {  	s2 =	sld [smem:$0x3FD9]  }
0x89: {  	s3 =	sld [smem:$0x3FFE];
	_ =	sdelay $0x1  }
0x8a: {  	s1 =	srdreg.scid  }
0x8b: {  	s0 =	sand.u32 $0x1, s1  }
0x8c: {  	s17 =	sshll.u32 s0, $0xA;
	s2 =	sadd.s32 s3, s2  }
0x8d: {  	s2 =	sadd.s32 s2, s17  }
0x8e: {  	[smem:$0x3FC0] =	sst s2  }
0x8f: {  	_ = 	snop  }
0x90: {  	s2 =	sld [smem:$0x3FD0];
	(tm) =	ssettm $0x1  }
0x91: {  	s18 =	sld [smem:$0x3FFB];
	_ =	sdelay $0x3  }
0x92: {  	_ =	strace s18  }
0x93: {  	s3 =	sld [smem:$0x3FFC];
	_ =	sdelay $0x3  }
0x94: {  	_ =	strace s3  }
0x95: {  	s3 =	sld [smem:$0x3FFD];
	_ =	sdelay $0x3  }
0x96: {  	_ =	strace s3  }
0x97: {  	_ =	strace $0x8FFFFFFF  }
0x98: {  	s19 =	sld [smem:$0x3FDB];
	_ =	sdelay $0x1  }
0x99: {  	s4 =	simm.s32 $_scs_section_size  }
0x9a: {  	s5 =	simm.s32 $_size__tile_overlayer_lowered;
	s6 =	simm.s32 $_tile_overlayer_lowered  }
0x9b: {  	s22 =	simm.s32 $0x1BFF;
	s21 =	sshll.u32 s6, $0x1;
	s3 =	sadd.s32 s4, s19  }
0x9c: {  	s7 =	simm.s32 $0x0;
	s20 =	sshll.u32 s5, $0x1;
	s5 =	sadd.s32 s21, s3  }
0x9d: {  	[timem:s7], [sflag:s22] =	dma.local [hbm:s5], s20  }
0x9e: {  	_ =	swait.ge [sflag:s22], s20  }
0x9f: {  	s4 =	ssub.s32 $0x0, s20;
	[sflag:s22] =	ssyncset.done $0x0  }
0xa0: {  	[sflag:s22] =	ssyncadd.s32 s4;
	_ =	sdelay $0x1  }
0xa1: {  	s23 =	simm.s32 $0x1B8B  }
0xa2: {  	_ =	swait.ge [sflag:s23], $0x1  }
0xa3: {  	[sflag:s23] =	ssyncset.done $0x0  }
0xa4: {  	s25 =	simm.s32 $0x1B8E;
	s24 =	sld [smem:$0x3FFE];
	[sflag:s23] =	ssyncadd.s32 $0xFFFFFFFF  }
0xa5: {  	s26 =	simm.s32 $execute0_lowered;
	[smem:$0x3FD2] =	sst s25  }
0xa6: {  	s5 =	sshll.u32 s26, $0x1;
	_ =	strace $0x80000049;
	[dreg:$0x1] =	wrdreg $0xFFFFFFFF  }
0xa7: {  	s28 =	simm.s32 $_size_execute0_lowered;
	s3 =	sadd.s32 s3, s5;
	[dreg:$0x0] =	wrdreg $0x0  }
0xa8: {  	s5 =	sshll.u32 s28, $0x1;
	[dreg:$0x2] =	wrdreg s3  }
0xa9: {  	[dreg:$0x3] =	wrdreg s5  }
0xaa: {  	[dreg:$0x4] =	wrdreg $0xC0  }
0xab: {  	_ =	task [dreg:s7], $0x5FFFF  }
0xac: {  	[dreg:$0x1] =	wrdreg $0xFFFFFFFF  }
0xad: {  	[dreg:$0x0] =	wrdreg $0x60  }
0xae: {  	[dreg:$0x2] =	wrdreg s2  }
0xaf: {  	[dreg:$0x3] =	wrdreg s24  }
0xb0: {  	[dreg:$0x4] =	wrdreg $0x43000  }
0xb1: {  	[dreg:$0x5] =	wrdreg $0x9  }
0xb2: {  	_ =	task.clear_ibuf [dreg:s7], $0x6FFFF;
	_ =	strace $0x90000049  }
0xb3: {  	s29 =	simm.s32 $0x9;
	_ =	strace $0x8000004B  }
0xb4: {  	_ =	swait.ge [sflag:s29], $0x1  }
0xb5: {  	[sflag:s29] =	ssyncadd.s32 $0xFFFFFFFF  }
0xb6: {  	_ =	strace $0x9000004B  }
0xb7: {  	_ =	sfence  }
0xb8: {  	s30 =	sld [smem:$0x0];
	_ =	sdelay $0x2  }
0xb9: {  	s31 =	sshll.u32 s1, $0xD;
	s1 =	sshrl.u32 s1, $0x2  }
0xba: {  	s3 =	sand.u32 $0x4000, s31;
	s1 =	sadd.s32 s1, s30  }
0xbb: {  	s0 =	sor.u32 s3, s0;
	s1 =	sshll.u32 s1, $0x11  }
0xbc: {  	s0 =	sor.u32 s1, s0  }
0xbd: {  	s0 =	sadd.s32 $0x8F2B, s0  }
0xbe: {  	[sflag:s0] =	ssyncadd.remote.s32 $0x1  }
0xbf: {  	_ =	sfence.sel $0xFFFF  }
0xc0: {  	[dreg:$0x0] =	wrdreg $0xFFFFFFFF;
	(pc) =	sbr.abs _section_cstart, $3  }
0xc1: {  	[dreg:$0x1] =	wrdreg $0xFFFFFFFF  }
0xc2: {  	_ =	task.clear_ibuf [dreg:s7], $0x2FFFF;
	_ =	strace $0x9FFFFFFF  }
0xc3: {  	(tm) =	ssettm $0x7FFFFFFF  }
tec
execute0_lowered:
.L_overlay_start_1:
0x0: {  	(tag) =	ssettag $0x1  }
0x1: {  	s1 =	rddreg [dreg:$0x0]  }
0x2: {  	s0 =	rddreg [dreg:$0x1]  }
0x3: {  	s2 =	rddreg [dreg:$0x2];
	s3 =	simm.s32 $0x0  }
0x4: {  	s5 =	srdreg.scid;
	s10 =	stileid.u32;
	s18 =	simm.s32 $0x100  }
0x5: {  	s19 =	simm.s32 $0x80;
	s20 =	simm.s32 $0x180;
	s21 =	simm.s32 $0x40  }
0x6: {  	s28 =	simm.s32 $0x2300;
	s29 =	simm.s32 $0x5;
	s30 =	simm.s32 $0x3  }
0x7: {  	s31 =	simm.s32 $0x2;
	[smem:$0x7FF] =	sst s3;
	s7 =	smul.u32 $0xA0, s10  }
0x8: {  	s4 =	sadd.s32 $0xCA00, s0;
	s6 =	sadd.s32 $0x2A00, s0;
	s11 =	smul.u32 $0xA00, s10  }
0x9: {  	s5 =	sand.u32 $0x1, s5;
	s8 =	sadd.s32 $0x64C00, s0;
	s13 =	smul.u32 $0x13C00, s10  }
0xa: {  	s0 =	sadd.s32 $0x177800, s0;
	s16 =	smul.u32 $0x4F000, s10;
	p0 =	sne.s32 s10, $0x0  }
0xb: {  	_ =	strace $0x8000004A;
	[dreg:$0x4] =	wrdreg s8;
	s22 =	ssub.s32 $0x2, s5  }
0xc: {  	s14 =	sshll.u32 s5, $0x1;
	s15 =	smul.u32 $0x278000, s5;
	s5 =	sshllo.u32 s5, $0x1  }
0xd: {  	s9 =	sshrl.u32 s22, $0x1;
	s12 =	sadd.s32 s6, s11;
	s23 =	sor.u32 $0x10, s11  }
0xe: {  	s17 =	smul.u32 $0x13C000, s5;
	s16 =	sshrl.u32 s16, $0x2;
	s8 =	ssub.s32 s22, s9  }
0xf: {  	s9 =	sadd.s32 s4, s11;
	[dreg:$0x5] =	wrdreg s12;
	s11 =	sadd.s32 s4, s23  }
0x10: {  	s12 =	sadd.s32 s6, s23;
	s15 =	sadd.s32 s13, s15;
	s25 =	sadd.s32 s16, s2  }
0x11: {  	s22 =	simm.s32 $0x200;
	s23 =	simm.s32 $0x300;
	[dreg:$0x6] =	wrdreg s11  }
0x12: {  	s15 =	sshrl.u32 s15, $0x3;
	s13 =	sadd.s32 s13, s17;
	[dreg:$0x8] =	wrdreg s25  }
0x13: {  	s26 =	smax.u32 s8, $0x1;
	s17 =	sshrl.u32 @!p0 s2, $0x3;
	s25 =	simm.s32 $0x1  }
0x14: {  	s24 =	sadd.s32 s0, s15;
	s13 =	sshrl.u32 s13, $0x3;
	[dreg:$0xa] =	wrdreg s26  }
0x15: {  	s26 =	simm.s32 $0x280;
	[dreg:$0x7] =	wrdreg s24;
	s0 =	sadd.s32 s0, s13  }
0x16: {  	v0 =	vmov s14;
	v1 =	vmov s5;
	s24 =	simm.s32 $0x4;
	[dreg:$0x9] =	wrdreg s0;
	s0 =	simm.s32 $0x0  }
.LBB2_1:
0x17: {  	s5 =	simm.s32 @!p0 $0x1C05;
	s8 =	rddreg [dreg:$0x4]  }
0x18: {  	[spmem:s17], [sflag:s5] =	dma.local @!p0 [hbm:s8], $0x27800  }
0x19: {  	s5 =	simm.s32 @!p0 $0x5  }
0x1a: {  	_ =	swait.ge @!p0 [sflag:s5], $0x27800  }
0x1b: {  	[sflag:s5] =	ssyncset.done @!p0 $0x0  }
0x1c: {  	[sflag:s5] =	ssyncadd.s32 @!p0 $0xFFFD8800  }
0x1d: {  	[tilespmem:s3], [sflag:$0x3] =	stream.linear.gather [hbm4b:s9+s3], $0x80, $0x38;
	[tilespmem:$0x17F00] =	vst v63  }
0x1e: {  	s13 =	rddreg [dreg:$0x5]  }
0x1f: {  	[tilespmem:s18], [sflag:$0x3] =	stream.linear.gather [hbm4b:s13+s3], $0x80, $0x38;
	[tilespmem:$0x17F00] =	vst v63  }
0x20: {  	s14 =	rddreg [dreg:$0x6]  }
0x21: {  	[tilespmem:s19], [sflag:$0x4] =	stream.linear.gather [hbm4b:s14+s3], $0x80, $0x38;
	[tilespmem:$0x17F00] =	vst v63  }
0x22: {  	_ = 	snop  }
0x23: {  	[tilespmem:s20], [sflag:$0x4] =	stream.linear.gather [hbm4b:s12+s3], $0x80, $0x38;
	[tilespmem:$0x17F00] =	vst v63  }
0x24: {  	_ =	swait.ge [sflag:s30], $0x80  }
0x25: {  	[sflag:s30] =	ssyncset.done $0x0  }
0x26: {  	[sflag:s30] =	ssyncadd.s32 $0xFFFFFF80  }
0x27: {  	_ =	swait.ge [sflag:s30], $0x80  }
0x28: {  	[sflag:s30] =	ssyncset.done $0x0  }
0x29: {  	[sflag:s30] =	ssyncadd.s32 $0xFFFFFF80  }
0x2a: {  	v2 =	vld [tilespmem:$0x0]  }
0x2b: {  	v3 =	vld [tilespmem:$0x10]  }
0x2c: {  	v4 =	vld [tilespmem:$0x20]  }
0x2d: {  	v5 =	vld [tilespmem:$0x30];
	_ =	sdelay $0x1  }
0x2e: {  	v2 =	vshll.u32 v2, $0x2  }
0x2f: {  	v3 =	vshll.u32 v3, $0x2;
	v2 =	vor.u32 v0, v2  }
0x30: {  	[tilespmem:$0x200] =	vst v2;
	v2 =	vor.u32 v0, v3;
	v3 =	vshll.u32 v4, $0x2  }
0x31: {  	[tilespmem:$0x210] =	vst v2;
	v2 =	vor.u32 v0, v3;
	v3 =	vshll.u32 v5, $0x2  }
0x32: {  	[tilespmem:$0x220] =	vst v2;
	v2 =	vor.u32 v0, v3  }
0x33: {  	[tilespmem:$0x230] =	vst v2  }
0x34: {  	[tilespmem:s23], [sflag:$0x1] =	stream.indirect.gather [hbm4b:s1+s21], $0x80, s22, s21, $0xb8;
	[tilespmem:$0x17F00] =	vst v63  }
0x35: {  	[bflag:$0x0] =	sbarrier.arrive $0xFFFF  }
0x36: {  	_ =	swait.ge [sflag:s24], $0x80  }
0x37: {  	[sflag:s24] =	ssyncset.done $0x0  }
0x38: {  	[sflag:s24] =	ssyncadd.s32 $0xFFFFFF80  }
0x39: {  	_ =	swait.ge [sflag:s24], $0x80  }
0x3a: {  	[sflag:s24] =	ssyncset.done $0x0  }
0x3b: {  	[sflag:s24] =	ssyncadd.s32 $0xFFFFFF80  }
0x3c: {  	v2 =	vld [tilespmem:$0xB0]  }
0x3d: {  	v3 =	vld [tilespmem:$0xA0]  }
0x3e: {  	v4 =	vld [tilespmem:$0x90]  }
0x3f: {  	v5 =	vld [tilespmem:$0x80];
	_ =	sdelay $0x1  }
0x40: {  	v2 =	vshll.u32 v2, $0x2  }
0x41: {  	v3 =	vshll.u32 v3, $0x2;
	v2 =	vor.u32 v0, v2  }
0x42: {  	v4 =	vshll.u32 v4, $0x2;
	v3 =	vor.u32 v0, v3;
	[tilespmem:$0x2B0] =	vst v2  }
0x43: {  	v4 =	vor.u32 v0, v4;
	v2 =	vshll.u32 v5, $0x2;
	[tilespmem:$0x2A0] =	vst v3  }
0x44: {  	[tilespmem:$0x290] =	vst v4;
	v2 =	vor.u32 v0, v2  }
0x45: {  	[tilespmem:$0x280] =	vst v2  }
0x46: {  	p1 =	por $0x0, $0x0;
	s5 =	simm.s32 $0x2;
	_ =	swait.ge [sflag:s25], $0x2000  }
0x47: {  	s5 =	simm.s32 @p1 $0x0;
	[sflag:s25] =	ssyncset.done $0x0  }
0x48: {  	s15 =	sadd.s32 s7, s5;
	[sflag:s25] =	ssyncadd.s32 $0xFFFFE000  }
0x49: {  	[tilespmem:s28], [sflag:$0x2] =	stream.indirect.gather [hbm4b:s1+s21], $0x80, s26, s21, $0xb8;
	[tilespmem:$0x17F00] =	vst v63  }
0x4a: {  	s5 =	sshll.u32 s5, $0x4;
	s8 =	sshll.u32 s15, $0x4  }
0x4b: {  	[spmem:s2] =	stream.indirect.scatter.add.f32 [tilespmem:s23], [sflag:$0x5], $0x80, s18, s21, $0xb8;
	[tilespmem:$0x17F00] =	vst v63  }
0x4c: {  	s5 =	sand.u32 $0x60, s5;
	s8 =	sand.u32 $0x1FF80, s8;
	_ =	swait.ge [sflag:s29], $0x2000  }
0x4d: {  	s5 =	sor.u32 s5, s8;
	[sflag:s29] =	ssyncset.done $0x0  }
0x4e: {  	s8 =	sadd.s32 s4, s5;
	[sflag:s29] =	ssyncadd.s32 $0xFFFFE000  }
0x4f: {  	[tilespmem:s3], [sflag:$0x3] =	stream.linear.gather [hbm4b:s8+s3], $0x80, $0x38;
	[tilespmem:$0x17F00] =	vst v63  }
0x50: {  	s5 =	sadd.s32 s6, s5  }
0x51: {  	[tilespmem:s18], [sflag:$0x3] =	stream.linear.gather [hbm4b:s5+s3], $0x80, $0x38;
	[tilespmem:$0x17F00] =	vst v63  }
0x52: {  	_ =	swait.ge [sflag:s30], $0x80  }
0x53: {  	[sflag:s30] =	ssyncset.done $0x0  }
0x54: {  	[sflag:s30] =	ssyncadd.s32 $0xFFFFFF80  }
0x55: {  	_ =	swait.ge [sflag:s30], $0x80  }
0x56: {  	[sflag:s30] =	ssyncset.done $0x0  }
0x57: {  	[sflag:s30] =	ssyncadd.s32 $0xFFFFFF80  }
0x58: {  	v2 =	vld [tilespmem:$0x0]  }
0x59: {  	v3 =	vld [tilespmem:$0x10]  }
0x5a: {  	v4 =	vld [tilespmem:$0x20]  }
0x5b: {  	v5 =	vld [tilespmem:$0x30]  }
0x5c: {  	s8 =	simm.s32 $0x3  }
0x5d: {  	s8 =	simm.s32 @p1 $0x1;
	v2 =	vshll.u32 v2, $0x2  }
0x5e: {  	s16 =	sadd.s32 s7, s8;
	v3 =	vshll.u32 v3, $0x2;
	v2 =	vor.u32 v0, v2  }
0x5f: {  	s14 =	sshll.u32 s16, $0x4;
	[tilespmem:$0x200] =	vst v2;
	v2 =	vor.u32 v0, v3;
	v3 =	vshll.u32 v4, $0x2  }
0x60: {  	s5 =	simm.s32 $0x5;
	s13 =	sshll.u32 s8, $0x4;
	s14 =	sand.u32 $0x1FF80, s14;
	[tilespmem:$0x210] =	vst v2;
	v2 =	vor.u32 v0, v3;
	v3 =	vshll.u32 v5, $0x2  }
.LBB2_2:
0x61: {  	p1 =	sne.s32 s5, $0xA1;
	[tilespmem:$0x220] =	vst v2;
	v2 =	vor.u32 v0, v3;
	s15 =	smov.u32 s5;
	s5 =	sadd.s32 $0x2, s5  }
0x62: {  	[tilespmem:$0x230] =	vst v2  }
0x63: {  	_ =	swait.ge [sflag:s31], $0x2000  }
0x64: {  	[sflag:s31] =	ssyncset.done $0x0  }
0x65: {  	[sflag:s31] =	ssyncadd.s32 $0xFFFFE000  }
0x66: {  	[tilespmem:s23], [sflag:$0x1] =	stream.indirect.gather [hbm4b:s1+s21], $0x80, s22, s21, $0xb8;
	[tilespmem:$0x17F00] =	vst v63  }
0x67: {  	_ = 	snop  }
0x68: {  	[spmem:s2] =	stream.indirect.scatter.add.f32 [tilespmem:s28], [sflag:$0x5], $0x80, s20, s21, $0xb8;
	[tilespmem:$0x17F00] =	vst v63  }
0x69: {  	s8 =	sand.u32 $0x70, s13;
	_ =	swait.ge [sflag:s29], $0x2000  }
0x6a: {  	s8 =	sor.u32 s8, s14;
	[sflag:s29] =	ssyncset.done $0x0  }
0x6b: {  	s13 =	sadd.s32 s4, s8;
	[sflag:s29] =	ssyncadd.s32 $0xFFFFE000  }
0x6c: {  	[tilespmem:s19], [sflag:$0x4] =	stream.linear.gather [hbm4b:s13+s3], $0x80, $0x38;
	[tilespmem:$0x17F00] =	vst v63  }
0x6d: {  	s8 =	sadd.s32 s6, s8  }
0x6e: {  	[tilespmem:s20], [sflag:$0x4] =	stream.linear.gather [hbm4b:s8+s3], $0x80, $0x38;
	[tilespmem:$0x17F00] =	vst v63  }
0x6f: {  	_ =	swait.ge [sflag:s24], $0x80  }
0x70: {  	[sflag:s24] =	ssyncset.done $0x0  }
0x71: {  	[sflag:s24] =	ssyncadd.s32 $0xFFFFFF80  }
0x72: {  	_ =	swait.ge [sflag:s24], $0x80  }
0x73: {  	[sflag:s24] =	ssyncset.done $0x0  }
0x74: {  	[sflag:s24] =	ssyncadd.s32 $0xFFFFFF80  }
0x75: {  	v2 =	vld [tilespmem:$0xB0]  }
0x76: {  	v3 =	vld [tilespmem:$0xA0]  }
0x77: {  	v4 =	vld [tilespmem:$0x90]  }
0x78: {  	v5 =	vld [tilespmem:$0x80];
	_ =	sdelay $0x1  }
0x79: {  	v2 =	vshll.u32 v2, $0x2  }
0x7a: {  	p2 =	seq.s32 s15, $0xA1;
	s8 =	sadd.s32 $0xFFFFFFFF, s15;
	v3 =	vshll.u32 v3, $0x2;
	v2 =	vor.u32 v0, v2  }
0x7b: {  	s15 =	simm.s32 @p2 $0x1;
	s8 =	simm.s32 @p2 $0x0;
	v4 =	vshll.u32 v4, $0x2;
	v3 =	vor.u32 v0, v3;
	[tilespmem:$0x2B0] =	vst v2  }
0x7c: {  	s14 =	sadd.s32 s7, s15;
	s13 =	sshll.u32 s15, $0x4;
	v2 =	vshll.u32 v5, $0x2;
	v4 =	vor.u32 v0, v4;
	[tilespmem:$0x2A0] =	vst v3  }
0x7d: {  	s15 =	sadd.s32 s7, s8;
	s8 =	sshll.u32 s8, $0x4;
	s14 =	sshll.u32 s14, $0x4;
	v2 =	vor.u32 v0, v2;
	[tilespmem:$0x290] =	vst v4  }
0x7e: {  	s14 =	sand.u32 $0x1FF80, s14;
	[tilespmem:$0x280] =	vst v2  }
0x7f: {  	s15 =	sshll.u32 s15, $0x4;
	_ =	swait.ge [sflag:s25], $0x2000  }
0x80: {  	s8 =	sand.u32 $0x60, s8;
	s15 =	sand.u32 $0x1FF80, s15;
	[sflag:s25] =	ssyncset.done $0x0  }
0x81: {  	s8 =	sor.u32 s8, s15;
	[sflag:s25] =	ssyncadd.s32 $0xFFFFE000  }
0x82: {  	[tilespmem:s28], [sflag:$0x2] =	stream.indirect.gather [hbm4b:s1+s21], $0x80, s26, s21, $0xb8;
	[tilespmem:$0x17F00] =	vst v63  }
0x83: {  	_ = 	snop  }
0x84: {  	[spmem:s2] =	stream.indirect.scatter.add.f32 [tilespmem:s23], [sflag:$0x5], $0x80, s18, s21, $0xb8;
	[tilespmem:$0x17F00] =	vst v63  }
0x85: {  	_ =	swait.ge [sflag:s29], $0x2000  }
0x86: {  	[sflag:s29] =	ssyncset.done $0x0  }
0x87: {  	s15 =	sadd.s32 s4, s8;
	[sflag:s29] =	ssyncadd.s32 $0xFFFFE000  }
0x88: {  	[tilespmem:s3], [sflag:$0x3] =	stream.linear.gather [hbm4b:s15+s3], $0x80, $0x38;
	[tilespmem:$0x17F00] =	vst v63  }
0x89: {  	s8 =	sadd.s32 s6, s8  }
0x8a: {  	[tilespmem:s18], [sflag:$0x3] =	stream.linear.gather [hbm4b:s8+s3], $0x80, $0x38;
	[tilespmem:$0x17F00] =	vst v63  }
0x8b: {  	_ =	swait.ge [sflag:s30], $0x80  }
0x8c: {  	[sflag:s30] =	ssyncset.done $0x0  }
0x8d: {  	[sflag:s30] =	ssyncadd.s32 $0xFFFFFF80  }
0x8e: {  	_ =	swait.ge [sflag:s30], $0x80  }
0x8f: {  	[sflag:s30] =	ssyncset.done $0x0  }
0x90: {  	[sflag:s30] =	ssyncadd.s32 $0xFFFFFF80  }
0x91: {  	v2 =	vld [tilespmem:$0x0]  }
0x92: {  	v3 =	vld [tilespmem:$0x10]  }
0x93: {  	v4 =	vld [tilespmem:$0x20]  }
0x94: {  	v5 =	vld [tilespmem:$0x30]  }
.Ltmp0:
0x95: {  	(pc) =	sbr.rel @p1 .LBB2_2-.Ltmp0, $4  }
0x96: {  	v2 =	vshll.u32 v2, $0x2  }
0x97: {  	v2 =	vor.u32 v0, v2;
	v3 =	vshll.u32 v3, $0x2  }
0x98: {  	[tilespmem:$0x200] =	vst v2;
	v2 =	vor.u32 v0, v3;
	v3 =	vshll.u32 v4, $0x2  }
0x99: {  	[tilespmem:$0x210] =	vst v2;
	v2 =	vor.u32 v0, v3;
	v3 =	vshll.u32 v5, $0x2  }
0x9a: {  	[tilespmem:$0x220] =	vst v2;
	v2 =	vor.u32 v0, v3  }
0x9b: {  	[tilespmem:$0x230] =	vst v2  }
0x9c: {  	_ =	swait.ge [sflag:s31], $0x2000  }
0x9d: {  	[sflag:s31] =	ssyncset.done $0x0  }
0x9e: {  	[sflag:s31] =	ssyncadd.s32 $0xFFFFE000  }
0x9f: {  	[tilespmem:s23], [sflag:$0x1] =	stream.indirect.gather [hbm4b:s1+s21], $0x80, s22, s21, $0xb8;
	[tilespmem:$0x17F00] =	vst v63  }
0xa0: {  	_ = 	snop  }
0xa1: {  	[spmem:s2] =	stream.indirect.scatter.add.f32 [tilespmem:s28], [sflag:$0x5], $0x80, s20, s21, $0xb8;
	[tilespmem:$0x17F00] =	vst v63  }
0xa2: {  	s5 =	sand.u32 $0x70, s13;
	_ =	swait.ge [sflag:s29], $0x2000  }
0xa3: {  	s5 =	sor.u32 s5, s14;
	[sflag:s29] =	ssyncset.done $0x0  }
0xa4: {  	s8 =	sadd.s32 s4, s5;
	[sflag:s29] =	ssyncadd.s32 $0xFFFFE000  }
0xa5: {  	[tilespmem:s19], [sflag:$0x4] =	stream.linear.gather [hbm4b:s8+s3], $0x80, $0x38;
	[tilespmem:$0x17F00] =	vst v63  }
0xa6: {  	s5 =	sadd.s32 s6, s5  }
0xa7: {  	[tilespmem:s20], [sflag:$0x4] =	stream.linear.gather [hbm4b:s5+s3], $0x80, $0x38;
	[tilespmem:$0x17F00] =	vst v63  }
0xa8: {  	_ =	swait.ge [sflag:s25], $0x2000  }
0xa9: {  	[sflag:s25] =	ssyncset.done $0x0  }
0xaa: {  	[sflag:s25] =	ssyncadd.s32 $0xFFFFE000  }
0xab: {  	_ =	swait.ge [sflag:s24], $0x80  }
0xac: {  	[sflag:s24] =	ssyncset.done $0x0  }
0xad: {  	[sflag:s24] =	ssyncadd.s32 $0xFFFFFF80  }
0xae: {  	_ =	swait.ge [sflag:s24], $0x80  }
0xaf: {  	[sflag:s24] =	ssyncset.done $0x0  }
0xb0: {  	[sflag:s24] =	ssyncadd.s32 $0xFFFFFF80  }
0xb1: {  	s13 =	stileid.u32;
	[bflag:$0x0] =	sbarrier.arrive $0xFFFF  }
0xb2: {  	s5 =	sshll.u32 s13, $0x6;
	s14 =	rddreg [dreg:$0x8]  }
0xb3: {  	s5 =	sor.u32 $0x1C05, s5;
	s15 =	rddreg [dreg:$0x7];
	s13 =	sshrl.u32 s14, $0x3  }
0xb4: {  	[hbm:s15], [sflag:s5] =	dma.local [spmem:s13], $0x2780  }
0xb5: {  	_ =	swait.ge [sflag:s29], $0x2780  }
0xb6: {  	[sflag:s29] =	ssyncset.done $0x0  }
0xb7: {  	[sflag:s29] =	ssyncadd.s32 $0xFFFFD880  }
0xb8: {  	[bflag:$0x0] =	sbarrier.arrive $0xFFFF  }
0xb9: {  	s8 =	rddreg [dreg:$0x4]  }
0xba: {  	[spmem:s17], [sflag:s5] =	dma.local @!p0 [hbm:s8], $0x27800  }
0xbb: {  	s8 =	simm.s32 @!p0 $0x5  }
0xbc: {  	_ =	swait.ge @!p0 [sflag:s8], $0x27800  }
0xbd: {  	[sflag:s8] =	ssyncset.done @!p0 $0x0  }
0xbe: {  	[sflag:s8] =	ssyncadd.s32 @!p0 $0xFFFD8800  }
0xbf: {  	[tilespmem:s3], [sflag:$0x3] =	stream.linear.gather [hbm4b:s9+s3], $0x80, $0x38;
	[tilespmem:$0x17F00] =	vst v63  }
0xc0: {  	s16 =	rddreg [dreg:$0x5]  }
0xc1: {  	[tilespmem:s18], [sflag:$0x3] =	stream.linear.gather [hbm4b:s16+s3], $0x80, $0x38;
	[tilespmem:$0x17F00] =	vst v63  }
0xc2: {  	s11 =	smov.u32 s9;
	s9 =	rddreg [dreg:$0x6]  }
0xc3: {  	[tilespmem:s19], [sflag:$0x4] =	stream.linear.gather [hbm4b:s9+s3], $0x80, $0x38;
	[tilespmem:$0x17F00] =	vst v63  }
0xc4: {  	s15 =	simm.s32 $0x3  }
0xc5: {  	[tilespmem:s20], [sflag:$0x4] =	stream.linear.gather [hbm4b:s12+s3], $0x80, $0x38;
	[tilespmem:$0x17F00] =	vst v63  }
0xc6: {  	_ =	swait.ge [sflag:s15], $0x80  }
0xc7: {  	[sflag:s15] =	ssyncset.done $0x0  }
0xc8: {  	[sflag:s15] =	ssyncadd.s32 $0xFFFFFF80  }
0xc9: {  	_ =	swait.ge [sflag:s15], $0x80  }
0xca: {  	[sflag:s15] =	ssyncset.done $0x0  }
0xcb: {  	[sflag:s15] =	ssyncadd.s32 $0xFFFFFF80  }
0xcc: {  	v2 =	vld [tilespmem:$0x0]  }
0xcd: {  	v3 =	vld [tilespmem:$0x10]  }
0xce: {  	v4 =	vld [tilespmem:$0x20]  }
0xcf: {  	v5 =	vld [tilespmem:$0x30];
	_ =	sdelay $0x1  }
0xd0: {  	v2 =	vshll.u32 v2, $0x2  }
0xd1: {  	v3 =	vshll.u32 v3, $0x2;
	v2 =	vor.u32 v1, v2  }
0xd2: {  	[tilespmem:$0x200] =	vst v2;
	v2 =	vor.u32 v1, v3;
	v3 =	vshll.u32 v4, $0x2  }
0xd3: {  	[tilespmem:$0x210] =	vst v2;
	v2 =	vor.u32 v1, v3;
	v3 =	vshll.u32 v5, $0x2  }
0xd4: {  	[tilespmem:$0x220] =	vst v2;
	v2 =	vor.u32 v1, v3  }
0xd5: {  	[tilespmem:$0x230] =	vst v2  }
0xd6: {  	[tilespmem:s23], [sflag:$0x1] =	stream.indirect.gather [hbm4b:s1+s21], $0x80, s22, s21, $0xb8;
	[tilespmem:$0x17F00] =	vst v63  }
0xd7: {  	[bflag:$0x0] =	sbarrier.arrive $0xFFFF  }
0xd8: {  	_ =	swait.ge [sflag:s24], $0x80  }
0xd9: {  	[sflag:s24] =	ssyncset.done $0x0  }
0xda: {  	[sflag:s24] =	ssyncadd.s32 $0xFFFFFF80  }
0xdb: {  	_ =	swait.ge [sflag:s24], $0x80  }
0xdc: {  	[sflag:s24] =	ssyncset.done $0x0  }
0xdd: {  	[sflag:s24] =	ssyncadd.s32 $0xFFFFFF80  }
0xde: {  	v2 =	vld [tilespmem:$0xB0]  }
0xdf: {  	v3 =	vld [tilespmem:$0xA0]  }
0xe0: {  	v4 =	vld [tilespmem:$0x90]  }
0xe1: {  	v5 =	vld [tilespmem:$0x80];
	_ =	sdelay $0x1  }
0xe2: {  	v2 =	vshll.u32 v2, $0x2  }
0xe3: {  	v3 =	vshll.u32 v3, $0x2;
	v2 =	vor.u32 v1, v2  }
0xe4: {  	v4 =	vshll.u32 v4, $0x2;
	v3 =	vor.u32 v1, v3;
	[tilespmem:$0x2B0] =	vst v2  }
0xe5: {  	v4 =	vor.u32 v1, v4;
	v2 =	vshll.u32 v5, $0x2;
	[tilespmem:$0x2A0] =	vst v3  }
0xe6: {  	[tilespmem:$0x290] =	vst v4;
	v2 =	vor.u32 v1, v2  }
0xe7: {  	[tilespmem:$0x280] =	vst v2  }
0xe8: {  	p1 =	por $0x0, $0x0;
	s8 =	simm.s32 $0x2;
	_ =	swait.ge [sflag:s25], $0x2000  }
0xe9: {  	s8 =	simm.s32 @p1 $0x0;
	[sflag:s25] =	ssyncset.done $0x0  }
0xea: {  	s10 =	sadd.s32 s7, s8;
	[sflag:s25] =	ssyncadd.s32 $0xFFFFE000  }
0xeb: {  	[tilespmem:s28], [sflag:$0x2] =	stream.indirect.gather [hbm4b:s1+s21], $0x80, s26, s21, $0xb8;
	[tilespmem:$0x17F00] =	vst v63  }
0xec: {  	s8 =	sshll.u32 s8, $0x4;
	s14 =	sshll.u32 s10, $0x4  }
0xed: {  	[spmem:s2] =	stream.indirect.scatter.add.f32 [tilespmem:s23], [sflag:$0x5], $0x80, s18, s21, $0xb8;
	[tilespmem:$0x17F00] =	vst v63  }
0xee: {  	s8 =	sand.u32 $0x60, s8;
	s14 =	sand.u32 $0x1FF80, s14;
	_ =	swait.ge [sflag:s29], $0x2000  }
0xef: {  	s8 =	sor.u32 s8, s14;
	[sflag:s29] =	ssyncset.done $0x0  }
0xf0: {  	s14 =	sadd.s32 s4, s8;
	[sflag:s29] =	ssyncadd.s32 $0xFFFFE000  }
0xf1: {  	[tilespmem:s3], [sflag:$0x3] =	stream.linear.gather [hbm4b:s14+s3], $0x80, $0x38;
	[tilespmem:$0x17F00] =	vst v63  }
0xf2: {  	s8 =	sadd.s32 s6, s8  }
0xf3: {  	[tilespmem:s18], [sflag:$0x3] =	stream.linear.gather [hbm4b:s8+s3], $0x80, $0x38;
	[tilespmem:$0x17F00] =	vst v63  }
0xf4: {  	_ =	swait.ge [sflag:s30], $0x80  }
0xf5: {  	[sflag:s30] =	ssyncset.done $0x0  }
0xf6: {  	[sflag:s30] =	ssyncadd.s32 $0xFFFFFF80  }
0xf7: {  	_ =	swait.ge [sflag:s30], $0x80  }
0xf8: {  	[sflag:s30] =	ssyncset.done $0x0  }
0xf9: {  	[sflag:s30] =	ssyncadd.s32 $0xFFFFFF80  }
0xfa: {  	v2 =	vld [tilespmem:$0x0]  }
0xfb: {  	v3 =	vld [tilespmem:$0x10]  }
0xfc: {  	v4 =	vld [tilespmem:$0x20]  }
0xfd: {  	v5 =	vld [tilespmem:$0x30];
	_ =	sdelay $0x1  }
0xfe: {  	s15 =	simm.s32 @p1 $0x1;
	v2 =	vshll.u32 v2, $0x2  }
0xff: {  	s16 =	sadd.s32 s7, s15;
	v3 =	vshll.u32 v3, $0x2;
	v2 =	vor.u32 v1, v2  }
0x100: {  	s8 =	sshll.u32 s16, $0x4;
	[tilespmem:$0x200] =	vst v2;
	v2 =	vor.u32 v1, v3;
	v3 =	vshll.u32 v4, $0x2  }
0x101: {  	s15 =	sshll.u32 s15, $0x4;
	s14 =	simm.s32 $0x5;
	s16 =	sand.u32 $0x1FF80, s8;
	[tilespmem:$0x210] =	vst v2;
	v2 =	vor.u32 v1, v3;
	v3 =	vshll.u32 v5, $0x2  }
.LBB2_4:
0x102: {  	p1 =	sne.s32 s14, $0xA1;
	[tilespmem:$0x220] =	vst v2;
	v2 =	vor.u32 v1, v3;
	s8 =	smov.u32 s14;
	s14 =	sadd.s32 $0x2, s14  }
0x103: {  	[tilespmem:$0x230] =	vst v2  }
0x104: {  	_ =	swait.ge [sflag:s31], $0x2000  }
0x105: {  	[sflag:s31] =	ssyncset.done $0x0  }
0x106: {  	[sflag:s31] =	ssyncadd.s32 $0xFFFFE000  }
0x107: {  	[tilespmem:s23], [sflag:$0x1] =	stream.indirect.gather [hbm4b:s1+s21], $0x80, s22, s21, $0xb8;
	[tilespmem:$0x17F00] =	vst v63  }
0x108: {  	_ = 	snop  }
0x109: {  	[spmem:s2] =	stream.indirect.scatter.add.f32 [tilespmem:s28], [sflag:$0x5], $0x80, s20, s21, $0xb8;
	[tilespmem:$0x17F00] =	vst v63  }
0x10a: {  	s15 =	sand.u32 $0x70, s15;
	_ =	swait.ge [sflag:s29], $0x2000  }
0x10b: {  	s15 =	sor.u32 s15, s16;
	[sflag:s29] =	ssyncset.done $0x0  }
0x10c: {  	s16 =	sadd.s32 s4, s15;
	[sflag:s29] =	ssyncadd.s32 $0xFFFFE000  }
0x10d: {  	[tilespmem:s19], [sflag:$0x4] =	stream.linear.gather [hbm4b:s16+s3], $0x80, $0x38;
	[tilespmem:$0x17F00] =	vst v63  }
0x10e: {  	s15 =	sadd.s32 s6, s15  }
0x10f: {  	[tilespmem:s20], [sflag:$0x4] =	stream.linear.gather [hbm4b:s15+s3], $0x80, $0x38;
	[tilespmem:$0x17F00] =	vst v63  }
0x110: {  	_ =	swait.ge [sflag:s24], $0x80  }
0x111: {  	[sflag:s24] =	ssyncset.done $0x0  }
0x112: {  	[sflag:s24] =	ssyncadd.s32 $0xFFFFFF80  }
0x113: {  	_ =	swait.ge [sflag:s24], $0x80  }
0x114: {  	[sflag:s24] =	ssyncset.done $0x0  }
0x115: {  	[sflag:s24] =	ssyncadd.s32 $0xFFFFFF80  }
0x116: {  	v2 =	vld [tilespmem:$0xB0]  }
0x117: {  	v3 =	vld [tilespmem:$0xA0]  }
0x118: {  	v4 =	vld [tilespmem:$0x90]  }
0x119: {  	v5 =	vld [tilespmem:$0x80];
	_ =	sdelay $0x1  }
0x11a: {  	v2 =	vshll.u32 v2, $0x2  }
0x11b: {  	p2 =	seq.s32 s8, $0xA1;
	s16 =	sadd.s32 $0xFFFFFFFF, s8;
	v3 =	vshll.u32 v3, $0x2;
	v2 =	vor.u32 v1, v2  }
0x11c: {  	s8 =	simm.s32 @p2 $0x1;
	s16 =	simm.s32 @p2 $0x0;
	v4 =	vshll.u32 v4, $0x2;
	v3 =	vor.u32 v1, v3;
	[tilespmem:$0x2B0] =	vst v2  }
0x11d: {  	s9 =	sadd.s32 s7, s8;
	s15 =	sshll.u32 s8, $0x4;
	v2 =	vshll.u32 v5, $0x2;
	v4 =	vor.u32 v1, v4;
	[tilespmem:$0x2A0] =	vst v3  }
0x11e: {  	s8 =	sadd.s32 s7, s16;
	s10 =	sshll.u32 s16, $0x4;
	s9 =	sshll.u32 s9, $0x4;
	v2 =	vor.u32 v1, v2;
	[tilespmem:$0x290] =	vst v4  }
0x11f: {  	s16 =	sand.u32 $0x1FF80, s9;
	[tilespmem:$0x280] =	vst v2  }
0x120: {  	s8 =	sshll.u32 s8, $0x4;
	_ =	swait.ge [sflag:s25], $0x2000  }
0x121: {  	s9 =	sand.u32 $0x60, s10;
	s8 =	sand.u32 $0x1FF80, s8;
	[sflag:s25] =	ssyncset.done $0x0  }
0x122: {  	s8 =	sor.u32 s9, s8;
	[sflag:s25] =	ssyncadd.s32 $0xFFFFE000  }
0x123: {  	[tilespmem:s28], [sflag:$0x2] =	stream.indirect.gather [hbm4b:s1+s21], $0x80, s26, s21, $0xb8;
	[tilespmem:$0x17F00] =	vst v63  }
0x124: {  	_ = 	snop  }
0x125: {  	[spmem:s2] =	stream.indirect.scatter.add.f32 [tilespmem:s23], [sflag:$0x5], $0x80, s18, s21, $0xb8;
	[tilespmem:$0x17F00] =	vst v63  }
0x126: {  	_ =	swait.ge [sflag:s29], $0x2000  }
0x127: {  	[sflag:s29] =	ssyncset.done $0x0  }
0x128: {  	s9 =	sadd.s32 s4, s8;
	[sflag:s29] =	ssyncadd.s32 $0xFFFFE000  }
0x129: {  	[tilespmem:s3], [sflag:$0x3] =	stream.linear.gather [hbm4b:s9+s3], $0x80, $0x38;
	[tilespmem:$0x17F00] =	vst v63  }
0x12a: {  	s8 =	sadd.s32 s6, s8  }
0x12b: {  	[tilespmem:s18], [sflag:$0x3] =	stream.linear.gather [hbm4b:s8+s3], $0x80, $0x38;
	[tilespmem:$0x17F00] =	vst v63  }
0x12c: {  	_ =	swait.ge [sflag:s30], $0x80  }
0x12d: {  	[sflag:s30] =	ssyncset.done $0x0  }
0x12e: {  	[sflag:s30] =	ssyncadd.s32 $0xFFFFFF80  }
0x12f: {  	_ =	swait.ge [sflag:s30], $0x80  }
0x130: {  	[sflag:s30] =	ssyncset.done $0x0  }
0x131: {  	[sflag:s30] =	ssyncadd.s32 $0xFFFFFF80  }
0x132: {  	v2 =	vld [tilespmem:$0x0]  }
0x133: {  	v3 =	vld [tilespmem:$0x10]  }
0x134: {  	v4 =	vld [tilespmem:$0x20]  }
0x135: {  	v5 =	vld [tilespmem:$0x30]  }
.Ltmp1:
0x136: {  	(pc) =	sbr.rel @p1 .LBB2_4-.Ltmp1, $4  }
0x137: {  	v2 =	vshll.u32 v2, $0x2  }
0x138: {  	v2 =	vor.u32 v1, v2;
	v3 =	vshll.u32 v3, $0x2  }
0x139: {  	[tilespmem:$0x200] =	vst v2;
	v2 =	vor.u32 v1, v3;
	v3 =	vshll.u32 v4, $0x2  }
0x13a: {  	[tilespmem:$0x210] =	vst v2;
	v2 =	vor.u32 v1, v3;
	v3 =	vshll.u32 v5, $0x2  }
0x13b: {  	[tilespmem:$0x220] =	vst v2;
	v2 =	vor.u32 v1, v3  }
0x13c: {  	[tilespmem:$0x230] =	vst v2  }
0x13d: {  	_ =	swait.ge [sflag:s31], $0x2000  }
0x13e: {  	[sflag:s31] =	ssyncset.done $0x0  }
0x13f: {  	[sflag:s31] =	ssyncadd.s32 $0xFFFFE000  }
0x140: {  	[tilespmem:s23], [sflag:$0x1] =	stream.indirect.gather [hbm4b:s1+s21], $0x80, s22, s21, $0xb8;
	[tilespmem:$0x17F00] =	vst v63  }
0x141: {  	_ = 	snop  }
0x142: {  	[spmem:s2] =	stream.indirect.scatter.add.f32 [tilespmem:s28], [sflag:$0x5], $0x80, s20, s21, $0xb8;
	[tilespmem:$0x17F00] =	vst v63  }
0x143: {  	s8 =	sand.u32 $0x70, s15;
	_ =	swait.ge [sflag:s29], $0x2000  }
0x144: {  	s8 =	sor.u32 s8, s16;
	[sflag:s29] =	ssyncset.done $0x0  }
0x145: {  	s9 =	sadd.s32 s4, s8;
	[sflag:s29] =	ssyncadd.s32 $0xFFFFE000  }
0x146: {  	[tilespmem:s19], [sflag:$0x4] =	stream.linear.gather [hbm4b:s9+s3], $0x80, $0x38;
	[tilespmem:$0x17F00] =	vst v63  }
0x147: {  	s8 =	sadd.s32 s6, s8  }
0x148: {  	[tilespmem:s20], [sflag:$0x4] =	stream.linear.gather [hbm4b:s8+s3], $0x80, $0x38;
	[tilespmem:$0x17F00] =	vst v63  }
0x149: {  	_ =	swait.ge [sflag:s25], $0x2000  }
0x14a: {  	[sflag:s25] =	ssyncset.done $0x0  }
0x14b: {  	[sflag:s25] =	ssyncadd.s32 $0xFFFFE000  }
0x14c: {  	_ =	swait.ge [sflag:s24], $0x80  }
0x14d: {  	[sflag:s24] =	ssyncset.done $0x0  }
0x14e: {  	[sflag:s24] =	ssyncadd.s32 $0xFFFFFF80  }
0x14f: {  	_ =	swait.ge [sflag:s24], $0x80  }
0x150: {  	[sflag:s24] =	ssyncset.done $0x0  }
0x151: {  	[sflag:s24] =	ssyncadd.s32 $0xFFFFFF80  }
0x152: {  	[bflag:$0x0] =	sbarrier.arrive $0xFFFF  }
0x153: {  	s15 =	rddreg [dreg:$0x9]  }
0x154: {  	[hbm:s15], [sflag:s5] =	dma.local [spmem:s13], $0x2780  }
0x155: {  	_ =	swait.ge [sflag:s29], $0x2780  }
0x156: {  	s0 =	sadd.s32 $0x1, s0;
	s16 =	rddreg [dreg:$0xa]  }
0x157: {  	p1 =	sne.s32 s0, s16  }
.Ltmp2:
0x158: {  	_ = 	snop;
	(pc) =	sbr.rel @p1 .LBB2_1-.Ltmp2, $4  }
0x159: {  	[sflag:s29] =	ssyncset.done $0x0  }
0x15a: {  	[sflag:s29] =	ssyncadd.s32 $0xFFFFD880  }
0x15b: {  	[bflag:$0x0] =	sbarrier.arrive $0xFFFF  }
0x15c: {  	s9 =	smov.u32 s11  }
0x15d: {  	_ =	sfence.sel $0x180000  }
0x15e: {  	[bflag:$0x0] =	sbarrier.arrive $0xFFFF  }
0x15f: {  	_ =	strace $0x9000004A  }
0x160: {  	[bflag:$0x2] =	sbarrier.arrive $0xFFFF  }
0x161: {  	s0 =	rddreg [dreg:$0x3]  }
0x162: {  	s0 =	sadd.s32 @!p0 $0x100000, s0  }
0x163: {  	[sflag:s0] =	ssyncadd.tile.s32 @!p0 $0x1;
	_ =	shalt  }
.Lfunc_end2:
_tile_overlayer_lowered:
.L_overlay_start_2:
0x164: {  	(tag) =	ssettag $0x2  }
0x165: {  	s0 =	rddreg [dreg:$0x0];
	s2 =	stileid.u32  }
0x166: {  	s1 =	rddreg [dreg:$0x1];
	p0 =	sne.s32 s2, $0x0  }
0x167: {  	s3 =	rddreg [dreg:$0x2];
	[bflag:$0x3] =	sbarrier.arrive $0xFFFF;
	s2 =	simm.s32 @!p0 $0x1C05  }
0x168: {  	[timem:s3], [sflag:s2] =	dma.local @!p0 [hbm:s0], s1  }
0x169: {  	s0 =	simm.s32 @!p0 $0x5  }
0x16a: {  	_ =	swait.ge @!p0 [sflag:s0], s1  }
0x16b: {  	s1 =	ssub.s32 @!p0 $0x0, s1;
	[sflag:s0] =	ssyncset.done @!p0 $0x0  }
0x16c: {  	[sflag:s0] =	ssyncadd.s32 @!p0 s1  }
0x16d: {  	[bflag:$0x3] =	sbarrier.arrive $0xFFFF  }
0x16e: {  	_ =	shalt  }

</sc_bundles>
